<compile_context>
chip_gen: v7x
topology: tpu7x:2x2x1
jax: 0.10.2.dev20260603
libtpu: 0.0.44.dev20260713+nightly
codegen_flags: <defaults>
</compile_context>

<pallas_src>
import jax
import jax.numpy as jnp
from jax import lax
from jax.experimental import pallas as pl
from jax.experimental.pallas import tpu as pltpu
from jax.experimental.pallas import tpu_sc as plsc

N_NODES = 10000
D_FEAT = 128
N_EDGES = 320000
D_PACK = D_FEAT // 2

NC = 2
NS = 16
FS = 8
PW = D_PACK // FS
NSHARD = NS // FS
E_PER_SC = N_EDGES // NC
E_PER_SHARD = E_PER_SC // NSHARD
BATCH_E = 4000
ROW_E = 2000
RPB = BATCH_E // ROW_E
NBATCH = E_PER_SHARD // BATCH_E
NPAIR = NBATCH // 2
NGROUP = ROW_E // 16
NROWS = NSHARD * NBATCH * RPB
ROWS_PER_TILE = NROWS // NS
LANES = 16
LO_MASK = 0xFFFF


def _sc_body(hpt_hbm, idx_hbm, rid_hbm, out_hbm,
             t0, t1, t2, t3, t4, t5, t6, t7,
             ib0, ib1, pb0, pb1, rid_v, stage_v, acc_sh,
             sem_i0, sem_i1, sem_a0, sem_a1):
    cid = lax.axis_index("c")
    sid = lax.axis_index("s")
    fs = sid % FS
    shard = sid // FS
    tabs = (t0, t1, t2, t3, t4, t5, t6, t7)

    for kk in range(PW):
        pltpu.sync_copy(hpt_hbm.at[fs, kk], tabs[kk])
    pltpu.sync_copy(rid_hbm, rid_v)

    def zrow(r, carry):
        def zcol(i, carry2):
            stage_v[r, pl.ds(i * LANES, LANES)] = jnp.zeros((LANES,), jnp.float32)
            return carry2
        lax.fori_loop(0, ROW_E // LANES, zcol, 0, unroll=False)
        return carry
    lax.fori_loop(0, ROWS_PER_TILE, zrow, 0, unroll=False)
    pltpu.sync_copy(stage_v, acc_sh.at[pl.ds(sid * ROWS_PER_TILE, ROWS_PER_TILE)])

    plsc.subcore_barrier()

    ibufs = ((ib0, sem_i0), (ib1, sem_i1))
    pbufs = ((pb0, sem_a0), (pb1, sem_a1))

    def issue_idx(b, k):
        ib, si = ibufs[k]
        pltpu.async_copy(idx_hbm.at[cid, shard, b], ib, si)

    def wait_idx(k):
        ib, si = ibufs[k]
        pltpu.make_async_copy(idx_hbm.at[0, 0, 0], ib, si).wait()

    def issue_add(b, k):
        pb, sa = pbufs[k]
        pltpu.async_copy(pb, acc_sh.at[rid_v.at[shard * NBATCH + b]], sa, add=True)

    def wait_add(k):
        pb, sa = pbufs[k]
        pltpu.make_async_copy(pb, acc_sh.at[rid_v.at[0]], sa).wait()

    def compute(k):
        ib = ibufs[k][0]
        pb = pbufs[k][0]

        @plsc.parallel_loop(0, NGROUP, step=1, unroll=5)
        def _(g):
            sw = ib[0, pl.ds(g * LANES, LANES)]
            dw = ib[1, pl.ds(g * LANES, LANES)]
            su0 = sw & LO_MASK
            su1 = lax.shift_right_logical(sw, 16)
            dv0 = dw & LO_MASK
            dv1 = lax.shift_right_logical(dw, 16)
            a00 = jnp.zeros((LANES,), jnp.float32)
            a01 = jnp.zeros((LANES,), jnp.float32)
            a10 = jnp.zeros((LANES,), jnp.float32)
            a11 = jnp.zeros((LANES,), jnp.float32)
            for kk in range(PW):
                pu0 = plsc.load_gather(tabs[kk], [su0])
                pv0 = plsc.load_gather(tabs[kk], [dv0])
                pu1 = plsc.load_gather(tabs[kk], [su1])
                pv1 = plsc.load_gather(tabs[kk], [dv1])
                a00 = a00 + (plsc.bitcast(lax.shift_left(pu0, 16), jnp.float32)
                             * plsc.bitcast(lax.shift_left(pv0, 16), jnp.float32))
                a01 = a01 + (plsc.bitcast(pu0, jnp.float32)
                             * plsc.bitcast(pv0, jnp.float32))
                a10 = a10 + (plsc.bitcast(lax.shift_left(pu1, 16), jnp.float32)
                             * plsc.bitcast(lax.shift_left(pv1, 16), jnp.float32))
                a11 = a11 + (plsc.bitcast(pu1, jnp.float32)
                             * plsc.bitcast(pv1, jnp.float32))
            pb[0, pl.ds(g * LANES, LANES)] = a00 + a01
            pb[1, pl.ds(g * LANES, LANES)] = a10 + a11

    issue_idx(0, 0)

    def pair_body(p, carry):
        b0 = 2 * p
        issue_idx(b0 + 1, 1)
        wait_idx(0)

        @pl.when(p >= 1)
        def _():
            wait_add(0)

        compute(0)
        issue_add(b0, 0)

        @pl.when(p <= NPAIR - 2)
        def _():
            issue_idx(b0 + 2, 0)

        wait_idx(1)

        @pl.when(p >= 1)
        def _():
            wait_add(1)

        compute(1)
        issue_add(b0 + 1, 1)
        return carry

    lax.fori_loop(0, NPAIR, pair_body, 0, unroll=False)
    wait_add(0)
    wait_add(1)

    plsc.subcore_barrier()

    pltpu.sync_copy(acc_sh.at[pl.ds(sid * ROWS_PER_TILE, ROWS_PER_TILE)], stage_v)
    pltpu.sync_copy(stage_v, out_hbm.at[cid, pl.ds(sid * ROWS_PER_TILE, ROWS_PER_TILE)])


@jax.jit
def kernel(h, edge_index):
    hp = lax.bitcast_convert_type(
        h.astype(jnp.bfloat16).reshape(N_NODES, D_PACK, 2), jnp.int32)
    hpt = hp.reshape(N_NODES, FS, PW).transpose(1, 2, 0)
    ei = edge_index.astype(jnp.int32)
    halves = jnp.stack([ei[0], ei[1]], axis=0).reshape(
        2, NC, NSHARD, NBATCH, RPB, ROW_E)
    packed = halves[:, :, :, :, 0, :] | (halves[:, :, :, :, 1, :] << 16)
    idx = jnp.moveaxis(packed, 0, 3)
    rowids = jnp.arange(NROWS, dtype=jnp.int32).reshape(NSHARD * NBATCH, RPB)
    mesh = plsc.VectorSubcoreMesh(core_axis_name="c", subcore_axis_name="s")
    run = pl.kernel(
        _sc_body,
        out_type=jax.ShapeDtypeStruct((NC, NROWS, ROW_E), jnp.float32),
        mesh=mesh,
        compiler_params=pltpu.CompilerParams(needs_layout_passes=False,
                                             use_tc_tiling_on_sc=False),
        scratch_types=(
            [pltpu.VMEM((N_NODES,), jnp.int32) for _ in range(PW)] +
            [
                pltpu.VMEM((2, ROW_E), jnp.int32),
                pltpu.VMEM((2, ROW_E), jnp.int32),
                pltpu.VMEM((RPB, ROW_E), jnp.float32),
                pltpu.VMEM((RPB, ROW_E), jnp.float32),
                pltpu.VMEM((NSHARD * NBATCH, RPB), jnp.int32),
                pltpu.VMEM((ROWS_PER_TILE, ROW_E), jnp.float32),
                pltpu.VMEM_SHARED((NROWS, ROW_E), jnp.float32),
                pltpu.SemaphoreType.DMA,
                pltpu.SemaphoreType.DMA,
                pltpu.SemaphoreType.DMA,
                pltpu.SemaphoreType.DMA,
            ]
        ),
    )
    out = run(hpt, idx, rowids)
    return out.reshape(N_EDGES, 1)

# --- scband reference (transcript-rebuilt; emitter-appended) ---
"""Pipeline reference for scband-hetero-dot-product-predictor-49323404427315 (READ-ONLY COPY).

The authoritative reference and input builder live on the scoring server;
editing this copy changes nothing except your own understanding.
"""

import jax, jax.numpy as jnp
import numpy as np

N_NODES = 10000
N_EDGES = 320000
D_FEAT = 128


def setup_inputs(seed: int = 0) -> dict:
    key = jax.random.key(seed)
    k1, k2 = jax.random.split(key)
    h = jax.random.normal(k1, (N_NODES, D_FEAT), dtype=jnp.float32)
    edge_index = jax.random.randint(k2, (2, N_EDGES), 0, N_NODES, dtype=jnp.int64)
    return {"h": h, "edge_index": edge_index}


def reference(h, edge_index):
    # DGL HeteroDotProductPredictor: for each edge (u, v) of the given etype,
    # score = dot(h[u], h[v]); apply_edges(fn.u_dot_v('h','h','score')) yields [E, 1].
    src = edge_index[0]
    dst = edge_index[1]
    h_u = jnp.take(h, src, axis=0)  # gather src features [E, d]
    h_v = jnp.take(h, dst, axis=0)  # gather dst features [E, d]
    score = jnp.sum(h_u * h_v, axis=-1, keepdims=True)  # [E, 1]
    return score

if __name__ == "__main__":
    import jax
    _d = setup_inputs()
    print(jax.jit(kernel)(*tuple(_d.values())))

</pallas_src>

<mosaic_0001>
#map = affine_map<(d0, d1) -> (0, 0, 0)>
#map1 = affine_map<(d0, d1) -> (0, 0, 0, 0, 0)>
#map2 = affine_map<(d0, d1) -> (0, 0)>
module attributes {stable_mosaic.version = 14 : i64} {
  func.func @_sc_body(%arg0: i32, %arg1: i32, %arg2: memref<8x8x10000xi32, #tpu.memory_space<hbm>>, %arg3: memref<2x2x20x2x2000xi32, #tpu.memory_space<hbm>>, %arg4: memref<40x2xi32, #tpu.memory_space<hbm>>, %arg5: memref<2x80x2000xf32, #tpu.memory_space<hbm>>, %arg6: memref<10000xi32, #tpu.memory_space<vmem>>, %arg7: memref<10000xi32, #tpu.memory_space<vmem>>, %arg8: memref<10000xi32, #tpu.memory_space<vmem>>, %arg9: memref<10000xi32, #tpu.memory_space<vmem>>, %arg10: memref<10000xi32, #tpu.memory_space<vmem>>, %arg11: memref<10000xi32, #tpu.memory_space<vmem>>, %arg12: memref<10000xi32, #tpu.memory_space<vmem>>, %arg13: memref<10000xi32, #tpu.memory_space<vmem>>, %arg14: memref<2x2000xi32, #tpu.memory_space<vmem>>, %arg15: memref<2x2000xi32, #tpu.memory_space<vmem>>, %arg16: memref<2x2000xf32, #tpu.memory_space<vmem>>, %arg17: memref<2x2000xf32, #tpu.memory_space<vmem>>, %arg18: memref<40x2xi32, #tpu.memory_space<vmem>>, %arg19: memref<5x2000xf32, #tpu.memory_space<vmem>>, %arg20: memref<80x2000xf32, #tpu.memory_space<vmem_shared>>, %arg21: memref<!tpu.dma_semaphore, #tpu.memory_space<semaphore_mem>>, %arg22: memref<!tpu.dma_semaphore, #tpu.memory_space<semaphore_mem>>, %arg23: memref<!tpu.dma_semaphore, #tpu.memory_space<semaphore_mem>>, %arg24: memref<!tpu.dma_semaphore, #tpu.memory_space<semaphore_mem>>) attributes {dimension_semantics = [#tpu.dimension_semantics<core_parallel>, #tpu.dimension_semantics<subcore_parallel>], iteration_bounds = array<i64: 2, 16>, scalar_prefetch = 0 : i64, scratch_operands = 19 : i64, tpu.core_type = #tpu.core_type<sc_vector_subcore>, window_params = [{transform_indices = #map}, {transform_indices = #map1}, {transform_indices = #map2}, {transform_indices = #map}]} {
    %jit3A = arith.constant 8 : i32
    %eq3A = arith.constant 0 : i32
    %eq3A_0 = arith.cmpi eq, %jit3A, %eq3A : i32
    %jit3A_1 = arith.constant 1 : i32
    %select_n3A = arith.select %eq3A_0, %jit3A_1, %jit3A : i32
    %rem3A = arith.remsi %arg1, %select_n3A : i32
    %ne3A = arith.constant 0 : i32
    %ne3A_2 = arith.cmpi ne, %rem3A, %ne3A : i32
    %lt3A = arith.constant 0 : i32
    %lt3A_3 = arith.cmpi slt, %rem3A, %lt3A : i32
    %lt3A_4 = arith.constant 0 : i32
    %lt3A_5 = arith.cmpi slt, %select_n3A, %lt3A_4 : i32
    %ne3A_6 = arith.xori %lt3A_3, %lt3A_5 : i1
    %and3A = arith.andi %ne3A_6, %ne3A_2 : i1
    %add3A = arith.addi %rem3A, %select_n3A : i32
    %select_n3A_7 = arith.select %and3A, %add3A, %rem3A : i32
    %jit3A_8 = arith.constant 8 : i32
    %div3A = arith.divsi %arg1, %jit3A_8 : i32
    %sign3A = arith.constant 0 : i32
    %sign3A_9 = arith.cmpi sgt, %arg1, %sign3A : i32
    %sign3A_10 = arith.extui %sign3A_9 : i1 to i32
    %sign3A_11 = arith.constant 0 : i32
    %sign3A_12 = arith.cmpi slt, %arg1, %sign3A_11 : i32
    %sign3A_13 = arith.extui %sign3A_12 : i1 to i32
    %sign3A_14 = arith.subi %sign3A_10, %sign3A_13 : i32
    %sign3A_15 = arith.constant 0 : i32
    %sign3A_16 = arith.cmpi sgt, %jit3A_8, %sign3A_15 : i32
    %sign3A_17 = arith.extui %sign3A_16 : i1 to i32
    %sign3A_18 = arith.constant 0 : i32
    %sign3A_19 = arith.cmpi slt, %jit3A_8, %sign3A_18 : i32
    %sign3A_20 = arith.extui %sign3A_19 : i1 to i32
    %sign3A_21 = arith.subi %sign3A_17, %sign3A_20 : i32
    %ne3A_22 = arith.cmpi ne, %sign3A_14, %sign3A_21 : i32
    %rem3A_23 = arith.remsi %arg1, %jit3A_8 : i32
    %ne3A_24 = arith.constant 0 : i32
    %ne3A_25 = arith.cmpi ne, %rem3A_23, %ne3A_24 : i32
    %and3A_26 = arith.andi %ne3A_22, %ne3A_25 : i1
    %sub3A = arith.constant 1 : i32
    %sub3A_27 = arith.subi %div3A, %sub3A : i32
    %select_n3A_28 = arith.select %and3A_26, %sub3A_27, %div3A : i32
    %run_scoped3A = arith.constant 0 : i32
    "tpu.region"() ({
      %run_scoped3A_74 = tpu.sem_alloc : memref<!tpu.dma_semaphore, #tpu.memory_space<semaphore_mem>>
      %dma_start3A_75 = arith.constant 0 : i32
      %dma_start3A_76 = tpu.memref_slice %arg2[%select_n3A_7, %run_scoped3A, %dma_start3A_75] : memref<8x8x10000xi32, #tpu.memory_space<hbm>> -> memref<1x1x10000xi32, #tpu.memory_space<hbm>>
      %dma_start3A_77 = tpu.memref_squeeze %dma_start3A_76 : memref<1x1x10000xi32, #tpu.memory_space<hbm>> -> memref<10000xi32, #tpu.memory_space<hbm>>
      %dma_start3A_78 = arith.constant 0 : i32
      %dma_start3A_79 = tpu.memref_slice %arg2[%select_n3A_7, %run_scoped3A, %dma_start3A_78] : memref<8x8x10000xi32, #tpu.memory_space<hbm>> -> memref<1x1x10000xi32, #tpu.memory_space<hbm>>
      %dma_start3A_80 = tpu.memref_squeeze %dma_start3A_79 : memref<1x1x10000xi32, #tpu.memory_space<hbm>> -> memref<10000xi32, #tpu.memory_space<hbm>>
      tpu.enqueue_dma source(%dma_start3A_80 : memref<10000xi32, #tpu.memory_space<hbm>>) target(%arg6 : memref<10000xi32, #tpu.memory_space<vmem>>) target_semaphore(%run_scoped3A_74 : memref<!tpu.dma_semaphore, #tpu.memory_space<semaphore_mem>>)
      %dma_wait3A_81 = arith.constant 0 : i32
      %dma_wait3A_82 = tpu.memref_slice %arg2[%select_n3A_7, %run_scoped3A, %dma_wait3A_81] : memref<8x8x10000xi32, #tpu.memory_space<hbm>> -> memref<1x1x10000xi32, #tpu.memory_space<hbm>>
      %dma_wait3A_83 = tpu.memref_squeeze %dma_wait3A_82 : memref<1x1x10000xi32, #tpu.memory_space<hbm>> -> memref<10000xi32, #tpu.memory_space<hbm>>
      %dma_wait3A_84 = arith.constant 0 : i32
      %dma_wait3A_85 = tpu.memref_slice %arg2[%select_n3A_7, %run_scoped3A, %dma_wait3A_84] : memref<8x8x10000xi32, #tpu.memory_space<hbm>> -> memref<1x1x10000xi32, #tpu.memory_space<hbm>>
      %dma_wait3A_86 = tpu.memref_squeeze %dma_wait3A_85 : memref<1x1x10000xi32, #tpu.memory_space<hbm>> -> memref<10000xi32, #tpu.memory_space<hbm>>
      tpu.wait_dma2 semaphore(%run_scoped3A_74 : memref<!tpu.dma_semaphore, #tpu.memory_space<semaphore_mem>>) src(%dma_wait3A_86 : memref<10000xi32, #tpu.memory_space<hbm>>) dst(%arg6 : memref<10000xi32, #tpu.memory_space<vmem>>)
      tpu.yield
    }) : () -> ()
    %run_scoped3A_29 = arith.constant 1 : i32
    "tpu.region"() ({
      %run_scoped3A_74 = tpu.sem_alloc : memref<!tpu.dma_semaphore, #tpu.memory_space<semaphore_mem>>
      %dma_start3A_75 = arith.constant 0 : i32
      %dma_start3A_76 = tpu.memref_slice %arg2[%select_n3A_7, %run_scoped3A_29, %dma_start3A_75] : memref<8x8x10000xi32, #tpu.memory_space<hbm>> -> memref<1x1x10000xi32, #tpu.memory_space<hbm>>
      %dma_start3A_77 = tpu.memref_squeeze %dma_start3A_76 : memref<1x1x10000xi32, #tpu.memory_space<hbm>> -> memref<10000xi32, #tpu.memory_space<hbm>>
      %dma_start3A_78 = arith.constant 0 : i32
      %dma_start3A_79 = tpu.memref_slice %arg2[%select_n3A_7, %run_scoped3A_29, %dma_start3A_78] : memref<8x8x10000xi32, #tpu.memory_space<hbm>> -> memref<1x1x10000xi32, #tpu.memory_space<hbm>>
      %dma_start3A_80 = tpu.memref_squeeze %dma_start3A_79 : memref<1x1x10000xi32, #tpu.memory_space<hbm>> -> memref<10000xi32, #tpu.memory_space<hbm>>
      tpu.enqueue_dma source(%dma_start3A_80 : memref<10000xi32, #tpu.memory_space<hbm>>) target(%arg7 : memref<10000xi32, #tpu.memory_space<vmem>>) target_semaphore(%run_scoped3A_74 : memref<!tpu.dma_semaphore, #tpu.memory_space<semaphore_mem>>)
      %dma_wait3A_81 = arith.constant 0 : i32
      %dma_wait3A_82 = tpu.memref_slice %arg2[%select_n3A_7, %run_scoped3A_29, %dma_wait3A_81] : memref<8x8x10000xi32, #tpu.memory_space<hbm>> -> memref<1x1x10000xi32, #tpu.memory_space<hbm>>
      %dma_wait3A_83 = tpu.memref_squeeze %dma_wait3A_82 : memref<1x1x10000xi32, #tpu.memory_space<hbm>> -> memref<10000xi32, #tpu.memory_space<hbm>>
      %dma_wait3A_84 = arith.constant 0 : i32
      %dma_wait3A_85 = tpu.memref_slice %arg2[%select_n3A_7, %run_scoped3A_29, %dma_wait3A_84] : memref<8x8x10000xi32, #tpu.memory_space<hbm>> -> memref<1x1x10000xi32, #tpu.memory_space<hbm>>
      %dma_wait3A_86 = tpu.memref_squeeze %dma_wait3A_85 : memref<1x1x10000xi32, #tpu.memory_space<hbm>> -> memref<10000xi32, #tpu.memory_space<hbm>>
      tpu.wait_dma2 semaphore(%run_scoped3A_74 : memref<!tpu.dma_semaphore, #tpu.memory_space<semaphore_mem>>) src(%dma_wait3A_86 : memref<10000xi32, #tpu.memory_space<hbm>>) dst(%arg7 : memref<10000xi32, #tpu.memory_space<vmem>>)
      tpu.yield
    }) : () -> ()
    %run_scoped3A_30 = arith.constant 2 : i32
    "tpu.region"() ({
      %run_scoped3A_74 = tpu.sem_alloc : memref<!tpu.dma_semaphore, #tpu.memory_space<semaphore_mem>>
      %dma_start3A_75 = arith.constant 0 : i32
      %dma_start3A_76 = tpu.memref_slice %arg2[%select_n3A_7, %run_scoped3A_30, %dma_start3A_75] : memref<8x8x10000xi32, #tpu.memory_space<hbm>> -> memref<1x1x10000xi32, #tpu.memory_space<hbm>>
      %dma_start3A_77 = tpu.memref_squeeze %dma_start3A_76 : memref<1x1x10000xi32, #tpu.memory_space<hbm>> -> memref<10000xi32, #tpu.memory_space<hbm>>
      %dma_start3A_78 = arith.constant 0 : i32
      %dma_start3A_79 = tpu.memref_slice %arg2[%select_n3A_7, %run_scoped3A_30, %dma_start3A_78] : memref<8x8x10000xi32, #tpu.memory_space<hbm>> -> memref<1x1x10000xi32, #tpu.memory_space<hbm>>
      %dma_start3A_80 = tpu.memref_squeeze %dma_start3A_79 : memref<1x1x10000xi32, #tpu.memory_space<hbm>> -> memref<10000xi32, #tpu.memory_space<hbm>>
      tpu.enqueue_dma source(%dma_start3A_80 : memref<10000xi32, #tpu.memory_space<hbm>>) target(%arg8 : memref<10000xi32, #tpu.memory_space<vmem>>) target_semaphore(%run_scoped3A_74 : memref<!tpu.dma_semaphore, #tpu.memory_space<semaphore_mem>>)
      %dma_wait3A_81 = arith.constant 0 : i32
      %dma_wait3A_82 = tpu.memref_slice %arg2[%select_n3A_7, %run_scoped3A_30, %dma_wait3A_81] : memref<8x8x10000xi32, #tpu.memory_space<hbm>> -> memref<1x1x10000xi32, #tpu.memory_space<hbm>>
      %dma_wait3A_83 = tpu.memref_squeeze %dma_wait3A_82 : memref<1x1x10000xi32, #tpu.memory_space<hbm>> -> memref<10000xi32, #tpu.memory_space<hbm>>
      %dma_wait3A_84 = arith.constant 0 : i32
      %dma_wait3A_85 = tpu.memref_slice %arg2[%select_n3A_7, %run_scoped3A_30, %dma_wait3A_84] : memref<8x8x10000xi32, #tpu.memory_space<hbm>> -> memref<1x1x10000xi32, #tpu.memory_space<hbm>>
      %dma_wait3A_86 = tpu.memref_squeeze %dma_wait3A_85 : memref<1x1x10000xi32, #tpu.memory_space<hbm>> -> memref<10000xi32, #tpu.memory_space<hbm>>
      tpu.wait_dma2 semaphore(%run_scoped3A_74 : memref<!tpu.dma_semaphore, #tpu.memory_space<semaphore_mem>>) src(%dma_wait3A_86 : memref<10000xi32, #tpu.memory_space<hbm>>) dst(%arg8 : memref<10000xi32, #tpu.memory_space<vmem>>)
      tpu.yield
    }) : () -> ()
    %run_scoped3A_31 = arith.constant 3 : i32
    "tpu.region"() ({
      %run_scoped3A_74 = tpu.sem_alloc : memref<!tpu.dma_semaphore, #tpu.memory_space<semaphore_mem>>
      %dma_start3A_75 = arith.constant 0 : i32
      %dma_start3A_76 = tpu.memref_slice %arg2[%select_n3A_7, %run_scoped3A_31, %dma_start3A_75] : memref<8x8x10000xi32, #tpu.memory_space<hbm>> -> memref<1x1x10000xi32, #tpu.memory_space<hbm>>
      %dma_start3A_77 = tpu.memref_squeeze %dma_start3A_76 : memref<1x1x10000xi32, #tpu.memory_space<hbm>> -> memref<10000xi32, #tpu.memory_space<hbm>>
      %dma_start3A_78 = arith.constant 0 : i32
      %dma_start3A_79 = tpu.memref_slice %arg2[%select_n3A_7, %run_scoped3A_31, %dma_start3A_78] : memref<8x8x10000xi32, #tpu.memory_space<hbm>> -> memref<1x1x10000xi32, #tpu.memory_space<hbm>>
      %dma_start3A_80 = tpu.memref_squeeze %dma_start3A_79 : memref<1x1x10000xi32, #tpu.memory_space<hbm>> -> memref<10000xi32, #tpu.memory_space<hbm>>
      tpu.enqueue_dma source(%dma_start3A_80 : memref<10000xi32, #tpu.memory_space<hbm>>) target(%arg9 : memref<10000xi32, #tpu.memory_space<vmem>>) target_semaphore(%run_scoped3A_74 : memref<!tpu.dma_semaphore, #tpu.memory_space<semaphore_mem>>)
      %dma_wait3A_81 = arith.constant 0 : i32
      %dma_wait3A_82 = tpu.memref_slice %arg2[%select_n3A_7, %run_scoped3A_31, %dma_wait3A_81] : memref<8x8x10000xi32, #tpu.memory_space<hbm>> -> memref<1x1x10000xi32, #tpu.memory_space<hbm>>
      %dma_wait3A_83 = tpu.memref_squeeze %dma_wait3A_82 : memref<1x1x10000xi32, #tpu.memory_space<hbm>> -> memref<10000xi32, #tpu.memory_space<hbm>>
      %dma_wait3A_84 = arith.constant 0 : i32
      %dma_wait3A_85 = tpu.memref_slice %arg2[%select_n3A_7, %run_scoped3A_31, %dma_wait3A_84] : memref<8x8x10000xi32, #tpu.memory_space<hbm>> -> memref<1x1x10000xi32, #tpu.memory_space<hbm>>
      %dma_wait3A_86 = tpu.memref_squeeze %dma_wait3A_85 : memref<1x1x10000xi32, #tpu.memory_space<hbm>> -> memref<10000xi32, #tpu.memory_space<hbm>>
      tpu.wait_dma2 semaphore(%run_scoped3A_74 : memref<!tpu.dma_semaphore, #tpu.memory_space<semaphore_mem>>) src(%dma_wait3A_86 : memref<10000xi32, #tpu.memory_space<hbm>>) dst(%arg9 : memref<10000xi32, #tpu.memory_space<vmem>>)
      tpu.yield
    }) : () -> ()
    %run_scoped3A_32 = arith.constant 4 : i32
    "tpu.region"() ({
      %run_scoped3A_74 = tpu.sem_alloc : memref<!tpu.dma_semaphore, #tpu.memory_space<semaphore_mem>>
      %dma_start3A_75 = arith.constant 0 : i32
      %dma_start3A_76 = tpu.memref_slice %arg2[%select_n3A_7, %run_scoped3A_32, %dma_start3A_75] : memref<8x8x10000xi32, #tpu.memory_space<hbm>> -> memref<1x1x10000xi32, #tpu.memory_space<hbm>>
      %dma_start3A_77 = tpu.memref_squeeze %dma_start3A_76 : memref<1x1x10000xi32, #tpu.memory_space<hbm>> -> memref<10000xi32, #tpu.memory_space<hbm>>
      %dma_start3A_78 = arith.constant 0 : i32
      %dma_start3A_79 = tpu.memref_slice %arg2[%select_n3A_7, %run_scoped3A_32, %dma_start3A_78] : memref<8x8x10000xi32, #tpu.memory_space<hbm>> -> memref<1x1x10000xi32, #tpu.memory_space<hbm>>
      %dma_start3A_80 = tpu.memref_squeeze %dma_start3A_79 : memref<1x1x10000xi32, #tpu.memory_space<hbm>> -> memref<10000xi32, #tpu.memory_space<hbm>>
      tpu.enqueue_dma source(%dma_start3A_80 : memref<10000xi32, #tpu.memory_space<hbm>>) target(%arg10 : memref<10000xi32, #tpu.memory_space<vmem>>) target_semaphore(%run_scoped3A_74 : memref<!tpu.dma_semaphore, #tpu.memory_space<semaphore_mem>>)
      %dma_wait3A_81 = arith.constant 0 : i32
      %dma_wait3A_82 = tpu.memref_slice %arg2[%select_n3A_7, %run_scoped3A_32, %dma_wait3A_81] : memref<8x8x10000xi32, #tpu.memory_space<hbm>> -> memref<1x1x10000xi32, #tpu.memory_space<hbm>>
      %dma_wait3A_83 = tpu.memref_squeeze %dma_wait3A_82 : memref<1x1x10000xi32, #tpu.memory_space<hbm>> -> memref<10000xi32, #tpu.memory_space<hbm>>
      %dma_wait3A_84 = arith.constant 0 : i32
      %dma_wait3A_85 = tpu.memref_slice %arg2[%select_n3A_7, %run_scoped3A_32, %dma_wait3A_84] : memref<8x8x10000xi32, #tpu.memory_space<hbm>> -> memref<1x1x10000xi32, #tpu.memory_space<hbm>>
      %dma_wait3A_86 = tpu.memref_squeeze %dma_wait3A_85 : memref<1x1x10000xi32, #tpu.memory_space<hbm>> -> memref<10000xi32, #tpu.memory_space<hbm>>
      tpu.wait_dma2 semaphore(%run_scoped3A_74 : memref<!tpu.dma_semaphore, #tpu.memory_space<semaphore_mem>>) src(%dma_wait3A_86 : memref<10000xi32, #tpu.memory_space<hbm>>) dst(%arg10 : memref<10000xi32, #tpu.memory_space<vmem>>)
      tpu.yield
    }) : () -> ()
    %run_scoped3A_33 = arith.constant 5 : i32
    "tpu.region"() ({
      %run_scoped3A_74 = tpu.sem_alloc : memref<!tpu.dma_semaphore, #tpu.memory_space<semaphore_mem>>
      %dma_start3A_75 = arith.constant 0 : i32
      %dma_start3A_76 = tpu.memref_slice %arg2[%select_n3A_7, %run_scoped3A_33, %dma_start3A_75] : memref<8x8x10000xi32, #tpu.memory_space<hbm>> -> memref<1x1x10000xi32, #tpu.memory_space<hbm>>
      %dma_start3A_77 = tpu.memref_squeeze %dma_start3A_76 : memref<1x1x10000xi32, #tpu.memory_space<hbm>> -> memref<10000xi32, #tpu.memory_space<hbm>>
      %dma_start3A_78 = arith.constant 0 : i32
      %dma_start3A_79 = tpu.memref_slice %arg2[%select_n3A_7, %run_scoped3A_33, %dma_start3A_78] : memref<8x8x10000xi32, #tpu.memory_space<hbm>> -> memref<1x1x10000xi32, #tpu.memory_space<hbm>>
      %dma_start3A_80 = tpu.memref_squeeze %dma_start3A_79 : memref<1x1x10000xi32, #tpu.memory_space<hbm>> -> memref<10000xi32, #tpu.memory_space<hbm>>
      tpu.enqueue_dma source(%dma_start3A_80 : memref<10000xi32, #tpu.memory_space<hbm>>) target(%arg11 : memref<10000xi32, #tpu.memory_space<vmem>>) target_semaphore(%run_scoped3A_74 : memref<!tpu.dma_semaphore, #tpu.memory_space<semaphore_mem>>)
      %dma_wait3A_81 = arith.constant 0 : i32
      %dma_wait3A_82 = tpu.memref_slice %arg2[%select_n3A_7, %run_scoped3A_33, %dma_wait3A_81] : memref<8x8x10000xi32, #tpu.memory_space<hbm>> -> memref<1x1x10000xi32, #tpu.memory_space<hbm>>
      %dma_wait3A_83 = tpu.memref_squeeze %dma_wait3A_82 : memref<1x1x10000xi32, #tpu.memory_space<hbm>> -> memref<10000xi32, #tpu.memory_space<hbm>>
      %dma_wait3A_84 = arith.constant 0 : i32
      %dma_wait3A_85 = tpu.memref_slice %arg2[%select_n3A_7, %run_scoped3A_33, %dma_wait3A_84] : memref<8x8x10000xi32, #tpu.memory_space<hbm>> -> memref<1x1x10000xi32, #tpu.memory_space<hbm>>
      %dma_wait3A_86 = tpu.memref_squeeze %dma_wait3A_85 : memref<1x1x10000xi32, #tpu.memory_space<hbm>> -> memref<10000xi32, #tpu.memory_space<hbm>>
      tpu.wait_dma2 semaphore(%run_scoped3A_74 : memref<!tpu.dma_semaphore, #tpu.memory_space<semaphore_mem>>) src(%dma_wait3A_86 : memref<10000xi32, #tpu.memory_space<hbm>>) dst(%arg11 : memref<10000xi32, #tpu.memory_space<vmem>>)
      tpu.yield
    }) : () -> ()
    %run_scoped3A_34 = arith.constant 6 : i32
    "tpu.region"() ({
      %run_scoped3A_74 = tpu.sem_alloc : memref<!tpu.dma_semaphore, #tpu.memory_space<semaphore_mem>>
      %dma_start3A_75 = arith.constant 0 : i32
      %dma_start3A_76 = tpu.memref_slice %arg2[%select_n3A_7, %run_scoped3A_34, %dma_start3A_75] : memref<8x8x10000xi32, #tpu.memory_space<hbm>> -> memref<1x1x10000xi32, #tpu.memory_space<hbm>>
      %dma_start3A_77 = tpu.memref_squeeze %dma_start3A_76 : memref<1x1x10000xi32, #tpu.memory_space<hbm>> -> memref<10000xi32, #tpu.memory_space<hbm>>
      %dma_start3A_78 = arith.constant 0 : i32
      %dma_start3A_79 = tpu.memref_slice %arg2[%select_n3A_7, %run_scoped3A_34, %dma_start3A_78] : memref<8x8x10000xi32, #tpu.memory_space<hbm>> -> memref<1x1x10000xi32, #tpu.memory_space<hbm>>
      %dma_start3A_80 = tpu.memref_squeeze %dma_start3A_79 : memref<1x1x10000xi32, #tpu.memory_space<hbm>> -> memref<10000xi32, #tpu.memory_space<hbm>>
      tpu.enqueue_dma source(%dma_start3A_80 : memref<10000xi32, #tpu.memory_space<hbm>>) target(%arg12 : memref<10000xi32, #tpu.memory_space<vmem>>) target_semaphore(%run_scoped3A_74 : memref<!tpu.dma_semaphore, #tpu.memory_space<semaphore_mem>>)
      %dma_wait3A_81 = arith.constant 0 : i32
      %dma_wait3A_82 = tpu.memref_slice %arg2[%select_n3A_7, %run_scoped3A_34, %dma_wait3A_81] : memref<8x8x10000xi32, #tpu.memory_space<hbm>> -> memref<1x1x10000xi32, #tpu.memory_space<hbm>>
      %dma_wait3A_83 = tpu.memref_squeeze %dma_wait3A_82 : memref<1x1x10000xi32, #tpu.memory_space<hbm>> -> memref<10000xi32, #tpu.memory_space<hbm>>
      %dma_wait3A_84 = arith.constant 0 : i32
      %dma_wait3A_85 = tpu.memref_slice %arg2[%select_n3A_7, %run_scoped3A_34, %dma_wait3A_84] : memref<8x8x10000xi32, #tpu.memory_space<hbm>> -> memref<1x1x10000xi32, #tpu.memory_space<hbm>>
      %dma_wait3A_86 = tpu.memref_squeeze %dma_wait3A_85 : memref<1x1x10000xi32, #tpu.memory_space<hbm>> -> memref<10000xi32, #tpu.memory_space<hbm>>
      tpu.wait_dma2 semaphore(%run_scoped3A_74 : memref<!tpu.dma_semaphore, #tpu.memory_space<semaphore_mem>>) src(%dma_wait3A_86 : memref<10000xi32, #tpu.memory_space<hbm>>) dst(%arg12 : memref<10000xi32, #tpu.memory_space<vmem>>)
      tpu.yield
    }) : () -> ()
    %run_scoped3A_35 = arith.constant 7 : i32
    "tpu.region"() ({
      %run_scoped3A_74 = tpu.sem_alloc : memref<!tpu.dma_semaphore, #tpu.memory_space<semaphore_mem>>
      %dma_start3A_75 = arith.constant 0 : i32
      %dma_start3A_76 = tpu.memref_slice %arg2[%select_n3A_7, %run_scoped3A_35, %dma_start3A_75] : memref<8x8x10000xi32, #tpu.memory_space<hbm>> -> memref<1x1x10000xi32, #tpu.memory_space<hbm>>
      %dma_start3A_77 = tpu.memref_squeeze %dma_start3A_76 : memref<1x1x10000xi32, #tpu.memory_space<hbm>> -> memref<10000xi32, #tpu.memory_space<hbm>>
      %dma_start3A_78 = arith.constant 0 : i32
      %dma_start3A_79 = tpu.memref_slice %arg2[%select_n3A_7, %run_scoped3A_35, %dma_start3A_78] : memref<8x8x10000xi32, #tpu.memory_space<hbm>> -> memref<1x1x10000xi32, #tpu.memory_space<hbm>>
      %dma_start3A_80 = tpu.memref_squeeze %dma_start3A_79 : memref<1x1x10000xi32, #tpu.memory_space<hbm>> -> memref<10000xi32, #tpu.memory_space<hbm>>
      tpu.enqueue_dma source(%dma_start3A_80 : memref<10000xi32, #tpu.memory_space<hbm>>) target(%arg13 : memref<10000xi32, #tpu.memory_space<vmem>>) target_semaphore(%run_scoped3A_74 : memref<!tpu.dma_semaphore, #tpu.memory_space<semaphore_mem>>)
      %dma_wait3A_81 = arith.constant 0 : i32
      %dma_wait3A_82 = tpu.memref_slice %arg2[%select_n3A_7, %run_scoped3A_35, %dma_wait3A_81] : memref<8x8x10000xi32, #tpu.memory_space<hbm>> -> memref<1x1x10000xi32, #tpu.memory_space<hbm>>
      %dma_wait3A_83 = tpu.memref_squeeze %dma_wait3A_82 : memref<1x1x10000xi32, #tpu.memory_space<hbm>> -> memref<10000xi32, #tpu.memory_space<hbm>>
      %dma_wait3A_84 = arith.constant 0 : i32
      %dma_wait3A_85 = tpu.memref_slice %arg2[%select_n3A_7, %run_scoped3A_35, %dma_wait3A_84] : memref<8x8x10000xi32, #tpu.memory_space<hbm>> -> memref<1x1x10000xi32, #tpu.memory_space<hbm>>
      %dma_wait3A_86 = tpu.memref_squeeze %dma_wait3A_85 : memref<1x1x10000xi32, #tpu.memory_space<hbm>> -> memref<10000xi32, #tpu.memory_space<hbm>>
      tpu.wait_dma2 semaphore(%run_scoped3A_74 : memref<!tpu.dma_semaphore, #tpu.memory_space<semaphore_mem>>) src(%dma_wait3A_86 : memref<10000xi32, #tpu.memory_space<hbm>>) dst(%arg13 : memref<10000xi32, #tpu.memory_space<vmem>>)
      tpu.yield
    }) : () -> ()
    "tpu.region"() ({
      %run_scoped3A_74 = tpu.sem_alloc : memref<!tpu.dma_semaphore, #tpu.memory_space<semaphore_mem>>
      tpu.enqueue_dma source(%arg4 : memref<40x2xi32, #tpu.memory_space<hbm>>) target(%arg18 : memref<40x2xi32, #tpu.memory_space<vmem>>) target_semaphore(%run_scoped3A_74 : memref<!tpu.dma_semaphore, #tpu.memory_space<semaphore_mem>>)
      tpu.wait_dma2 semaphore(%run_scoped3A_74 : memref<!tpu.dma_semaphore, #tpu.memory_space<semaphore_mem>>) src(%arg4 : memref<40x2xi32, #tpu.memory_space<hbm>>) dst(%arg18 : memref<40x2xi32, #tpu.memory_space<vmem>>)
      tpu.yield
    }) : () -> ()
    %scan3A = arith.constant 0 : i32
    %scan3A_36 = arith.constant 0 : i32
    %scan3A_37 = arith.constant 5 : i32
    %scan3A_38 = arith.addi %scan3A_36, %scan3A_37 : i32
    %scan3A_39 = arith.constant 1 : i32
    scf.for %scan3A_74 = %scan3A_36 to %scan3A_38 step %scan3A_39  : i32 {
      %scan3A_75 = arith.constant 0 : i32
      %scan3A_76 = arith.constant 0 : i32
      %scan3A_77 = arith.constant 125 : i32
      %scan3A_78 = arith.addi %scan3A_76, %scan3A_77 : i32
      %scan3A_79 = arith.constant 1 : i32
      scf.for %scan3A_81 = %scan3A_76 to %scan3A_78 step %scan3A_79  : i32 {
        %broadcast_in_dim3A = arith.constant 0.000000e+00 : f32
        %broadcast_in_dim3A_82 = vector.broadcast %broadcast_in_dim3A : f32 to vector<16xf32>
        %mul3A_83 = arith.constant 16 : i32
        %mul3A_84 = arith.muli %scan3A_81, %mul3A_83 : i32
        %swap3A = arith.index_cast %scan3A_74 : i32 to index
        %swap3A_85 = arith.index_cast %mul3A_84 : i32 to index
        %swap3A_86 = tpu.vector_load %arg19[%swap3A, %swap3A_85] {strides = array<i32>} : memref<5x2000xf32, #tpu.memory_space<vmem>>, vector<16xf32>,
        tpu.vector_store %arg19[%swap3A, %swap3A_85], %broadcast_in_dim3A_82 {strides = array<i32>} : memref<5x2000xf32, #tpu.memory_space<vmem>>, vector<16xf32>,
      }
      %scan3A_80 = arith.constant 125 : i32
    }
    %scan3A_40 = arith.constant 5 : i32
    %mul3A = arith.constant 5 : i32
    %mul3A_41 = arith.muli %arg1, %mul3A : i32
    "tpu.region"() ({
      %run_scoped3A_74 = tpu.sem_alloc : memref<!tpu.dma_semaphore, #tpu.memory_space<semaphore_mem>>
      %dma_start3A_75 = arith.constant 0 : i32
      %dma_start3A_76 = tpu.memref_slice %arg20[%mul3A_41, %dma_start3A_75] : memref<80x2000xf32, #tpu.memory_space<vmem_shared>> -> memref<5x2000xf32, #tpu.memory_space<vmem_shared>>
      %dma_start3A_77 = arith.constant 0 : i32
      %dma_start3A_78 = tpu.memref_slice %arg20[%mul3A_41, %dma_start3A_77] : memref<80x2000xf32, #tpu.memory_space<vmem_shared>> -> memref<5x2000xf32, #tpu.memory_space<vmem_shared>>
      tpu.enqueue_dma source(%arg19 : memref<5x2000xf32, #tpu.memory_space<vmem>>) target(%dma_start3A_78 : memref<5x2000xf32, #tpu.memory_space<vmem_shared>>) target_semaphore(%run_scoped3A_74 : memref<!tpu.dma_semaphore, #tpu.memory_space<semaphore_mem>>)
      %dma_wait3A_79 = arith.constant 0 : i32
      %dma_wait3A_80 = tpu.memref_slice %arg20[%mul3A_41, %dma_wait3A_79] : memref<80x2000xf32, #tpu.memory_space<vmem_shared>> -> memref<5x2000xf32, #tpu.memory_space<vmem_shared>>
      %dma_wait3A_81 = arith.constant 0 : i32
      %dma_wait3A_82 = tpu.memref_slice %arg20[%mul3A_41, %dma_wait3A_81] : memref<80x2000xf32, #tpu.memory_space<vmem_shared>> -> memref<5x2000xf32, #tpu.memory_space<vmem_shared>>
      tpu.wait_dma2 semaphore(%run_scoped3A_74 : memref<!tpu.dma_semaphore, #tpu.memory_space<semaphore_mem>>) src(%arg19 : memref<5x2000xf32, #tpu.memory_space<vmem>>) dst(%dma_wait3A_82 : memref<5x2000xf32, #tpu.memory_space<vmem_shared>>)
      tpu.yield
    }) : () -> ()
    %barrier3A = arith.constant 0 : index
    tpu.barrier barrier_id(%barrier3A)
    %dma_start3A = arith.constant 0 : i32
    %dma_start3A_42 = arith.constant 0 : i32
    %dma_start3A_43 = arith.constant 0 : i32
    %dma_start3A_44 = tpu.memref_slice %arg3[%arg0, %select_n3A_28, %dma_start3A, %dma_start3A_42, %dma_start3A_43] : memref<2x2x20x2x2000xi32, #tpu.memory_space<hbm>> -> memref<1x1x1x2x2000xi32, #tpu.memory_space<hbm>>
    %dma_start3A_45 = tpu.memref_squeeze %dma_start3A_44 : memref<1x1x1x2x2000xi32, #tpu.memory_space<hbm>> -> memref<2x2000xi32, #tpu.memory_space<hbm>>
    %dma_start3A_46 = arith.constant 0 : i32
    %dma_start3A_47 = arith.constant 0 : i32
    %dma_start3A_48 = tpu.memref_slice %arg3[%arg0, %select_n3A_28, %dma_start3A, %dma_start3A_46, %dma_start3A_47] : memref<2x2x20x2x2000xi32, #tpu.memory_space<hbm>> -> memref<1x1x1x2x2000xi32, #tpu.memory_space<hbm>>
    %dma_start3A_49 = tpu.memref_squeeze %dma_start3A_48 : memref<1x1x1x2x2000xi32, #tpu.memory_space<hbm>> -> memref<2x2000xi32, #tpu.memory_space<hbm>>
    tpu.enqueue_dma source(%dma_start3A_49 : memref<2x2000xi32, #tpu.memory_space<hbm>>) target(%arg14 : memref<2x2000xi32, #tpu.memory_space<vmem>>) target_semaphore(%arg21 : memref<!tpu.dma_semaphore, #tpu.memory_space<semaphore_mem>>)
    %scan3A_50 = arith.constant 0 : i32
    %scan3A_51 = arith.constant 0 : i32
    %scan3A_52 = arith.constant 10 : i32
    %scan3A_53 = arith.addi %scan3A_51, %scan3A_52 : i32
    %scan3A_54 = arith.constant 1 : i32
    scf.for %scan3A_74 = %scan3A_51 to %scan3A_53 step %scan3A_54  : i32 {
      %mul3A_75 = arith.constant 2 : i32
      %mul3A_76 = arith.muli %mul3A_75, %scan3A_74 : i32
      %add3A_77 = arith.constant 1 : i32
      %add3A_78 = arith.addi %mul3A_76, %add3A_77 : i32
      %dma_start3A_79 = arith.constant 0 : i32
      %dma_start3A_80 = arith.constant 0 : i32
      %dma_start3A_81 = tpu.memref_slice %arg3[%arg0, %select_n3A_28, %add3A_78, %dma_start3A_79, %dma_start3A_80] : memref<2x2x20x2x2000xi32, #tpu.memory_space<hbm>> -> memref<1x1x1x2x2000xi32, #tpu.memory_space<hbm>>
      %dma_start3A_82 = tpu.memref_squeeze %dma_start3A_81 : memref<1x1x1x2x2000xi32, #tpu.memory_space<hbm>> -> memref<2x2000xi32, #tpu.memory_space<hbm>>
      %dma_start3A_83 = arith.constant 0 : i32
      %dma_start3A_84 = arith.constant 0 : i32
      %dma_start3A_85 = tpu.memref_slice %arg3[%arg0, %select_n3A_28, %add3A_78, %dma_start3A_83, %dma_start3A_84] : memref<2x2x20x2x2000xi32, #tpu.memory_space<hbm>> -> memref<1x1x1x2x2000xi32, #tpu.memory_space<hbm>>
      %dma_start3A_86 = tpu.memref_squeeze %dma_start3A_85 : memref<1x1x1x2x2000xi32, #tpu.memory_space<hbm>> -> memref<2x2000xi32, #tpu.memory_space<hbm>>
      tpu.enqueue_dma source(%dma_start3A_86 : memref<2x2000xi32, #tpu.memory_space<hbm>>) target(%arg15 : memref<2x2000xi32, #tpu.memory_space<vmem>>) target_semaphore(%arg22 : memref<!tpu.dma_semaphore, #tpu.memory_space<semaphore_mem>>)
      %dma_wait3A_87 = arith.constant 0 : i32
      %dma_wait3A_88 = arith.constant 0 : i32
      %dma_wait3A_89 = arith.constant 0 : i32
      %dma_wait3A_90 = arith.constant 0 : i32
      %dma_wait3A_91 = arith.constant 0 : i32
      %dma_wait3A_92 = tpu.memref_slice %arg3[%dma_wait3A_87, %dma_wait3A_88, %dma_wait3A_89, %dma_wait3A_90, %dma_wait3A_91] : memref<2x2x20x2x2000xi32, #tpu.memory_space<hbm>> -> memref<1x1x1x2x2000xi32, #tpu.memory_space<hbm>>
      %dma_wait3A_93 = tpu.memref_squeeze %dma_wait3A_92 : memref<1x1x1x2x2000xi32, #tpu.memory_space<hbm>> -> memref<2x2000xi32, #tpu.memory_space<hbm>>
      %dma_wait3A_94 = arith.constant 0 : i32
      %dma_wait3A_95 = arith.constant 0 : i32
      %dma_wait3A_96 = tpu.memref_slice %arg3[%dma_wait3A_87, %dma_wait3A_88, %dma_wait3A_89, %dma_wait3A_94, %dma_wait3A_95] : memref<2x2x20x2x2000xi32, #tpu.memory_space<hbm>> -> memref<1x1x1x2x2000xi32, #tpu.memory_space<hbm>>
      %dma_wait3A_97 = tpu.memref_squeeze %dma_wait3A_96 : memref<1x1x1x2x2000xi32, #tpu.memory_space<hbm>> -> memref<2x2000xi32, #tpu.memory_space<hbm>>
      tpu.wait_dma2 semaphore(%arg21 : memref<!tpu.dma_semaphore, #tpu.memory_space<semaphore_mem>>) src(%dma_wait3A_97 : memref<2x2000xi32, #tpu.memory_space<hbm>>) dst(%arg14 : memref<2x2000xi32, #tpu.memory_space<vmem>>)
      %ge3A = arith.constant 1 : i32
      %ge3A_98 = arith.cmpi sge, %scan3A_74, %ge3A : i32
      %convert_element_type3A = arith.extui %ge3A_98 : i1 to i32
      %cond3A = arith.constant 0 : i32
      %cond3A_99 = arith.cmpi ne, %convert_element_type3A, %cond3A : i32
      scf.if %cond3A_99 {
        %dma_wait3A_145 = arith.constant 0 : i32
        %dma_wait3A_146 = arith.constant 0 : i32
        %dma_wait3A_147 = tpu.memref_slice %arg18[%dma_wait3A_145, %dma_wait3A_146] : memref<40x2xi32, #tpu.memory_space<vmem>> -> memref<1x2xi32, #tpu.memory_space<vmem>>
        %dma_wait3A_148 = tpu.memref_squeeze %dma_wait3A_147 : memref<1x2xi32, #tpu.memory_space<vmem>> -> memref<2xi32, #tpu.memory_space<vmem>>
        %dma_wait3A_149 = arith.constant 0 : i32
        %dma_wait3A_150 = arith.constant 0 : i32
        %dma_wait3A_151 = tpu.memref_slice %arg20[%dma_wait3A_149, %dma_wait3A_150] : memref<80x2000xf32, #tpu.memory_space<vmem_shared>> -> memref<80x2000xf32, #tpu.memory_space<vmem_shared>>
        tpu.wait_indirect_dma semaphore(%arg23 : memref<!tpu.dma_semaphore, #tpu.memory_space<semaphore_mem>>) src(%arg16 : memref<2x2000xf32, #tpu.memory_space<vmem>>) dst(%dma_wait3A_151 : memref<80x2000xf32, #tpu.memory_space<vmem_shared>>)
      } else {
      }
      %parallel_loop3A = arith.constant 0 : i32
      %parallel_loop3A_100 = arith.constant 125 : i32
      %parallel_loop3A_101 = arith.constant 1 : i32
      scf.for %parallel_loop3A_145 = %parallel_loop3A to %parallel_loop3A_100 step %parallel_loop3A_101  : i32 {
        %parallel_loop3A_146 = arith.constant 16 : i32
        %parallel_loop3A_147 = arith.muli %parallel_loop3A_145, %parallel_loop3A_146 : i32
        %parallel_loop3A_148 = arith.constant 0 : i32
        %parallel_loop3A_149 = arith.index_cast %parallel_loop3A_148 : i32 to index
        %parallel_loop3A_150 = arith.index_cast %parallel_loop3A_147 : i32 to index
        %parallel_loop3A_151 = tpu.vector_load %arg14[%parallel_loop3A_149, %parallel_loop3A_150] {strides = array<i32>} : memref<2x2000xi32, #tpu.memory_space<vmem>>, vector<16xi32>,
        %parallel_loop3A_152 = arith.constant 16 : i32
        %parallel_loop3A_153 = arith.muli %parallel_loop3A_145, %parallel_loop3A_152 : i32
        %parallel_loop3A_154 = arith.constant 1 : i32
        %parallel_loop3A_155 = arith.index_cast %parallel_loop3A_154 : i32 to index
        %parallel_loop3A_156 = arith.index_cast %parallel_loop3A_153 : i32 to index
        %parallel_loop3A_157 = tpu.vector_load %arg14[%parallel_loop3A_155, %parallel_loop3A_156] {strides = array<i32>} : memref<2x2000xi32, #tpu.memory_space<vmem>>, vector<16xi32>,
        %parallel_loop3A_158 = arith.constant 65535 : i32
        %parallel_loop3A_159 = vector.broadcast %parallel_loop3A_158 : i32 to vector<16xi32>
        %parallel_loop3A_160 = arith.andi %parallel_loop3A_151, %parallel_loop3A_159 : vector<16xi32>
        %parallel_loop3A_161 = arith.constant 16 : i32
        %parallel_loop3A_162 = vector.broadcast %parallel_loop3A_161 : i32 to vector<16xi32>
        %parallel_loop3A_163 = arith.shrui %parallel_loop3A_151, %parallel_loop3A_162 : vector<16xi32>
        %parallel_loop3A_164 = arith.constant 65535 : i32
        %parallel_loop3A_165 = vector.broadcast %parallel_loop3A_164 : i32 to vector<16xi32>
        %parallel_loop3A_166 = arith.andi %parallel_loop3A_157, %parallel_loop3A_165 : vector<16xi32>
        %parallel_loop3A_167 = arith.constant 16 : i32
        %parallel_loop3A_168 = vector.broadcast %parallel_loop3A_167 : i32 to vector<16xi32>
        %parallel_loop3A_169 = arith.shrui %parallel_loop3A_157, %parallel_loop3A_168 : vector<16xi32>
        %parallel_loop3A_170 = arith.constant 0.000000e+00 : f32
        %parallel_loop3A_171 = vector.broadcast %parallel_loop3A_170 : f32 to vector<16xf32>
        %parallel_loop3A_172 = arith.constant 0.000000e+00 : f32
        %parallel_loop3A_173 = vector.broadcast %parallel_loop3A_172 : f32 to vector<16xf32>
        %parallel_loop3A_174 = arith.constant 0.000000e+00 : f32
        %parallel_loop3A_175 = vector.broadcast %parallel_loop3A_174 : f32 to vector<16xf32>
        %parallel_loop3A_176 = arith.constant 0.000000e+00 : f32
        %parallel_loop3A_177 = vector.broadcast %parallel_loop3A_176 : f32 to vector<16xf32>
        %parallel_loop3A_178 = tpu.vector_load_idx %arg6[%parallel_loop3A_160] : memref<10000xi32, #tpu.memory_space<vmem>>[vector<16xi32>], vector<16xi32>,
        %parallel_loop3A_179 = tpu.vector_load_idx %arg6[%parallel_loop3A_166] : memref<10000xi32, #tpu.memory_space<vmem>>[vector<16xi32>], vector<16xi32>,
        %parallel_loop3A_180 = tpu.vector_load_idx %arg6[%parallel_loop3A_163] : memref<10000xi32, #tpu.memory_space<vmem>>[vector<16xi32>], vector<16xi32>,
        %parallel_loop3A_181 = tpu.vector_load_idx %arg6[%parallel_loop3A_169] : memref<10000xi32, #tpu.memory_space<vmem>>[vector<16xi32>], vector<16xi32>,
        %parallel_loop3A_182 = arith.constant 16 : i32
        %parallel_loop3A_183 = vector.broadcast %parallel_loop3A_182 : i32 to vector<16xi32>
        %parallel_loop3A_184 = arith.shli %parallel_loop3A_178, %parallel_loop3A_183 : vector<16xi32>
        %parallel_loop3A_185 = vector.bitcast %parallel_loop3A_184 : vector<16xi32> to vector<16xf32>
        %parallel_loop3A_186 = arith.constant 16 : i32
        %parallel_loop3A_187 = vector.broadcast %parallel_loop3A_186 : i32 to vector<16xi32>
        %parallel_loop3A_188 = arith.shli %parallel_loop3A_179, %parallel_loop3A_187 : vector<16xi32>
        %parallel_loop3A_189 = vector.bitcast %parallel_loop3A_188 : vector<16xi32> to vector<16xf32>
        %parallel_loop3A_190 = arith.mulf %parallel_loop3A_185, %parallel_loop3A_189 : vector<16xf32>
        %parallel_loop3A_191 = arith.addf %parallel_loop3A_171, %parallel_loop3A_190 : vector<16xf32>
        %parallel_loop3A_192 = vector.bitcast %parallel_loop3A_178 : vector<16xi32> to vector<16xf32>
        %parallel_loop3A_193 = vector.bitcast %parallel_loop3A_179 : vector<16xi32> to vector<16xf32>
        %parallel_loop3A_194 = arith.mulf %parallel_loop3A_192, %parallel_loop3A_193 : vector<16xf32>
        %parallel_loop3A_195 = arith.addf %parallel_loop3A_173, %parallel_loop3A_194 : vector<16xf32>
        %parallel_loop3A_196 = arith.constant 16 : i32
        %parallel_loop3A_197 = vector.broadcast %parallel_loop3A_196 : i32 to vector<16xi32>
        %parallel_loop3A_198 = arith.shli %parallel_loop3A_180, %parallel_loop3A_197 : vector<16xi32>
        %parallel_loop3A_199 = vector.bitcast %parallel_loop3A_198 : vector<16xi32> to vector<16xf32>
        %parallel_loop3A_200 = arith.constant 16 : i32
        %parallel_loop3A_201 = vector.broadcast %parallel_loop3A_200 : i32 to vector<16xi32>
        %parallel_loop3A_202 = arith.shli %parallel_loop3A_181, %parallel_loop3A_201 : vector<16xi32>
        %parallel_loop3A_203 = vector.bitcast %parallel_loop3A_202 : vector<16xi32> to vector<16xf32>
        %parallel_loop3A_204 = arith.mulf %parallel_loop3A_199, %parallel_loop3A_203 : vector<16xf32>
        %parallel_loop3A_205 = arith.addf %parallel_loop3A_175, %parallel_loop3A_204 : vector<16xf32>
        %parallel_loop3A_206 = vector.bitcast %parallel_loop3A_180 : vector<16xi32> to vector<16xf32>
        %parallel_loop3A_207 = vector.bitcast %parallel_loop3A_181 : vector<16xi32> to vector<16xf32>
        %parallel_loop3A_208 = arith.mulf %parallel_loop3A_206, %parallel_loop3A_207 : vector<16xf32>
        %parallel_loop3A_209 = arith.addf %parallel_loop3A_177, %parallel_loop3A_208 : vector<16xf32>
        %parallel_loop3A_210 = tpu.vector_load_idx %arg7[%parallel_loop3A_160] : memref<10000xi32, #tpu.memory_space<vmem>>[vector<16xi32>], vector<16xi32>,
        %parallel_loop3A_211 = tpu.vector_load_idx %arg7[%parallel_loop3A_166] : memref<10000xi32, #tpu.memory_space<vmem>>[vector<16xi32>], vector<16xi32>,
        %parallel_loop3A_212 = tpu.vector_load_idx %arg7[%parallel_loop3A_163] : memref<10000xi32, #tpu.memory_space<vmem>>[vector<16xi32>], vector<16xi32>,
        %parallel_loop3A_213 = tpu.vector_load_idx %arg7[%parallel_loop3A_169] : memref<10000xi32, #tpu.memory_space<vmem>>[vector<16xi32>], vector<16xi32>,
        %parallel_loop3A_214 = arith.constant 16 : i32
        %parallel_loop3A_215 = vector.broadcast %parallel_loop3A_214 : i32 to vector<16xi32>
        %parallel_loop3A_216 = arith.shli %parallel_loop3A_210, %parallel_loop3A_215 : vector<16xi32>
        %parallel_loop3A_217 = vector.bitcast %parallel_loop3A_216 : vector<16xi32> to vector<16xf32>
        %parallel_loop3A_218 = arith.constant 16 : i32
        %parallel_loop3A_219 = vector.broadcast %parallel_loop3A_218 : i32 to vector<16xi32>
        %parallel_loop3A_220 = arith.shli %parallel_loop3A_211, %parallel_loop3A_219 : vector<16xi32>
        %parallel_loop3A_221 = vector.bitcast %parallel_loop3A_220 : vector<16xi32> to vector<16xf32>
        %parallel_loop3A_222 = arith.mulf %parallel_loop3A_217, %parallel_loop3A_221 : vector<16xf32>
        %parallel_loop3A_223 = arith.addf %parallel_loop3A_191, %parallel_loop3A_222 : vector<16xf32>
        %parallel_loop3A_224 = vector.bitcast %parallel_loop3A_210 : vector<16xi32> to vector<16xf32>
        %parallel_loop3A_225 = vector.bitcast %parallel_loop3A_211 : vector<16xi32> to vector<16xf32>
        %parallel_loop3A_226 = arith.mulf %parallel_loop3A_224, %parallel_loop3A_225 : vector<16xf32>
        %parallel_loop3A_227 = arith.addf %parallel_loop3A_195, %parallel_loop3A_226 : vector<16xf32>
        %parallel_loop3A_228 = arith.constant 16 : i32
        %parallel_loop3A_229 = vector.broadcast %parallel_loop3A_228 : i32 to vector<16xi32>
        %parallel_loop3A_230 = arith.shli %parallel_loop3A_212, %parallel_loop3A_229 : vector<16xi32>
        %parallel_loop3A_231 = vector.bitcast %parallel_loop3A_230 : vector<16xi32> to vector<16xf32>
        %parallel_loop3A_232 = arith.constant 16 : i32
        %parallel_loop3A_233 = vector.broadcast %parallel_loop3A_232 : i32 to vector<16xi32>
        %parallel_loop3A_234 = arith.shli %parallel_loop3A_213, %parallel_loop3A_233 : vector<16xi32>
        %parallel_loop3A_235 = vector.bitcast %parallel_loop3A_234 : vector<16xi32> to vector<16xf32>
        %parallel_loop3A_236 = arith.mulf %parallel_loop3A_231, %parallel_loop3A_235 : vector<16xf32>
        %parallel_loop3A_237 = arith.addf %parallel_loop3A_205, %parallel_loop3A_236 : vector<16xf32>
        %parallel_loop3A_238 = vector.bitcast %parallel_loop3A_212 : vector<16xi32> to vector<16xf32>
        %parallel_loop3A_239 = vector.bitcast %parallel_loop3A_213 : vector<16xi32> to vector<16xf32>
        %parallel_loop3A_240 = arith.mulf %parallel_loop3A_238, %parallel_loop3A_239 : vector<16xf32>
        %parallel_loop3A_241 = arith.addf %parallel_loop3A_209, %parallel_loop3A_240 : vector<16xf32>
        %parallel_loop3A_242 = tpu.vector_load_idx %arg8[%parallel_loop3A_160] : memref<10000xi32, #tpu.memory_space<vmem>>[vector<16xi32>], vector<16xi32>,
        %parallel_loop3A_243 = tpu.vector_load_idx %arg8[%parallel_loop3A_166] : memref<10000xi32, #tpu.memory_space<vmem>>[vector<16xi32>], vector<16xi32>,
        %parallel_loop3A_244 = tpu.vector_load_idx %arg8[%parallel_loop3A_163] : memref<10000xi32, #tpu.memory_space<vmem>>[vector<16xi32>], vector<16xi32>,
        %parallel_loop3A_245 = tpu.vector_load_idx %arg8[%parallel_loop3A_169] : memref<10000xi32, #tpu.memory_space<vmem>>[vector<16xi32>], vector<16xi32>,
        %parallel_loop3A_246 = arith.constant 16 : i32
        %parallel_loop3A_247 = vector.broadcast %parallel_loop3A_246 : i32 to vector<16xi32>
        %parallel_loop3A_248 = arith.shli %parallel_loop3A_242, %parallel_loop3A_247 : vector<16xi32>
        %parallel_loop3A_249 = vector.bitcast %parallel_loop3A_248 : vector<16xi32> to vector<16xf32>
        %parallel_loop3A_250 = arith.constant 16 : i32
        %parallel_loop3A_251 = vector.broadcast %parallel_loop3A_250 : i32 to vector<16xi32>
        %parallel_loop3A_252 = arith.shli %parallel_loop3A_243, %parallel_loop3A_251 : vector<16xi32>
        %parallel_loop3A_253 = vector.bitcast %parallel_loop3A_252 : vector<16xi32> to vector<16xf32>
        %parallel_loop3A_254 = arith.mulf %parallel_loop3A_249, %parallel_loop3A_253 : vector<16xf32>
        %parallel_loop3A_255 = arith.addf %parallel_loop3A_223, %parallel_loop3A_254 : vector<16xf32>
        %parallel_loop3A_256 = vector.bitcast %parallel_loop3A_242 : vector<16xi32> to vector<16xf32>
        %parallel_loop3A_257 = vector.bitcast %parallel_loop3A_243 : vector<16xi32> to vector<16xf32>
        %parallel_loop3A_258 = arith.mulf %parallel_loop3A_256, %parallel_loop3A_257 : vector<16xf32>
        %parallel_loop3A_259 = arith.addf %parallel_loop3A_227, %parallel_loop3A_258 : vector<16xf32>
        %parallel_loop3A_260 = arith.constant 16 : i32
        %parallel_loop3A_261 = vector.broadcast %parallel_loop3A_260 : i32 to vector<16xi32>
        %parallel_loop3A_262 = arith.shli %parallel_loop3A_244, %parallel_loop3A_261 : vector<16xi32>
        %parallel_loop3A_263 = vector.bitcast %parallel_loop3A_262 : vector<16xi32> to vector<16xf32>
        %parallel_loop3A_264 = arith.constant 16 : i32
        %parallel_loop3A_265 = vector.broadcast %parallel_loop3A_264 : i32 to vector<16xi32>
        %parallel_loop3A_266 = arith.shli %parallel_loop3A_245, %parallel_loop3A_265 : vector<16xi32>
        %parallel_loop3A_267 = vector.bitcast %parallel_loop3A_266 : vector<16xi32> to vector<16xf32>
        %parallel_loop3A_268 = arith.mulf %parallel_loop3A_263, %parallel_loop3A_267 : vector<16xf32>
        %parallel_loop3A_269 = arith.addf %parallel_loop3A_237, %parallel_loop3A_268 : vector<16xf32>
        %parallel_loop3A_270 = vector.bitcast %parallel_loop3A_244 : vector<16xi32> to vector<16xf32>
        %parallel_loop3A_271 = vector.bitcast %parallel_loop3A_245 : vector<16xi32> to vector<16xf32>
        %parallel_loop3A_272 = arith.mulf %parallel_loop3A_270, %parallel_loop3A_271 : vector<16xf32>
        %parallel_loop3A_273 = arith.addf %parallel_loop3A_241, %parallel_loop3A_272 : vector<16xf32>
        %parallel_loop3A_274 = tpu.vector_load_idx %arg9[%parallel_loop3A_160] : memref<10000xi32, #tpu.memory_space<vmem>>[vector<16xi32>], vector<16xi32>,
        %parallel_loop3A_275 = tpu.vector_load_idx %arg9[%parallel_loop3A_166] : memref<10000xi32, #tpu.memory_space<vmem>>[vector<16xi32>], vector<16xi32>,
        %parallel_loop3A_276 = tpu.vector_load_idx %arg9[%parallel_loop3A_163] : memref<10000xi32, #tpu.memory_space<vmem>>[vector<16xi32>], vector<16xi32>,
        %parallel_loop3A_277 = tpu.vector_load_idx %arg9[%parallel_loop3A_169] : memref<10000xi32, #tpu.memory_space<vmem>>[vector<16xi32>], vector<16xi32>,
        %parallel_loop3A_278 = arith.constant 16 : i32
        %parallel_loop3A_279 = vector.broadcast %parallel_loop3A_278 : i32 to vector<16xi32>
        %parallel_loop3A_280 = arith.shli %parallel_loop3A_274, %parallel_loop3A_279 : vector<16xi32>
        %parallel_loop3A_281 = vector.bitcast %parallel_loop3A_280 : vector<16xi32> to vector<16xf32>
        %parallel_loop3A_282 = arith.constant 16 : i32
        %parallel_loop3A_283 = vector.broadcast %parallel_loop3A_282 : i32 to vector<16xi32>
        %parallel_loop3A_284 = arith.shli %parallel_loop3A_275, %parallel_loop3A_283 : vector<16xi32>
        %parallel_loop3A_285 = vector.bitcast %parallel_loop3A_284 : vector<16xi32> to vector<16xf32>
        %parallel_loop3A_286 = arith.mulf %parallel_loop3A_281, %parallel_loop3A_285 : vector<16xf32>
        %parallel_loop3A_287 = arith.addf %parallel_loop3A_255, %parallel_loop3A_286 : vector<16xf32>
        %parallel_loop3A_288 = vector.bitcast %parallel_loop3A_274 : vector<16xi32> to vector<16xf32>
        %parallel_loop3A_289 = vector.bitcast %parallel_loop3A_275 : vector<16xi32> to vector<16xf32>
        %parallel_loop3A_290 = arith.mulf %parallel_loop3A_288, %parallel_loop3A_289 : vector<16xf32>
        %parallel_loop3A_291 = arith.addf %parallel_loop3A_259, %parallel_loop3A_290 : vector<16xf32>
        %parallel_loop3A_292 = arith.constant 16 : i32
        %parallel_loop3A_293 = vector.broadcast %parallel_loop3A_292 : i32 to vector<16xi32>
        %parallel_loop3A_294 = arith.shli %parallel_loop3A_276, %parallel_loop3A_293 : vector<16xi32>
        %parallel_loop3A_295 = vector.bitcast %parallel_loop3A_294 : vector<16xi32> to vector<16xf32>
        %parallel_loop3A_296 = arith.constant 16 : i32
        %parallel_loop3A_297 = vector.broadcast %parallel_loop3A_296 : i32 to vector<16xi32>
        %parallel_loop3A_298 = arith.shli %parallel_loop3A_277, %parallel_loop3A_297 : vector<16xi32>
        %parallel_loop3A_299 = vector.bitcast %parallel_loop3A_298 : vector<16xi32> to vector<16xf32>
        %parallel_loop3A_300 = arith.mulf %parallel_loop3A_295, %parallel_loop3A_299 : vector<16xf32>
        %parallel_loop3A_301 = arith.addf %parallel_loop3A_269, %parallel_loop3A_300 : vector<16xf32>
        %parallel_loop3A_302 = vector.bitcast %parallel_loop3A_276 : vector<16xi32> to vector<16xf32>
        %parallel_loop3A_303 = vector.bitcast %parallel_loop3A_277 : vector<16xi32> to vector<16xf32>
        %parallel_loop3A_304 = arith.mulf %parallel_loop3A_302, %parallel_loop3A_303 : vector<16xf32>
        %parallel_loop3A_305 = arith.addf %parallel_loop3A_273, %parallel_loop3A_304 : vector<16xf32>
        %parallel_loop3A_306 = tpu.vector_load_idx %arg10[%parallel_loop3A_160] : memref<10000xi32, #tpu.memory_space<vmem>>[vector<16xi32>], vector<16xi32>,
        %parallel_loop3A_307 = tpu.vector_load_idx %arg10[%parallel_loop3A_166] : memref<10000xi32, #tpu.memory_space<vmem>>[vector<16xi32>], vector<16xi32>,
        %parallel_loop3A_308 = tpu.vector_load_idx %arg10[%parallel_loop3A_163] : memref<10000xi32, #tpu.memory_space<vmem>>[vector<16xi32>], vector<16xi32>,
        %parallel_loop3A_309 = tpu.vector_load_idx %arg10[%parallel_loop3A_169] : memref<10000xi32, #tpu.memory_space<vmem>>[vector<16xi32>], vector<16xi32>,
        %parallel_loop3A_310 = arith.constant 16 : i32
        %parallel_loop3A_311 = vector.broadcast %parallel_loop3A_310 : i32 to vector<16xi32>
        %parallel_loop3A_312 = arith.shli %parallel_loop3A_306, %parallel_loop3A_311 : vector<16xi32>
        %parallel_loop3A_313 = vector.bitcast %parallel_loop3A_312 : vector<16xi32> to vector<16xf32>
        %parallel_loop3A_314 = arith.constant 16 : i32
        %parallel_loop3A_315 = vector.broadcast %parallel_loop3A_314 : i32 to vector<16xi32>
        %parallel_loop3A_316 = arith.shli %parallel_loop3A_307, %parallel_loop3A_315 : vector<16xi32>
        %parallel_loop3A_317 = vector.bitcast %parallel_loop3A_316 : vector<16xi32> to vector<16xf32>
        %parallel_loop3A_318 = arith.mulf %parallel_loop3A_313, %parallel_loop3A_317 : vector<16xf32>
        %parallel_loop3A_319 = arith.addf %parallel_loop3A_287, %parallel_loop3A_318 : vector<16xf32>
        %parallel_loop3A_320 = vector.bitcast %parallel_loop3A_306 : vector<16xi32> to vector<16xf32>
        %parallel_loop3A_321 = vector.bitcast %parallel_loop3A_307 : vector<16xi32> to vector<16xf32>
        %parallel_loop3A_322 = arith.mulf %parallel_loop3A_320, %parallel_loop3A_321 : vector<16xf32>
        %parallel_loop3A_323 = arith.addf %parallel_loop3A_291, %parallel_loop3A_322 : vector<16xf32>
        %parallel_loop3A_324 = arith.constant 16 : i32
        %parallel_loop3A_325 = vector.broadcast %parallel_loop3A_324 : i32 to vector<16xi32>
        %parallel_loop3A_326 = arith.shli %parallel_loop3A_308, %parallel_loop3A_325 : vector<16xi32>
        %parallel_loop3A_327 = vector.bitcast %parallel_loop3A_326 : vector<16xi32> to vector<16xf32>
        %parallel_loop3A_328 = arith.constant 16 : i32
        %parallel_loop3A_329 = vector.broadcast %parallel_loop3A_328 : i32 to vector<16xi32>
        %parallel_loop3A_330 = arith.shli %parallel_loop3A_309, %parallel_loop3A_329 : vector<16xi32>
        %parallel_loop3A_331 = vector.bitcast %parallel_loop3A_330 : vector<16xi32> to vector<16xf32>
        %parallel_loop3A_332 = arith.mulf %parallel_loop3A_327, %parallel_loop3A_331 : vector<16xf32>
        %parallel_loop3A_333 = arith.addf %parallel_loop3A_301, %parallel_loop3A_332 : vector<16xf32>
        %parallel_loop3A_334 = vector.bitcast %parallel_loop3A_308 : vector<16xi32> to vector<16xf32>
        %parallel_loop3A_335 = vector.bitcast %parallel_loop3A_309 : vector<16xi32> to vector<16xf32>
        %parallel_loop3A_336 = arith.mulf %parallel_loop3A_334, %parallel_loop3A_335 : vector<16xf32>
        %parallel_loop3A_337 = arith.addf %parallel_loop3A_305, %parallel_loop3A_336 : vector<16xf32>
        %parallel_loop3A_338 = tpu.vector_load_idx %arg11[%parallel_loop3A_160] : memref<10000xi32, #tpu.memory_space<vmem>>[vector<16xi32>], vector<16xi32>,
        %parallel_loop3A_339 = tpu.vector_load_idx %arg11[%parallel_loop3A_166] : memref<10000xi32, #tpu.memory_space<vmem>>[vector<16xi32>], vector<16xi32>,
        %parallel_loop3A_340 = tpu.vector_load_idx %arg11[%parallel_loop3A_163] : memref<10000xi32, #tpu.memory_space<vmem>>[vector<16xi32>], vector<16xi32>,
        %parallel_loop3A_341 = tpu.vector_load_idx %arg11[%parallel_loop3A_169] : memref<10000xi32, #tpu.memory_space<vmem>>[vector<16xi32>], vector<16xi32>,
        %parallel_loop3A_342 = arith.constant 16 : i32
        %parallel_loop3A_343 = vector.broadcast %parallel_loop3A_342 : i32 to vector<16xi32>
        %parallel_loop3A_344 = arith.shli %parallel_loop3A_338, %parallel_loop3A_343 : vector<16xi32>
        %parallel_loop3A_345 = vector.bitcast %parallel_loop3A_344 : vector<16xi32> to vector<16xf32>
        %parallel_loop3A_346 = arith.constant 16 : i32
        %parallel_loop3A_347 = vector.broadcast %parallel_loop3A_346 : i32 to vector<16xi32>
        %parallel_loop3A_348 = arith.shli %parallel_loop3A_339, %parallel_loop3A_347 : vector<16xi32>
        %parallel_loop3A_349 = vector.bitcast %parallel_loop3A_348 : vector<16xi32> to vector<16xf32>
        %parallel_loop3A_350 = arith.mulf %parallel_loop3A_345, %parallel_loop3A_349 : vector<16xf32>
        %parallel_loop3A_351 = arith.addf %parallel_loop3A_319, %parallel_loop3A_350 : vector<16xf32>
        %parallel_loop3A_352 = vector.bitcast %parallel_loop3A_338 : vector<16xi32> to vector<16xf32>
        %parallel_loop3A_353 = vector.bitcast %parallel_loop3A_339 : vector<16xi32> to vector<16xf32>
        %parallel_loop3A_354 = arith.mulf %parallel_loop3A_352, %parallel_loop3A_353 : vector<16xf32>
        %parallel_loop3A_355 = arith.addf %parallel_loop3A_323, %parallel_loop3A_354 : vector<16xf32>
        %parallel_loop3A_356 = arith.constant 16 : i32
        %parallel_loop3A_357 = vector.broadcast %parallel_loop3A_356 : i32 to vector<16xi32>
        %parallel_loop3A_358 = arith.shli %parallel_loop3A_340, %parallel_loop3A_357 : vector<16xi32>
        %parallel_loop3A_359 = vector.bitcast %parallel_loop3A_358 : vector<16xi32> to vector<16xf32>
        %parallel_loop3A_360 = arith.constant 16 : i32
        %parallel_loop3A_361 = vector.broadcast %parallel_loop3A_360 : i32 to vector<16xi32>
        %parallel_loop3A_362 = arith.shli %parallel_loop3A_341, %parallel_loop3A_361 : vector<16xi32>
        %parallel_loop3A_363 = vector.bitcast %parallel_loop3A_362 : vector<16xi32> to vector<16xf32>
        %parallel_loop3A_364 = arith.mulf %parallel_loop3A_359, %parallel_loop3A_363 : vector<16xf32>
        %parallel_loop3A_365 = arith.addf %parallel_loop3A_333, %parallel_loop3A_364 : vector<16xf32>
        %parallel_loop3A_366 = vector.bitcast %parallel_loop3A_340 : vector<16xi32> to vector<16xf32>
        %parallel_loop3A_367 = vector.bitcast %parallel_loop3A_341 : vector<16xi32> to vector<16xf32>
        %parallel_loop3A_368 = arith.mulf %parallel_loop3A_366, %parallel_loop3A_367 : vector<16xf32>
        %parallel_loop3A_369 = arith.addf %parallel_loop3A_337, %parallel_loop3A_368 : vector<16xf32>
        %parallel_loop3A_370 = tpu.vector_load_idx %arg12[%parallel_loop3A_160] : memref<10000xi32, #tpu.memory_space<vmem>>[vector<16xi32>], vector<16xi32>,
        %parallel_loop3A_371 = tpu.vector_load_idx %arg12[%parallel_loop3A_166] : memref<10000xi32, #tpu.memory_space<vmem>>[vector<16xi32>], vector<16xi32>,
        %parallel_loop3A_372 = tpu.vector_load_idx %arg12[%parallel_loop3A_163] : memref<10000xi32, #tpu.memory_space<vmem>>[vector<16xi32>], vector<16xi32>,
        %parallel_loop3A_373 = tpu.vector_load_idx %arg12[%parallel_loop3A_169] : memref<10000xi32, #tpu.memory_space<vmem>>[vector<16xi32>], vector<16xi32>,
        %parallel_loop3A_374 = arith.constant 16 : i32
        %parallel_loop3A_375 = vector.broadcast %parallel_loop3A_374 : i32 to vector<16xi32>
        %parallel_loop3A_376 = arith.shli %parallel_loop3A_370, %parallel_loop3A_375 : vector<16xi32>
        %parallel_loop3A_377 = vector.bitcast %parallel_loop3A_376 : vector<16xi32> to vector<16xf32>
        %parallel_loop3A_378 = arith.constant 16 : i32
        %parallel_loop3A_379 = vector.broadcast %parallel_loop3A_378 : i32 to vector<16xi32>
        %parallel_loop3A_380 = arith.shli %parallel_loop3A_371, %parallel_loop3A_379 : vector<16xi32>
        %parallel_loop3A_381 = vector.bitcast %parallel_loop3A_380 : vector<16xi32> to vector<16xf32>
        %parallel_loop3A_382 = arith.mulf %parallel_loop3A_377, %parallel_loop3A_381 : vector<16xf32>
        %parallel_loop3A_383 = arith.addf %parallel_loop3A_351, %parallel_loop3A_382 : vector<16xf32>
        %parallel_loop3A_384 = vector.bitcast %parallel_loop3A_370 : vector<16xi32> to vector<16xf32>
        %parallel_loop3A_385 = vector.bitcast %parallel_loop3A_371 : vector<16xi32> to vector<16xf32>
        %parallel_loop3A_386 = arith.mulf %parallel_loop3A_384, %parallel_loop3A_385 : vector<16xf32>
        %parallel_loop3A_387 = arith.addf %parallel_loop3A_355, %parallel_loop3A_386 : vector<16xf32>
        %parallel_loop3A_388 = arith.constant 16 : i32
        %parallel_loop3A_389 = vector.broadcast %parallel_loop3A_388 : i32 to vector<16xi32>
        %parallel_loop3A_390 = arith.shli %parallel_loop3A_372, %parallel_loop3A_389 : vector<16xi32>
        %parallel_loop3A_391 = vector.bitcast %parallel_loop3A_390 : vector<16xi32> to vector<16xf32>
        %parallel_loop3A_392 = arith.constant 16 : i32
        %parallel_loop3A_393 = vector.broadcast %parallel_loop3A_392 : i32 to vector<16xi32>
        %parallel_loop3A_394 = arith.shli %parallel_loop3A_373, %parallel_loop3A_393 : vector<16xi32>
        %parallel_loop3A_395 = vector.bitcast %parallel_loop3A_394 : vector<16xi32> to vector<16xf32>
        %parallel_loop3A_396 = arith.mulf %parallel_loop3A_391, %parallel_loop3A_395 : vector<16xf32>
        %parallel_loop3A_397 = arith.addf %parallel_loop3A_365, %parallel_loop3A_396 : vector<16xf32>
        %parallel_loop3A_398 = vector.bitcast %parallel_loop3A_372 : vector<16xi32> to vector<16xf32>
        %parallel_loop3A_399 = vector.bitcast %parallel_loop3A_373 : vector<16xi32> to vector<16xf32>
        %parallel_loop3A_400 = arith.mulf %parallel_loop3A_398, %parallel_loop3A_399 : vector<16xf32>
        %parallel_loop3A_401 = arith.addf %parallel_loop3A_369, %parallel_loop3A_400 : vector<16xf32>
        %parallel_loop3A_402 = tpu.vector_load_idx %arg13[%parallel_loop3A_160] : memref<10000xi32, #tpu.memory_space<vmem>>[vector<16xi32>], vector<16xi32>,
        %parallel_loop3A_403 = tpu.vector_load_idx %arg13[%parallel_loop3A_166] : memref<10000xi32, #tpu.memory_space<vmem>>[vector<16xi32>], vector<16xi32>,
        %parallel_loop3A_404 = tpu.vector_load_idx %arg13[%parallel_loop3A_163] : memref<10000xi32, #tpu.memory_space<vmem>>[vector<16xi32>], vector<16xi32>,
        %parallel_loop3A_405 = tpu.vector_load_idx %arg13[%parallel_loop3A_169] : memref<10000xi32, #tpu.memory_space<vmem>>[vector<16xi32>], vector<16xi32>,
        %parallel_loop3A_406 = arith.constant 16 : i32
        %parallel_loop3A_407 = vector.broadcast %parallel_loop3A_406 : i32 to vector<16xi32>
        %parallel_loop3A_408 = arith.shli %parallel_loop3A_402, %parallel_loop3A_407 : vector<16xi32>
        %parallel_loop3A_409 = vector.bitcast %parallel_loop3A_408 : vector<16xi32> to vector<16xf32>
        %parallel_loop3A_410 = arith.constant 16 : i32
        %parallel_loop3A_411 = vector.broadcast %parallel_loop3A_410 : i32 to vector<16xi32>
        %parallel_loop3A_412 = arith.shli %parallel_loop3A_403, %parallel_loop3A_411 : vector<16xi32>
        %parallel_loop3A_413 = vector.bitcast %parallel_loop3A_412 : vector<16xi32> to vector<16xf32>
        %parallel_loop3A_414 = arith.mulf %parallel_loop3A_409, %parallel_loop3A_413 : vector<16xf32>
        %parallel_loop3A_415 = arith.addf %parallel_loop3A_383, %parallel_loop3A_414 : vector<16xf32>
        %parallel_loop3A_416 = vector.bitcast %parallel_loop3A_402 : vector<16xi32> to vector<16xf32>
        %parallel_loop3A_417 = vector.bitcast %parallel_loop3A_403 : vector<16xi32> to vector<16xf32>
        %parallel_loop3A_418 = arith.mulf %parallel_loop3A_416, %parallel_loop3A_417 : vector<16xf32>
        %parallel_loop3A_419 = arith.addf %parallel_loop3A_387, %parallel_loop3A_418 : vector<16xf32>
        %parallel_loop3A_420 = arith.constant 16 : i32
        %parallel_loop3A_421 = vector.broadcast %parallel_loop3A_420 : i32 to vector<16xi32>
        %parallel_loop3A_422 = arith.shli %parallel_loop3A_404, %parallel_loop3A_421 : vector<16xi32>
        %parallel_loop3A_423 = vector.bitcast %parallel_loop3A_422 : vector<16xi32> to vector<16xf32>
        %parallel_loop3A_424 = arith.constant 16 : i32
        %parallel_loop3A_425 = vector.broadcast %parallel_loop3A_424 : i32 to vector<16xi32>
        %parallel_loop3A_426 = arith.shli %parallel_loop3A_405, %parallel_loop3A_425 : vector<16xi32>
        %parallel_loop3A_427 = vector.bitcast %parallel_loop3A_426 : vector<16xi32> to vector<16xf32>
        %parallel_loop3A_428 = arith.mulf %parallel_loop3A_423, %parallel_loop3A_427 : vector<16xf32>
        %parallel_loop3A_429 = arith.addf %parallel_loop3A_397, %parallel_loop3A_428 : vector<16xf32>
        %parallel_loop3A_430 = vector.bitcast %parallel_loop3A_404 : vector<16xi32> to vector<16xf32>
        %parallel_loop3A_431 = vector.bitcast %parallel_loop3A_405 : vector<16xi32> to vector<16xf32>
        %parallel_loop3A_432 = arith.mulf %parallel_loop3A_430, %parallel_loop3A_431 : vector<16xf32>
        %parallel_loop3A_433 = arith.addf %parallel_loop3A_401, %parallel_loop3A_432 : vector<16xf32>
        %parallel_loop3A_434 = arith.addf %parallel_loop3A_415, %parallel_loop3A_419 : vector<16xf32>
        %parallel_loop3A_435 = arith.constant 16 : i32
        %parallel_loop3A_436 = arith.muli %parallel_loop3A_145, %parallel_loop3A_435 : i32
        %parallel_loop3A_437 = arith.constant 0 : i32
        %parallel_loop3A_438 = arith.index_cast %parallel_loop3A_437 : i32 to index
        %parallel_loop3A_439 = arith.index_cast %parallel_loop3A_436 : i32 to index
        %parallel_loop3A_440 = tpu.vector_load %arg16[%parallel_loop3A_438, %parallel_loop3A_439] {strides = array<i32>} : memref<2x2000xf32, #tpu.memory_space<vmem>>, vector<16xf32>,
        tpu.vector_store %arg16[%parallel_loop3A_438, %parallel_loop3A_439], %parallel_loop3A_434 {strides = array<i32>} : memref<2x2000xf32, #tpu.memory_space<vmem>>, vector<16xf32>,
        %parallel_loop3A_441 = arith.addf %parallel_loop3A_429, %parallel_loop3A_433 : vector<16xf32>
        %parallel_loop3A_442 = arith.constant 16 : i32
        %parallel_loop3A_443 = arith.muli %parallel_loop3A_145, %parallel_loop3A_442 : i32
        %parallel_loop3A_444 = arith.constant 1 : i32
        %parallel_loop3A_445 = arith.index_cast %parallel_loop3A_444 : i32 to index
        %parallel_loop3A_446 = arith.index_cast %parallel_loop3A_443 : i32 to index
        %parallel_loop3A_447 = tpu.vector_load %arg16[%parallel_loop3A_445, %parallel_loop3A_446] {strides = array<i32>} : memref<2x2000xf32, #tpu.memory_space<vmem>>, vector<16xf32>,
        tpu.vector_store %arg16[%parallel_loop3A_445, %parallel_loop3A_446], %parallel_loop3A_441 {strides = array<i32>} : memref<2x2000xf32, #tpu.memory_space<vmem>>, vector<16xf32>,
      } {sc.loop_unroll_factor = 5 : i64, sc.parallel_access}
      %mul3A_102 = arith.constant 20 : i32
      %mul3A_103 = arith.muli %select_n3A_28, %mul3A_102 : i32
      %add3A_104 = arith.addi %mul3A_103, %mul3A_76 : i32
      %dma_start3A_105 = arith.constant 0 : i32
      %dma_start3A_106 = tpu.memref_slice %arg18[%add3A_104, %dma_start3A_105] : memref<40x2xi32, #tpu.memory_space<vmem>> -> memref<1x2xi32, #tpu.memory_space<vmem>>
      %dma_start3A_107 = tpu.memref_squeeze %dma_start3A_106 : memref<1x2xi32, #tpu.memory_space<vmem>> -> memref<2xi32, #tpu.memory_space<vmem>>
      %dma_start3A_108 = arith.constant 0 : i32
      %dma_start3A_109 = arith.constant 0 : i32
      %dma_start3A_110 = tpu.memref_slice %arg20[%dma_start3A_108, %dma_start3A_109] : memref<80x2000xf32, #tpu.memory_space<vmem_shared>> -> memref<80x2000xf32, #tpu.memory_space<vmem_shared>>
      tpu.enqueue_indirect_dma source(%arg16 : memref<2x2000xf32, #tpu.memory_space<vmem>>) target(%dma_start3A_110 : memref<80x2000xf32, #tpu.memory_space<vmem_shared>>) offsets(%dma_start3A_107 : memref<2xi32, #tpu.memory_space<vmem>>) semaphore(%arg23 : memref<!tpu.dma_semaphore, #tpu.memory_space<semaphore_mem>>) {add = true}
      %le3A = arith.constant 8 : i32
      %le3A_111 = arith.cmpi sle, %scan3A_74, %le3A : i32
      %convert_element_type3A_112 = arith.extui %le3A_111 : i1 to i32
      %cond3A_113 = arith.constant 0 : i32
      %cond3A_114 = arith.cmpi ne, %convert_element_type3A_112, %cond3A_113 : i32
      scf.if %cond3A_114 {
        %add3A_145 = arith.constant 2 : i32
        %add3A_146 = arith.addi %mul3A_76, %add3A_145 : i32
        %dma_start3A_147 = arith.constant 0 : i32
        %dma_start3A_148 = arith.constant 0 : i32
        %dma_start3A_149 = tpu.memref_slice %arg3[%arg0, %select_n3A_28, %add3A_146, %dma_start3A_147, %dma_start3A_148] : memref<2x2x20x2x2000xi32, #tpu.memory_space<hbm>> -> memref<1x1x1x2x2000xi32, #tpu.memory_space<hbm>>
        %dma_start3A_150 = tpu.memref_squeeze %dma_start3A_149 : memref<1x1x1x2x2000xi32, #tpu.memory_space<hbm>> -> memref<2x2000xi32, #tpu.memory_space<hbm>>
        %dma_start3A_151 = arith.constant 0 : i32
        %dma_start3A_152 = arith.constant 0 : i32
        %dma_start3A_153 = tpu.memref_slice %arg3[%arg0, %select_n3A_28, %add3A_146, %dma_start3A_151, %dma_start3A_152] : memref<2x2x20x2x2000xi32, #tpu.memory_space<hbm>> -> memref<1x1x1x2x2000xi32, #tpu.memory_space<hbm>>
        %dma_start3A_154 = tpu.memref_squeeze %dma_start3A_153 : memref<1x1x1x2x2000xi32, #tpu.memory_space<hbm>> -> memref<2x2000xi32, #tpu.memory_space<hbm>>
        tpu.enqueue_dma source(%dma_start3A_154 : memref<2x2000xi32, #tpu.memory_space<hbm>>) target(%arg14 : memref<2x2000xi32, #tpu.memory_space<vmem>>) target_semaphore(%arg21 : memref<!tpu.dma_semaphore, #tpu.memory_space<semaphore_mem>>)
      } else {
      }
      %dma_wait3A_115 = arith.constant 0 : i32
      %dma_wait3A_116 = arith.constant 0 : i32
      %dma_wait3A_117 = arith.constant 0 : i32
      %dma_wait3A_118 = arith.constant 0 : i32
      %dma_wait3A_119 = arith.constant 0 : i32
      %dma_wait3A_120 = tpu.memref_slice %arg3[%dma_wait3A_115, %dma_wait3A_116, %dma_wait3A_117, %dma_wait3A_118, %dma_wait3A_119] : memref<2x2x20x2x2000xi32, #tpu.memory_space<hbm>> -> memref<1x1x1x2x2000xi32, #tpu.memory_space<hbm>>
      %dma_wait3A_121 = tpu.memref_squeeze %dma_wait3A_120 : memref<1x1x1x2x2000xi32, #tpu.memory_space<hbm>> -> memref<2x2000xi32, #tpu.memory_space<hbm>>
      %dma_wait3A_122 = arith.constant 0 : i32
      %dma_wait3A_123 = arith.constant 0 : i32
      %dma_wait3A_124 = tpu.memref_slice %arg3[%dma_wait3A_115, %dma_wait3A_116, %dma_wait3A_117, %dma_wait3A_122, %dma_wait3A_123] : memref<2x2x20x2x2000xi32, #tpu.memory_space<hbm>> -> memref<1x1x1x2x2000xi32, #tpu.memory_space<hbm>>
      %dma_wait3A_125 = tpu.memref_squeeze %dma_wait3A_124 : memref<1x1x1x2x2000xi32, #tpu.memory_space<hbm>> -> memref<2x2000xi32, #tpu.memory_space<hbm>>
      tpu.wait_dma2 semaphore(%arg22 : memref<!tpu.dma_semaphore, #tpu.memory_space<semaphore_mem>>) src(%dma_wait3A_125 : memref<2x2000xi32, #tpu.memory_space<hbm>>) dst(%arg15 : memref<2x2000xi32, #tpu.memory_space<vmem>>)
      %ge3A_126 = arith.constant 1 : i32
      %ge3A_127 = arith.cmpi sge, %scan3A_74, %ge3A_126 : i32
      %convert_element_type3A_128 = arith.extui %ge3A_127 : i1 to i32
      %cond3A_129 = arith.constant 0 : i32
      %cond3A_130 = arith.cmpi ne, %convert_element_type3A_128, %cond3A_129 : i32
      scf.if %cond3A_130 {
        %dma_wait3A_145 = arith.constant 0 : i32
        %dma_wait3A_146 = arith.constant 0 : i32
        %dma_wait3A_147 = tpu.memref_slice %arg18[%dma_wait3A_145, %dma_wait3A_146] : memref<40x2xi32, #tpu.memory_space<vmem>> -> memref<1x2xi32, #tpu.memory_space<vmem>>
        %dma_wait3A_148 = tpu.memref_squeeze %dma_wait3A_147 : memref<1x2xi32, #tpu.memory_space<vmem>> -> memref<2xi32, #tpu.memory_space<vmem>>
        %dma_wait3A_149 = arith.constant 0 : i32
        %dma_wait3A_150 = arith.constant 0 : i32
        %dma_wait3A_151 = tpu.memref_slice %arg20[%dma_wait3A_149, %dma_wait3A_150] : memref<80x2000xf32, #tpu.memory_space<vmem_shared>> -> memref<80x2000xf32, #tpu.memory_space<vmem_shared>>
        tpu.wait_indirect_dma semaphore(%arg24 : memref<!tpu.dma_semaphore, #tpu.memory_space<semaphore_mem>>) src(%arg17 : memref<2x2000xf32, #tpu.memory_space<vmem>>) dst(%dma_wait3A_151 : memref<80x2000xf32, #tpu.memory_space<vmem_shared>>)
      } else {
      }
      %parallel_loop3A_131 = arith.constant 0 : i32
      %parallel_loop3A_132 = arith.constant 125 : i32
      %parallel_loop3A_133 = arith.constant 1 : i32
      scf.for %parallel_loop3A_145 = %parallel_loop3A_131 to %parallel_loop3A_132 step %parallel_loop3A_133  : i32 {
        %parallel_loop3A_146 = arith.constant 16 : i32
        %parallel_loop3A_147 = arith.muli %parallel_loop3A_145, %parallel_loop3A_146 : i32
        %parallel_loop3A_148 = arith.constant 0 : i32
        %parallel_loop3A_149 = arith.index_cast %parallel_loop3A_148 : i32 to index
        %parallel_loop3A_150 = arith.index_cast %parallel_loop3A_147 : i32 to index
        %parallel_loop3A_151 = tpu.vector_load %arg15[%parallel_loop3A_149, %parallel_loop3A_150] {strides = array<i32>} : memref<2x2000xi32, #tpu.memory_space<vmem>>, vector<16xi32>,
        %parallel_loop3A_152 = arith.constant 16 : i32
        %parallel_loop3A_153 = arith.muli %parallel_loop3A_145, %parallel_loop3A_152 : i32
        %parallel_loop3A_154 = arith.constant 1 : i32
        %parallel_loop3A_155 = arith.index_cast %parallel_loop3A_154 : i32 to index
        %parallel_loop3A_156 = arith.index_cast %parallel_loop3A_153 : i32 to index
        %parallel_loop3A_157 = tpu.vector_load %arg15[%parallel_loop3A_155, %parallel_loop3A_156] {strides = array<i32>} : memref<2x2000xi32, #tpu.memory_space<vmem>>, vector<16xi32>,
        %parallel_loop3A_158 = arith.constant 65535 : i32
        %parallel_loop3A_159 = vector.broadcast %parallel_loop3A_158 : i32 to vector<16xi32>
        %parallel_loop3A_160 = arith.andi %parallel_loop3A_151, %parallel_loop3A_159 : vector<16xi32>
        %parallel_loop3A_161 = arith.constant 16 : i32
        %parallel_loop3A_162 = vector.broadcast %parallel_loop3A_161 : i32 to vector<16xi32>
        %parallel_loop3A_163 = arith.shrui %parallel_loop3A_151, %parallel_loop3A_162 : vector<16xi32>
        %parallel_loop3A_164 = arith.constant 65535 : i32
        %parallel_loop3A_165 = vector.broadcast %parallel_loop3A_164 : i32 to vector<16xi32>
        %parallel_loop3A_166 = arith.andi %parallel_loop3A_157, %parallel_loop3A_165 : vector<16xi32>
        %parallel_loop3A_167 = arith.constant 16 : i32
        %parallel_loop3A_168 = vector.broadcast %parallel_loop3A_167 : i32 to vector<16xi32>
        %parallel_loop3A_169 = arith.shrui %parallel_loop3A_157, %parallel_loop3A_168 : vector<16xi32>
        %parallel_loop3A_170 = arith.constant 0.000000e+00 : f32
        %parallel_loop3A_171 = vector.broadcast %parallel_loop3A_170 : f32 to vector<16xf32>
        %parallel_loop3A_172 = arith.constant 0.000000e+00 : f32
        %parallel_loop3A_173 = vector.broadcast %parallel_loop3A_172 : f32 to vector<16xf32>
        %parallel_loop3A_174 = arith.constant 0.000000e+00 : f32
        %parallel_loop3A_175 = vector.broadcast %parallel_loop3A_174 : f32 to vector<16xf32>
        %parallel_loop3A_176 = arith.constant 0.000000e+00 : f32
        %parallel_loop3A_177 = vector.broadcast %parallel_loop3A_176 : f32 to vector<16xf32>
        %parallel_loop3A_178 = tpu.vector_load_idx %arg6[%parallel_loop3A_160] : memref<10000xi32, #tpu.memory_space<vmem>>[vector<16xi32>], vector<16xi32>,
        %parallel_loop3A_179 = tpu.vector_load_idx %arg6[%parallel_loop3A_166] : memref<10000xi32, #tpu.memory_space<vmem>>[vector<16xi32>], vector<16xi32>,
        %parallel_loop3A_180 = tpu.vector_load_idx %arg6[%parallel_loop3A_163] : memref<10000xi32, #tpu.memory_space<vmem>>[vector<16xi32>], vector<16xi32>,
        %parallel_loop3A_181 = tpu.vector_load_idx %arg6[%parallel_loop3A_169] : memref<10000xi32, #tpu.memory_space<vmem>>[vector<16xi32>], vector<16xi32>,
        %parallel_loop3A_182 = arith.constant 16 : i32
        %parallel_loop3A_183 = vector.broadcast %parallel_loop3A_182 : i32 to vector<16xi32>
        %parallel_loop3A_184 = arith.shli %parallel_loop3A_178, %parallel_loop3A_183 : vector<16xi32>
        %parallel_loop3A_185 = vector.bitcast %parallel_loop3A_184 : vector<16xi32> to vector<16xf32>
        %parallel_loop3A_186 = arith.constant 16 : i32
        %parallel_loop3A_187 = vector.broadcast %parallel_loop3A_186 : i32 to vector<16xi32>
        %parallel_loop3A_188 = arith.shli %parallel_loop3A_179, %parallel_loop3A_187 : vector<16xi32>
        %parallel_loop3A_189 = vector.bitcast %parallel_loop3A_188 : vector<16xi32> to vector<16xf32>
        %parallel_loop3A_190 = arith.mulf %parallel_loop3A_185, %parallel_loop3A_189 : vector<16xf32>
        %parallel_loop3A_191 = arith.addf %parallel_loop3A_171, %parallel_loop3A_190 : vector<16xf32>
        %parallel_loop3A_192 = vector.bitcast %parallel_loop3A_178 : vector<16xi32> to vector<16xf32>
        %parallel_loop3A_193 = vector.bitcast %parallel_loop3A_179 : vector<16xi32> to vector<16xf32>
        %parallel_loop3A_194 = arith.mulf %parallel_loop3A_192, %parallel_loop3A_193 : vector<16xf32>
        %parallel_loop3A_195 = arith.addf %parallel_loop3A_173, %parallel_loop3A_194 : vector<16xf32>
        %parallel_loop3A_196 = arith.constant 16 : i32
        %parallel_loop3A_197 = vector.broadcast %parallel_loop3A_196 : i32 to vector<16xi32>
        %parallel_loop3A_198 = arith.shli %parallel_loop3A_180, %parallel_loop3A_197 : vector<16xi32>
        %parallel_loop3A_199 = vector.bitcast %parallel_loop3A_198 : vector<16xi32> to vector<16xf32>
        %parallel_loop3A_200 = arith.constant 16 : i32
        %parallel_loop3A_201 = vector.broadcast %parallel_loop3A_200 : i32 to vector<16xi32>
        %parallel_loop3A_202 = arith.shli %parallel_loop3A_181, %parallel_loop3A_201 : vector<16xi32>
        %parallel_loop3A_203 = vector.bitcast %parallel_loop3A_202 : vector<16xi32> to vector<16xf32>
        %parallel_loop3A_204 = arith.mulf %parallel_loop3A_199, %parallel_loop3A_203 : vector<16xf32>
        %parallel_loop3A_205 = arith.addf %parallel_loop3A_175, %parallel_loop3A_204 : vector<16xf32>
        %parallel_loop3A_206 = vector.bitcast %parallel_loop3A_180 : vector<16xi32> to vector<16xf32>
        %parallel_loop3A_207 = vector.bitcast %parallel_loop3A_181 : vector<16xi32> to vector<16xf32>
        %parallel_loop3A_208 = arith.mulf %parallel_loop3A_206, %parallel_loop3A_207 : vector<16xf32>
        %parallel_loop3A_209 = arith.addf %parallel_loop3A_177, %parallel_loop3A_208 : vector<16xf32>
        %parallel_loop3A_210 = tpu.vector_load_idx %arg7[%parallel_loop3A_160] : memref<10000xi32, #tpu.memory_space<vmem>>[vector<16xi32>], vector<16xi32>,
        %parallel_loop3A_211 = tpu.vector_load_idx %arg7[%parallel_loop3A_166] : memref<10000xi32, #tpu.memory_space<vmem>>[vector<16xi32>], vector<16xi32>,
        %parallel_loop3A_212 = tpu.vector_load_idx %arg7[%parallel_loop3A_163] : memref<10000xi32, #tpu.memory_space<vmem>>[vector<16xi32>], vector<16xi32>,
        %parallel_loop3A_213 = tpu.vector_load_idx %arg7[%parallel_loop3A_169] : memref<10000xi32, #tpu.memory_space<vmem>>[vector<16xi32>], vector<16xi32>,
        %parallel_loop3A_214 = arith.constant 16 : i32
        %parallel_loop3A_215 = vector.broadcast %parallel_loop3A_214 : i32 to vector<16xi32>
        %parallel_loop3A_216 = arith.shli %parallel_loop3A_210, %parallel_loop3A_215 : vector<16xi32>
        %parallel_loop3A_217 = vector.bitcast %parallel_loop3A_216 : vector<16xi32> to vector<16xf32>
        %parallel_loop3A_218 = arith.constant 16 : i32
        %parallel_loop3A_219 = vector.broadcast %parallel_loop3A_218 : i32 to vector<16xi32>
        %parallel_loop3A_220 = arith.shli %parallel_loop3A_211, %parallel_loop3A_219 : vector<16xi32>
        %parallel_loop3A_221 = vector.bitcast %parallel_loop3A_220 : vector<16xi32> to vector<16xf32>
        %parallel_loop3A_222 = arith.mulf %parallel_loop3A_217, %parallel_loop3A_221 : vector<16xf32>
        %parallel_loop3A_223 = arith.addf %parallel_loop3A_191, %parallel_loop3A_222 : vector<16xf32>
        %parallel_loop3A_224 = vector.bitcast %parallel_loop3A_210 : vector<16xi32> to vector<16xf32>
        %parallel_loop3A_225 = vector.bitcast %parallel_loop3A_211 : vector<16xi32> to vector<16xf32>
        %parallel_loop3A_226 = arith.mulf %parallel_loop3A_224, %parallel_loop3A_225 : vector<16xf32>
        %parallel_loop3A_227 = arith.addf %parallel_loop3A_195, %parallel_loop3A_226 : vector<16xf32>
        %parallel_loop3A_228 = arith.constant 16 : i32
        %parallel_loop3A_229 = vector.broadcast %parallel_loop3A_228 : i32 to vector<16xi32>
        %parallel_loop3A_230 = arith.shli %parallel_loop3A_212, %parallel_loop3A_229 : vector<16xi32>
        %parallel_loop3A_231 = vector.bitcast %parallel_loop3A_230 : vector<16xi32> to vector<16xf32>
        %parallel_loop3A_232 = arith.constant 16 : i32
        %parallel_loop3A_233 = vector.broadcast %parallel_loop3A_232 : i32 to vector<16xi32>
        %parallel_loop3A_234 = arith.shli %parallel_loop3A_213, %parallel_loop3A_233 : vector<16xi32>
        %parallel_loop3A_235 = vector.bitcast %parallel_loop3A_234 : vector<16xi32> to vector<16xf32>
        %parallel_loop3A_236 = arith.mulf %parallel_loop3A_231, %parallel_loop3A_235 : vector<16xf32>
        %parallel_loop3A_237 = arith.addf %parallel_loop3A_205, %parallel_loop3A_236 : vector<16xf32>
        %parallel_loop3A_238 = vector.bitcast %parallel_loop3A_212 : vector<16xi32> to vector<16xf32>
        %parallel_loop3A_239 = vector.bitcast %parallel_loop3A_213 : vector<16xi32> to vector<16xf32>
        %parallel_loop3A_240 = arith.mulf %parallel_loop3A_238, %parallel_loop3A_239 : vector<16xf32>
        %parallel_loop3A_241 = arith.addf %parallel_loop3A_209, %parallel_loop3A_240 : vector<16xf32>
        %parallel_loop3A_242 = tpu.vector_load_idx %arg8[%parallel_loop3A_160] : memref<10000xi32, #tpu.memory_space<vmem>>[vector<16xi32>], vector<16xi32>,
        %parallel_loop3A_243 = tpu.vector_load_idx %arg8[%parallel_loop3A_166] : memref<10000xi32, #tpu.memory_space<vmem>>[vector<16xi32>], vector<16xi32>,
        %parallel_loop3A_244 = tpu.vector_load_idx %arg8[%parallel_loop3A_163] : memref<10000xi32, #tpu.memory_space<vmem>>[vector<16xi32>], vector<16xi32>,
        %parallel_loop3A_245 = tpu.vector_load_idx %arg8[%parallel_loop3A_169] : memref<10000xi32, #tpu.memory_space<vmem>>[vector<16xi32>], vector<16xi32>,
        %parallel_loop3A_246 = arith.constant 16 : i32
        %parallel_loop3A_247 = vector.broadcast %parallel_loop3A_246 : i32 to vector<16xi32>
        %parallel_loop3A_248 = arith.shli %parallel_loop3A_242, %parallel_loop3A_247 : vector<16xi32>
        %parallel_loop3A_249 = vector.bitcast %parallel_loop3A_248 : vector<16xi32> to vector<16xf32>
        %parallel_loop3A_250 = arith.constant 16 : i32
        %parallel_loop3A_251 = vector.broadcast %parallel_loop3A_250 : i32 to vector<16xi32>
        %parallel_loop3A_252 = arith.shli %parallel_loop3A_243, %parallel_loop3A_251 : vector<16xi32>
        %parallel_loop3A_253 = vector.bitcast %parallel_loop3A_252 : vector<16xi32> to vector<16xf32>
        %parallel_loop3A_254 = arith.mulf %parallel_loop3A_249, %parallel_loop3A_253 : vector<16xf32>
        %parallel_loop3A_255 = arith.addf %parallel_loop3A_223, %parallel_loop3A_254 : vector<16xf32>
        %parallel_loop3A_256 = vector.bitcast %parallel_loop3A_242 : vector<16xi32> to vector<16xf32>
        %parallel_loop3A_257 = vector.bitcast %parallel_loop3A_243 : vector<16xi32> to vector<16xf32>
        %parallel_loop3A_258 = arith.mulf %parallel_loop3A_256, %parallel_loop3A_257 : vector<16xf32>
        %parallel_loop3A_259 = arith.addf %parallel_loop3A_227, %parallel_loop3A_258 : vector<16xf32>
        %parallel_loop3A_260 = arith.constant 16 : i32
        %parallel_loop3A_261 = vector.broadcast %parallel_loop3A_260 : i32 to vector<16xi32>
        %parallel_loop3A_262 = arith.shli %parallel_loop3A_244, %parallel_loop3A_261 : vector<16xi32>
        %parallel_loop3A_263 = vector.bitcast %parallel_loop3A_262 : vector<16xi32> to vector<16xf32>
        %parallel_loop3A_264 = arith.constant 16 : i32
        %parallel_loop3A_265 = vector.broadcast %parallel_loop3A_264 : i32 to vector<16xi32>
        %parallel_loop3A_266 = arith.shli %parallel_loop3A_245, %parallel_loop3A_265 : vector<16xi32>
        %parallel_loop3A_267 = vector.bitcast %parallel_loop3A_266 : vector<16xi32> to vector<16xf32>
        %parallel_loop3A_268 = arith.mulf %parallel_loop3A_263, %parallel_loop3A_267 : vector<16xf32>
        %parallel_loop3A_269 = arith.addf %parallel_loop3A_237, %parallel_loop3A_268 : vector<16xf32>
        %parallel_loop3A_270 = vector.bitcast %parallel_loop3A_244 : vector<16xi32> to vector<16xf32>
        %parallel_loop3A_271 = vector.bitcast %parallel_loop3A_245 : vector<16xi32> to vector<16xf32>
        %parallel_loop3A_272 = arith.mulf %parallel_loop3A_270, %parallel_loop3A_271 : vector<16xf32>
        %parallel_loop3A_273 = arith.addf %parallel_loop3A_241, %parallel_loop3A_272 : vector<16xf32>
        %parallel_loop3A_274 = tpu.vector_load_idx %arg9[%parallel_loop3A_160] : memref<10000xi32, #tpu.memory_space<vmem>>[vector<16xi32>], vector<16xi32>,
        %parallel_loop3A_275 = tpu.vector_load_idx %arg9[%parallel_loop3A_166] : memref<10000xi32, #tpu.memory_space<vmem>>[vector<16xi32>], vector<16xi32>,
        %parallel_loop3A_276 = tpu.vector_load_idx %arg9[%parallel_loop3A_163] : memref<10000xi32, #tpu.memory_space<vmem>>[vector<16xi32>], vector<16xi32>,
        %parallel_loop3A_277 = tpu.vector_load_idx %arg9[%parallel_loop3A_169] : memref<10000xi32, #tpu.memory_space<vmem>>[vector<16xi32>], vector<16xi32>,
        %parallel_loop3A_278 = arith.constant 16 : i32
        %parallel_loop3A_279 = vector.broadcast %parallel_loop3A_278 : i32 to vector<16xi32>
        %parallel_loop3A_280 = arith.shli %parallel_loop3A_274, %parallel_loop3A_279 : vector<16xi32>
        %parallel_loop3A_281 = vector.bitcast %parallel_loop3A_280 : vector<16xi32> to vector<16xf32>
        %parallel_loop3A_282 = arith.constant 16 : i32
        %parallel_loop3A_283 = vector.broadcast %parallel_loop3A_282 : i32 to vector<16xi32>
        %parallel_loop3A_284 = arith.shli %parallel_loop3A_275, %parallel_loop3A_283 : vector<16xi32>
        %parallel_loop3A_285 = vector.bitcast %parallel_loop3A_284 : vector<16xi32> to vector<16xf32>
        %parallel_loop3A_286 = arith.mulf %parallel_loop3A_281, %parallel_loop3A_285 : vector<16xf32>
        %parallel_loop3A_287 = arith.addf %parallel_loop3A_255, %parallel_loop3A_286 : vector<16xf32>
        %parallel_loop3A_288 = vector.bitcast %parallel_loop3A_274 : vector<16xi32> to vector<16xf32>
        %parallel_loop3A_289 = vector.bitcast %parallel_loop3A_275 : vector<16xi32> to vector<16xf32>
        %parallel_loop3A_290 = arith.mulf %parallel_loop3A_288, %parallel_loop3A_289 : vector<16xf32>
        %parallel_loop3A_291 = arith.addf %parallel_loop3A_259, %parallel_loop3A_290 : vector<16xf32>
        %parallel_loop3A_292 = arith.constant 16 : i32
        %parallel_loop3A_293 = vector.broadcast %parallel_loop3A_292 : i32 to vector<16xi32>
        %parallel_loop3A_294 = arith.shli %parallel_loop3A_276, %parallel_loop3A_293 : vector<16xi32>
        %parallel_loop3A_295 = vector.bitcast %parallel_loop3A_294 : vector<16xi32> to vector<16xf32>
        %parallel_loop3A_296 = arith.constant 16 : i32
        %parallel_loop3A_297 = vector.broadcast %parallel_loop3A_296 : i32 to vector<16xi32>
        %parallel_loop3A_298 = arith.shli %parallel_loop3A_277, %parallel_loop3A_297 : vector<16xi32>
        %parallel_loop3A_299 = vector.bitcast %parallel_loop3A_298 : vector<16xi32> to vector<16xf32>
        %parallel_loop3A_300 = arith.mulf %parallel_loop3A_295, %parallel_loop3A_299 : vector<16xf32>
        %parallel_loop3A_301 = arith.addf %parallel_loop3A_269, %parallel_loop3A_300 : vector<16xf32>
        %parallel_loop3A_302 = vector.bitcast %parallel_loop3A_276 : vector<16xi32> to vector<16xf32>
        %parallel_loop3A_303 = vector.bitcast %parallel_loop3A_277 : vector<16xi32> to vector<16xf32>
        %parallel_loop3A_304 = arith.mulf %parallel_loop3A_302, %parallel_loop3A_303 : vector<16xf32>
        %parallel_loop3A_305 = arith.addf %parallel_loop3A_273, %parallel_loop3A_304 : vector<16xf32>
        %parallel_loop3A_306 = tpu.vector_load_idx %arg10[%parallel_loop3A_160] : memref<10000xi32, #tpu.memory_space<vmem>>[vector<16xi32>], vector<16xi32>,
        %parallel_loop3A_307 = tpu.vector_load_idx %arg10[%parallel_loop3A_166] : memref<10000xi32, #tpu.memory_space<vmem>>[vector<16xi32>], vector<16xi32>,
        %parallel_loop3A_308 = tpu.vector_load_idx %arg10[%parallel_loop3A_163] : memref<10000xi32, #tpu.memory_space<vmem>>[vector<16xi32>], vector<16xi32>,
        %parallel_loop3A_309 = tpu.vector_load_idx %arg10[%parallel_loop3A_169] : memref<10000xi32, #tpu.memory_space<vmem>>[vector<16xi32>], vector<16xi32>,
        %parallel_loop3A_310 = arith.constant 16 : i32
        %parallel_loop3A_311 = vector.broadcast %parallel_loop3A_310 : i32 to vector<16xi32>
        %parallel_loop3A_312 = arith.shli %parallel_loop3A_306, %parallel_loop3A_311 : vector<16xi32>
        %parallel_loop3A_313 = vector.bitcast %parallel_loop3A_312 : vector<16xi32> to vector<16xf32>
        %parallel_loop3A_314 = arith.constant 16 : i32
        %parallel_loop3A_315 = vector.broadcast %parallel_loop3A_314 : i32 to vector<16xi32>
        %parallel_loop3A_316 = arith.shli %parallel_loop3A_307, %parallel_loop3A_315 : vector<16xi32>
        %parallel_loop3A_317 = vector.bitcast %parallel_loop3A_316 : vector<16xi32> to vector<16xf32>
        %parallel_loop3A_318 = arith.mulf %parallel_loop3A_313, %parallel_loop3A_317 : vector<16xf32>
        %parallel_loop3A_319 = arith.addf %parallel_loop3A_287, %parallel_loop3A_318 : vector<16xf32>
        %parallel_loop3A_320 = vector.bitcast %parallel_loop3A_306 : vector<16xi32> to vector<16xf32>
        %parallel_loop3A_321 = vector.bitcast %parallel_loop3A_307 : vector<16xi32> to vector<16xf32>
        %parallel_loop3A_322 = arith.mulf %parallel_loop3A_320, %parallel_loop3A_321 : vector<16xf32>
        %parallel_loop3A_323 = arith.addf %parallel_loop3A_291, %parallel_loop3A_322 : vector<16xf32>
        %parallel_loop3A_324 = arith.constant 16 : i32
        %parallel_loop3A_325 = vector.broadcast %parallel_loop3A_324 : i32 to vector<16xi32>
        %parallel_loop3A_326 = arith.shli %parallel_loop3A_308, %parallel_loop3A_325 : vector<16xi32>
        %parallel_loop3A_327 = vector.bitcast %parallel_loop3A_326 : vector<16xi32> to vector<16xf32>
        %parallel_loop3A_328 = arith.constant 16 : i32
        %parallel_loop3A_329 = vector.broadcast %parallel_loop3A_328 : i32 to vector<16xi32>
        %parallel_loop3A_330 = arith.shli %parallel_loop3A_309, %parallel_loop3A_329 : vector<16xi32>
        %parallel_loop3A_331 = vector.bitcast %parallel_loop3A_330 : vector<16xi32> to vector<16xf32>
        %parallel_loop3A_332 = arith.mulf %parallel_loop3A_327, %parallel_loop3A_331 : vector<16xf32>
        %parallel_loop3A_333 = arith.addf %parallel_loop3A_301, %parallel_loop3A_332 : vector<16xf32>
        %parallel_loop3A_334 = vector.bitcast %parallel_loop3A_308 : vector<16xi32> to vector<16xf32>
        %parallel_loop3A_335 = vector.bitcast %parallel_loop3A_309 : vector<16xi32> to vector<16xf32>
        %parallel_loop3A_336 = arith.mulf %parallel_loop3A_334, %parallel_loop3A_335 : vector<16xf32>
        %parallel_loop3A_337 = arith.addf %parallel_loop3A_305, %parallel_loop3A_336 : vector<16xf32>
        %parallel_loop3A_338 = tpu.vector_load_idx %arg11[%parallel_loop3A_160] : memref<10000xi32, #tpu.memory_space<vmem>>[vector<16xi32>], vector<16xi32>,
        %parallel_loop3A_339 = tpu.vector_load_idx %arg11[%parallel_loop3A_166] : memref<10000xi32, #tpu.memory_space<vmem>>[vector<16xi32>], vector<16xi32>,
        %parallel_loop3A_340 = tpu.vector_load_idx %arg11[%parallel_loop3A_163] : memref<10000xi32, #tpu.memory_space<vmem>>[vector<16xi32>], vector<16xi32>,
        %parallel_loop3A_341 = tpu.vector_load_idx %arg11[%parallel_loop3A_169] : memref<10000xi32, #tpu.memory_space<vmem>>[vector<16xi32>], vector<16xi32>,
        %parallel_loop3A_342 = arith.constant 16 : i32
        %parallel_loop3A_343 = vector.broadcast %parallel_loop3A_342 : i32 to vector<16xi32>
        %parallel_loop3A_344 = arith.shli %parallel_loop3A_338, %parallel_loop3A_343 : vector<16xi32>
        %parallel_loop3A_345 = vector.bitcast %parallel_loop3A_344 : vector<16xi32> to vector<16xf32>
        %parallel_loop3A_346 = arith.constant 16 : i32
        %parallel_loop3A_347 = vector.broadcast %parallel_loop3A_346 : i32 to vector<16xi32>
        %parallel_loop3A_348 = arith.shli %parallel_loop3A_339, %parallel_loop3A_347 : vector<16xi32>
        %parallel_loop3A_349 = vector.bitcast %parallel_loop3A_348 : vector<16xi32> to vector<16xf32>
        %parallel_loop3A_350 = arith.mulf %parallel_loop3A_345, %parallel_loop3A_349 : vector<16xf32>
        %parallel_loop3A_351 = arith.addf %parallel_loop3A_319, %parallel_loop3A_350 : vector<16xf32>
        %parallel_loop3A_352 = vector.bitcast %parallel_loop3A_338 : vector<16xi32> to vector<16xf32>
        %parallel_loop3A_353 = vector.bitcast %parallel_loop3A_339 : vector<16xi32> to vector<16xf32>
        %parallel_loop3A_354 = arith.mulf %parallel_loop3A_352, %parallel_loop3A_353 : vector<16xf32>
        %parallel_loop3A_355 = arith.addf %parallel_loop3A_323, %parallel_loop3A_354 : vector<16xf32>
        %parallel_loop3A_356 = arith.constant 16 : i32
        %parallel_loop3A_357 = vector.broadcast %parallel_loop3A_356 : i32 to vector<16xi32>
        %parallel_loop3A_358 = arith.shli %parallel_loop3A_340, %parallel_loop3A_357 : vector<16xi32>
        %parallel_loop3A_359 = vector.bitcast %parallel_loop3A_358 : vector<16xi32> to vector<16xf32>
        %parallel_loop3A_360 = arith.constant 16 : i32
        %parallel_loop3A_361 = vector.broadcast %parallel_loop3A_360 : i32 to vector<16xi32>
        %parallel_loop3A_362 = arith.shli %parallel_loop3A_341, %parallel_loop3A_361 : vector<16xi32>
        %parallel_loop3A_363 = vector.bitcast %parallel_loop3A_362 : vector<16xi32> to vector<16xf32>
        %parallel_loop3A_364 = arith.mulf %parallel_loop3A_359, %parallel_loop3A_363 : vector<16xf32>
        %parallel_loop3A_365 = arith.addf %parallel_loop3A_333, %parallel_loop3A_364 : vector<16xf32>
        %parallel_loop3A_366 = vector.bitcast %parallel_loop3A_340 : vector<16xi32> to vector<16xf32>
        %parallel_loop3A_367 = vector.bitcast %parallel_loop3A_341 : vector<16xi32> to vector<16xf32>
        %parallel_loop3A_368 = arith.mulf %parallel_loop3A_366, %parallel_loop3A_367 : vector<16xf32>
        %parallel_loop3A_369 = arith.addf %parallel_loop3A_337, %parallel_loop3A_368 : vector<16xf32>
        %parallel_loop3A_370 = tpu.vector_load_idx %arg12[%parallel_loop3A_160] : memref<10000xi32, #tpu.memory_space<vmem>>[vector<16xi32>], vector<16xi32>,
        %parallel_loop3A_371 = tpu.vector_load_idx %arg12[%parallel_loop3A_166] : memref<10000xi32, #tpu.memory_space<vmem>>[vector<16xi32>], vector<16xi32>,
        %parallel_loop3A_372 = tpu.vector_load_idx %arg12[%parallel_loop3A_163] : memref<10000xi32, #tpu.memory_space<vmem>>[vector<16xi32>], vector<16xi32>,
        %parallel_loop3A_373 = tpu.vector_load_idx %arg12[%parallel_loop3A_169] : memref<10000xi32, #tpu.memory_space<vmem>>[vector<16xi32>], vector<16xi32>,
        %parallel_loop3A_374 = arith.constant 16 : i32
        %parallel_loop3A_375 = vector.broadcast %parallel_loop3A_374 : i32 to vector<16xi32>
        %parallel_loop3A_376 = arith.shli %parallel_loop3A_370, %parallel_loop3A_375 : vector<16xi32>
        %parallel_loop3A_377 = vector.bitcast %parallel_loop3A_376 : vector<16xi32> to vector<16xf32>
        %parallel_loop3A_378 = arith.constant 16 : i32
        %parallel_loop3A_379 = vector.broadcast %parallel_loop3A_378 : i32 to vector<16xi32>
        %parallel_loop3A_380 = arith.shli %parallel_loop3A_371, %parallel_loop3A_379 : vector<16xi32>
        %parallel_loop3A_381 = vector.bitcast %parallel_loop3A_380 : vector<16xi32> to vector<16xf32>
        %parallel_loop3A_382 = arith.mulf %parallel_loop3A_377, %parallel_loop3A_381 : vector<16xf32>
        %parallel_loop3A_383 = arith.addf %parallel_loop3A_351, %parallel_loop3A_382 : vector<16xf32>
        %parallel_loop3A_384 = vector.bitcast %parallel_loop3A_370 : vector<16xi32> to vector<16xf32>
        %parallel_loop3A_385 = vector.bitcast %parallel_loop3A_371 : vector<16xi32> to vector<16xf32>
        %parallel_loop3A_386 = arith.mulf %parallel_loop3A_384, %parallel_loop3A_385 : vector<16xf32>
        %parallel_loop3A_387 = arith.addf %parallel_loop3A_355, %parallel_loop3A_386 : vector<16xf32>
        %parallel_loop3A_388 = arith.constant 16 : i32
        %parallel_loop3A_389 = vector.broadcast %parallel_loop3A_388 : i32 to vector<16xi32>
        %parallel_loop3A_390 = arith.shli %parallel_loop3A_372, %parallel_loop3A_389 : vector<16xi32>
        %parallel_loop3A_391 = vector.bitcast %parallel_loop3A_390 : vector<16xi32> to vector<16xf32>
        %parallel_loop3A_392 = arith.constant 16 : i32
        %parallel_loop3A_393 = vector.broadcast %parallel_loop3A_392 : i32 to vector<16xi32>
        %parallel_loop3A_394 = arith.shli %parallel_loop3A_373, %parallel_loop3A_393 : vector<16xi32>
        %parallel_loop3A_395 = vector.bitcast %parallel_loop3A_394 : vector<16xi32> to vector<16xf32>
        %parallel_loop3A_396 = arith.mulf %parallel_loop3A_391, %parallel_loop3A_395 : vector<16xf32>
        %parallel_loop3A_397 = arith.addf %parallel_loop3A_365, %parallel_loop3A_396 : vector<16xf32>
        %parallel_loop3A_398 = vector.bitcast %parallel_loop3A_372 : vector<16xi32> to vector<16xf32>
        %parallel_loop3A_399 = vector.bitcast %parallel_loop3A_373 : vector<16xi32> to vector<16xf32>
        %parallel_loop3A_400 = arith.mulf %parallel_loop3A_398, %parallel_loop3A_399 : vector<16xf32>
        %parallel_loop3A_401 = arith.addf %parallel_loop3A_369, %parallel_loop3A_400 : vector<16xf32>
        %parallel_loop3A_402 = tpu.vector_load_idx %arg13[%parallel_loop3A_160] : memref<10000xi32, #tpu.memory_space<vmem>>[vector<16xi32>], vector<16xi32>,
        %parallel_loop3A_403 = tpu.vector_load_idx %arg13[%parallel_loop3A_166] : memref<10000xi32, #tpu.memory_space<vmem>>[vector<16xi32>], vector<16xi32>,
        %parallel_loop3A_404 = tpu.vector_load_idx %arg13[%parallel_loop3A_163] : memref<10000xi32, #tpu.memory_space<vmem>>[vector<16xi32>], vector<16xi32>,
        %parallel_loop3A_405 = tpu.vector_load_idx %arg13[%parallel_loop3A_169] : memref<10000xi32, #tpu.memory_space<vmem>>[vector<16xi32>], vector<16xi32>,
        %parallel_loop3A_406 = arith.constant 16 : i32
        %parallel_loop3A_407 = vector.broadcast %parallel_loop3A_406 : i32 to vector<16xi32>
        %parallel_loop3A_408 = arith.shli %parallel_loop3A_402, %parallel_loop3A_407 : vector<16xi32>
        %parallel_loop3A_409 = vector.bitcast %parallel_loop3A_408 : vector<16xi32> to vector<16xf32>
        %parallel_loop3A_410 = arith.constant 16 : i32
        %parallel_loop3A_411 = vector.broadcast %parallel_loop3A_410 : i32 to vector<16xi32>
        %parallel_loop3A_412 = arith.shli %parallel_loop3A_403, %parallel_loop3A_411 : vector<16xi32>
        %parallel_loop3A_413 = vector.bitcast %parallel_loop3A_412 : vector<16xi32> to vector<16xf32>
        %parallel_loop3A_414 = arith.mulf %parallel_loop3A_409, %parallel_loop3A_413 : vector<16xf32>
        %parallel_loop3A_415 = arith.addf %parallel_loop3A_383, %parallel_loop3A_414 : vector<16xf32>
        %parallel_loop3A_416 = vector.bitcast %parallel_loop3A_402 : vector<16xi32> to vector<16xf32>
        %parallel_loop3A_417 = vector.bitcast %parallel_loop3A_403 : vector<16xi32> to vector<16xf32>
        %parallel_loop3A_418 = arith.mulf %parallel_loop3A_416, %parallel_loop3A_417 : vector<16xf32>
        %parallel_loop3A_419 = arith.addf %parallel_loop3A_387, %parallel_loop3A_418 : vector<16xf32>
        %parallel_loop3A_420 = arith.constant 16 : i32
        %parallel_loop3A_421 = vector.broadcast %parallel_loop3A_420 : i32 to vector<16xi32>
        %parallel_loop3A_422 = arith.shli %parallel_loop3A_404, %parallel_loop3A_421 : vector<16xi32>
        %parallel_loop3A_423 = vector.bitcast %parallel_loop3A_422 : vector<16xi32> to vector<16xf32>
        %parallel_loop3A_424 = arith.constant 16 : i32
        %parallel_loop3A_425 = vector.broadcast %parallel_loop3A_424 : i32 to vector<16xi32>
        %parallel_loop3A_426 = arith.shli %parallel_loop3A_405, %parallel_loop3A_425 : vector<16xi32>
        %parallel_loop3A_427 = vector.bitcast %parallel_loop3A_426 : vector<16xi32> to vector<16xf32>
        %parallel_loop3A_428 = arith.mulf %parallel_loop3A_423, %parallel_loop3A_427 : vector<16xf32>
        %parallel_loop3A_429 = arith.addf %parallel_loop3A_397, %parallel_loop3A_428 : vector<16xf32>
        %parallel_loop3A_430 = vector.bitcast %parallel_loop3A_404 : vector<16xi32> to vector<16xf32>
        %parallel_loop3A_431 = vector.bitcast %parallel_loop3A_405 : vector<16xi32> to vector<16xf32>
        %parallel_loop3A_432 = arith.mulf %parallel_loop3A_430, %parallel_loop3A_431 : vector<16xf32>
        %parallel_loop3A_433 = arith.addf %parallel_loop3A_401, %parallel_loop3A_432 : vector<16xf32>
        %parallel_loop3A_434 = arith.addf %parallel_loop3A_415, %parallel_loop3A_419 : vector<16xf32>
        %parallel_loop3A_435 = arith.constant 16 : i32
        %parallel_loop3A_436 = arith.muli %parallel_loop3A_145, %parallel_loop3A_435 : i32
        %parallel_loop3A_437 = arith.constant 0 : i32
        %parallel_loop3A_438 = arith.index_cast %parallel_loop3A_437 : i32 to index
        %parallel_loop3A_439 = arith.index_cast %parallel_loop3A_436 : i32 to index
        %parallel_loop3A_440 = tpu.vector_load %arg17[%parallel_loop3A_438, %parallel_loop3A_439] {strides = array<i32>} : memref<2x2000xf32, #tpu.memory_space<vmem>>, vector<16xf32>,
        tpu.vector_store %arg17[%parallel_loop3A_438, %parallel_loop3A_439], %parallel_loop3A_434 {strides = array<i32>} : memref<2x2000xf32, #tpu.memory_space<vmem>>, vector<16xf32>,
        %parallel_loop3A_441 = arith.addf %parallel_loop3A_429, %parallel_loop3A_433 : vector<16xf32>
        %parallel_loop3A_442 = arith.constant 16 : i32
        %parallel_loop3A_443 = arith.muli %parallel_loop3A_145, %parallel_loop3A_442 : i32
        %parallel_loop3A_444 = arith.constant 1 : i32
        %parallel_loop3A_445 = arith.index_cast %parallel_loop3A_444 : i32 to index
        %parallel_loop3A_446 = arith.index_cast %parallel_loop3A_443 : i32 to index
        %parallel_loop3A_447 = tpu.vector_load %arg17[%parallel_loop3A_445, %parallel_loop3A_446] {strides = array<i32>} : memref<2x2000xf32, #tpu.memory_space<vmem>>, vector<16xf32>,
        tpu.vector_store %arg17[%parallel_loop3A_445, %parallel_loop3A_446], %parallel_loop3A_441 {strides = array<i32>} : memref<2x2000xf32, #tpu.memory_space<vmem>>, vector<16xf32>,
      } {sc.loop_unroll_factor = 5 : i64, sc.parallel_access}
      %add3A_134 = arith.constant 1 : i32
      %add3A_135 = arith.addi %mul3A_76, %add3A_134 : i32
      %mul3A_136 = arith.constant 20 : i32
      %mul3A_137 = arith.muli %select_n3A_28, %mul3A_136 : i32
      %add3A_138 = arith.addi %mul3A_137, %add3A_135 : i32
      %dma_start3A_139 = arith.constant 0 : i32
      %dma_start3A_140 = tpu.memref_slice %arg18[%add3A_138, %dma_start3A_139] : memref<40x2xi32, #tpu.memory_space<vmem>> -> memref<1x2xi32, #tpu.memory_space<vmem>>
      %dma_start3A_141 = tpu.memref_squeeze %dma_start3A_140 : memref<1x2xi32, #tpu.memory_space<vmem>> -> memref<2xi32, #tpu.memory_space<vmem>>
      %dma_start3A_142 = arith.constant 0 : i32
      %dma_start3A_143 = arith.constant 0 : i32
      %dma_start3A_144 = tpu.memref_slice %arg20[%dma_start3A_142, %dma_start3A_143] : memref<80x2000xf32, #tpu.memory_space<vmem_shared>> -> memref<80x2000xf32, #tpu.memory_space<vmem_shared>>
      tpu.enqueue_indirect_dma source(%arg17 : memref<2x2000xf32, #tpu.memory_space<vmem>>) target(%dma_start3A_144 : memref<80x2000xf32, #tpu.memory_space<vmem_shared>>) offsets(%dma_start3A_141 : memref<2xi32, #tpu.memory_space<vmem>>) semaphore(%arg24 : memref<!tpu.dma_semaphore, #tpu.memory_space<semaphore_mem>>) {add = true}
    }
    %scan3A_55 = arith.constant 10 : i32
    %dma_wait3A = arith.constant 0 : i32
    %dma_wait3A_56 = arith.constant 0 : i32
    %dma_wait3A_57 = tpu.memref_slice %arg18[%dma_wait3A, %dma_wait3A_56] : memref<40x2xi32, #tpu.memory_space<vmem>> -> memref<1x2xi32, #tpu.memory_space<vmem>>
    %dma_wait3A_58 = tpu.memref_squeeze %dma_wait3A_57 : memref<1x2xi32, #tpu.memory_space<vmem>> -> memref<2xi32, #tpu.memory_space<vmem>>
    %dma_wait3A_59 = arith.constant 0 : i32
    %dma_wait3A_60 = arith.constant 0 : i32
    %dma_wait3A_61 = tpu.memref_slice %arg20[%dma_wait3A_59, %dma_wait3A_60] : memref<80x2000xf32, #tpu.memory_space<vmem_shared>> -> memref<80x2000xf32, #tpu.memory_space<vmem_shared>>
    tpu.wait_indirect_dma semaphore(%arg23 : memref<!tpu.dma_semaphore, #tpu.memory_space<semaphore_mem>>) src(%arg16 : memref<2x2000xf32, #tpu.memory_space<vmem>>) dst(%dma_wait3A_61 : memref<80x2000xf32, #tpu.memory_space<vmem_shared>>)
    %dma_wait3A_62 = arith.constant 0 : i32
    %dma_wait3A_63 = arith.constant 0 : i32
    %dma_wait3A_64 = tpu.memref_slice %arg18[%dma_wait3A_62, %dma_wait3A_63] : memref<40x2xi32, #tpu.memory_space<vmem>> -> memref<1x2xi32, #tpu.memory_space<vmem>>
    %dma_wait3A_65 = tpu.memref_squeeze %dma_wait3A_64 : memref<1x2xi32, #tpu.memory_space<vmem>> -> memref<2xi32, #tpu.memory_space<vmem>>
    %dma_wait3A_66 = arith.constant 0 : i32
    %dma_wait3A_67 = arith.constant 0 : i32
    %dma_wait3A_68 = tpu.memref_slice %arg20[%dma_wait3A_66, %dma_wait3A_67] : memref<80x2000xf32, #tpu.memory_space<vmem_shared>> -> memref<80x2000xf32, #tpu.memory_space<vmem_shared>>
    tpu.wait_indirect_dma semaphore(%arg24 : memref<!tpu.dma_semaphore, #tpu.memory_space<semaphore_mem>>) src(%arg17 : memref<2x2000xf32, #tpu.memory_space<vmem>>) dst(%dma_wait3A_68 : memref<80x2000xf32, #tpu.memory_space<vmem_shared>>)
    %barrier3A_69 = arith.constant 0 : index
    tpu.barrier barrier_id(%barrier3A_69)
    %mul3A_70 = arith.constant 5 : i32
    %mul3A_71 = arith.muli %arg1, %mul3A_70 : i32
    "tpu.region"() ({
      %run_scoped3A_74 = tpu.sem_alloc : memref<!tpu.dma_semaphore, #tpu.memory_space<semaphore_mem>>
      %dma_start3A_75 = arith.constant 0 : i32
      %dma_start3A_76 = tpu.memref_slice %arg20[%mul3A_71, %dma_start3A_75] : memref<80x2000xf32, #tpu.memory_space<vmem_shared>> -> memref<5x2000xf32, #tpu.memory_space<vmem_shared>>
      %dma_start3A_77 = arith.constant 0 : i32
      %dma_start3A_78 = tpu.memref_slice %arg20[%mul3A_71, %dma_start3A_77] : memref<80x2000xf32, #tpu.memory_space<vmem_shared>> -> memref<5x2000xf32, #tpu.memory_space<vmem_shared>>
      tpu.enqueue_dma source(%dma_start3A_78 : memref<5x2000xf32, #tpu.memory_space<vmem_shared>>) target(%arg19 : memref<5x2000xf32, #tpu.memory_space<vmem>>) target_semaphore(%run_scoped3A_74 : memref<!tpu.dma_semaphore, #tpu.memory_space<semaphore_mem>>)
      %dma_wait3A_79 = arith.constant 0 : i32
      %dma_wait3A_80 = tpu.memref_slice %arg20[%mul3A_71, %dma_wait3A_79] : memref<80x2000xf32, #tpu.memory_space<vmem_shared>> -> memref<5x2000xf32, #tpu.memory_space<vmem_shared>>
      %dma_wait3A_81 = arith.constant 0 : i32
      %dma_wait3A_82 = tpu.memref_slice %arg20[%mul3A_71, %dma_wait3A_81] : memref<80x2000xf32, #tpu.memory_space<vmem_shared>> -> memref<5x2000xf32, #tpu.memory_space<vmem_shared>>
      tpu.wait_dma2 semaphore(%run_scoped3A_74 : memref<!tpu.dma_semaphore, #tpu.memory_space<semaphore_mem>>) src(%dma_wait3A_82 : memref<5x2000xf32, #tpu.memory_space<vmem_shared>>) dst(%arg19 : memref<5x2000xf32, #tpu.memory_space<vmem>>)
      tpu.yield
    }) : () -> ()
    %mul3A_72 = arith.constant 5 : i32
    %mul3A_73 = arith.muli %arg1, %mul3A_72 : i32
    "tpu.region"() ({
      %run_scoped3A_74 = tpu.sem_alloc : memref<!tpu.dma_semaphore, #tpu.memory_space<semaphore_mem>>
      %dma_start3A_75 = arith.constant 0 : i32
      %dma_start3A_76 = tpu.memref_slice %arg5[%arg0, %mul3A_73, %dma_start3A_75] : memref<2x80x2000xf32, #tpu.memory_space<hbm>> -> memref<1x5x2000xf32, #tpu.memory_space<hbm>>
      %dma_start3A_77 = tpu.memref_squeeze %dma_start3A_76 : memref<1x5x2000xf32, #tpu.memory_space<hbm>> -> memref<5x2000xf32, #tpu.memory_space<hbm>>
      %dma_start3A_78 = arith.constant 0 : i32
      %dma_start3A_79 = tpu.memref_slice %arg5[%arg0, %mul3A_73, %dma_start3A_78] : memref<2x80x2000xf32, #tpu.memory_space<hbm>> -> memref<1x5x2000xf32, #tpu.memory_space<hbm>>
      %dma_start3A_80 = tpu.memref_squeeze %dma_start3A_79 : memref<1x5x2000xf32, #tpu.memory_space<hbm>> -> memref<5x2000xf32, #tpu.memory_space<hbm>>
      tpu.enqueue_dma source(%arg19 : memref<5x2000xf32, #tpu.memory_space<vmem>>) target(%dma_start3A_80 : memref<5x2000xf32, #tpu.memory_space<hbm>>) target_semaphore(%run_scoped3A_74 : memref<!tpu.dma_semaphore, #tpu.memory_space<semaphore_mem>>)
      %dma_wait3A_81 = arith.constant 0 : i32
      %dma_wait3A_82 = tpu.memref_slice %arg5[%arg0, %mul3A_73, %dma_wait3A_81] : memref<2x80x2000xf32, #tpu.memory_space<hbm>> -> memref<1x5x2000xf32, #tpu.memory_space<hbm>>
      %dma_wait3A_83 = tpu.memref_squeeze %dma_wait3A_82 : memref<1x5x2000xf32, #tpu.memory_space<hbm>> -> memref<5x2000xf32, #tpu.memory_space<hbm>>
      %dma_wait3A_84 = arith.constant 0 : i32
      %dma_wait3A_85 = tpu.memref_slice %arg5[%arg0, %mul3A_73, %dma_wait3A_84] : memref<2x80x2000xf32, #tpu.memory_space<hbm>> -> memref<1x5x2000xf32, #tpu.memory_space<hbm>>
      %dma_wait3A_86 = tpu.memref_squeeze %dma_wait3A_85 : memref<1x5x2000xf32, #tpu.memory_space<hbm>> -> memref<5x2000xf32, #tpu.memory_space<hbm>>
      tpu.wait_dma2 semaphore(%run_scoped3A_74 : memref<!tpu.dma_semaphore, #tpu.memory_space<semaphore_mem>>) src(%arg19 : memref<5x2000xf32, #tpu.memory_space<vmem>>) dst(%dma_wait3A_86 : memref<5x2000xf32, #tpu.memory_space<hbm>>)
      tpu.yield
    }) : () -> ()
    return
  }
}

</mosaic_0001>

<sc_bundles>
// kernel: kernel.3.cloned.1.call-start
scs
__scs_entry_jumppad:
0x0: {  	(pc) =	sbr.rel $0x88, $3  }
0x1: {  	(tag) =	ssettag $0x0;
	lr =	simm.s32 $0x1  }
0x2: {  	[smem:$0x3F9F] =	sst lr;
	_ =	strace $0xD0000000  }
0x3: {  	_ = 	snop  }
0x4: {  	_ = 	snop  }
0x5: {  	_ = 	snop  }
0x6: {  	_ = 	snop  }
0x7: {  	_ = 	snop  }
__scs_overlays_trampoline_lowered:
0x8: {  	[smem:$0x3FAE] =	sst s0  }
0x9: {  	[smem:$0x3FAF] =	sst s1  }
0xa: {  	[smem:$0x3FB0] =	sst s2  }
0xb: {  	[smem:$0x3FB1] =	sst s3  }
0xc: {  	[smem:$0x3FB2] =	sst s4  }
0xd: {  	[smem:$0x3FB3] =	sst s5  }
0xe: {  	[smem:$0x3FB4] =	sst s6  }
0xf: {  	[smem:$0x3FB5] =	sst s7  }
0x10: {  	[smem:$0x3FB6] =	sst s8  }
0x11: {  	[smem:$0x3FB7] =	sst s9;
	s0 =	simm.s32 @!p0 $0x0  }
0x12: {  	s1 =	sld [smem:$0x3F9D];
	s0 =	simm.s32 @p0 $0x1  }
0x13: {  	[smem:$0x3FB8] =	sst s0;
	s0 =	simm.s32 @!p1 $0x0  }
0x14: {  	s2 =	sld [smem:$0x3F9C];
	s0 =	simm.s32 @p1 $0x1  }
0x15: {  	[smem:$0x3FB9] =	sst s0;
	s0 =	simm.s32 @!p2 $0x0  }
0x16: {  	s3 =	sld [smem:$0x3FDB];
	s0 =	simm.s32 @p2 $0x1  }
0x17: {  	s4 =	simm.s32 $0x1BF5;
	[smem:$0x3FBB] =	sst s0  }
0x18: {  	s0 =	sld [smem:$0x3F9E];
	_ =	swait.ge [sflag:s4], $0x0  }
0x19: {  	s7 =	sld [smem:$0x3F9F]  }
0x1a: {  	s8 =	sadd.s32 $0xFFFFE003, lr  }
0x1b: {  	s9 =	sadd.s32 $0xFFFFFEF7, lr;
	s5 =	simm.s32 $0xFFFFFFFF;
	p2 =	slt.u32 s8, $0xFFFFF086  }
0x1c: {  	p1 =	slt.u32 s9, $0xF7A;
	s5 =	simm.s32 @!p2 $0x0  }
0x1d: {  	s5 =	simm.s32 @p1 $0x1;
	p0 =	seq.s32 s7, s2  }
0x1e: {  	s7 =	smul.u32 @!p0 $0xF7A, s2;
	p2 =	seq.s32 @!p0 s5, $0x0  }
0x1f: {  	s9 =	smul.u32 $0xF7A, s1;
	s8 =	simm.s32 @!p0 $0x1BF5;
	p2 =	por !p2, p0  }
0x20: {  	[sflag:s8] =	ssyncset.s32 @!p0 $0xFFFFF086;
	s6 =	sadd.s32 @!p0 s3, s7;
	s7 =	simm.s32 @!p0 $0x108  }
0x21: {  	s3 =	sadd.s32 s3, s9;
	s6 =	sadd.s32 @!p0 $0x88, s6;
	s7 =	simm.s32 @p2 $0x1082  }
0x22: {  	[simem:s7], [sflag:s8] =	dma.local @!p0 [hbm:s6], $0xF7A  }
0x23: {  	s9 =	sor.u32 $0xD0000000, s2;
	s6 =	simm.s32 $0x108;
	_ =	swait.ge @!p0 [sflag:s8], $0x0  }
0x24: {  	s3 =	sadd.s32 $0x88, s3;
	s6 =	simm.s32 @!p1 $0x1082;
	[sflag:s4] =	ssyncset.s32 $0xFFFFF086  }
0x25: {  	[simem:s6], [sflag:s4] =	dma.local [hbm:s3], $0xF7A  }
0x26: {  	[smem:$0x3F9F] =	sst s1;
	(tag) =	ssettag s2;
	_ =	strace s9  }
0x27: {  	s1 =	sld [smem:$0x3FAF]  }
0x28: {  	s2 =	sld [smem:$0x3FB0]  }
0x29: {  	s4 =	sld [smem:$0x3FB2]  }
0x2a: {  	p0 =	seq.s32 s5, $0x0;
	s5 =	sld [smem:$0x3FB3]  }
0x2b: {  	s6 =	sld [smem:$0x3FB4]  }
0x2c: {  	s7 =	sld [smem:$0x3FB5]  }
0x2d: {  	s3 =	simm.s32 $0x108;
	s8 =	sld [smem:$0x3FB6]  }
0x2e: {  	s3 =	simm.s32 @!p0 $0x1082;
	s9 =	sld [smem:$0x3FB7]  }
0x2f: {  	lr =	sadd.s32 s0, s3;
	s0 =	sld [smem:$0x3FAE]  }
0x30: {  	s3 =	sld [smem:$0x3FB1]  }
0x31: {  	[smem:$0x3FBA] =	sst s10  }
0x32: {  	s10 =	sld [smem:$0x3FB8];
	_ =	sdelay $0x3  }
0x33: {  	p0 =	seq.s32 s10, $0x1;
	s10 =	sld [smem:$0x3FBA];
	_ =	sdelay $0x3  }
0x34: {  	[smem:$0x3FBA] =	sst s10  }
0x35: {  	s10 =	sld [smem:$0x3FB9];
	_ =	sdelay $0x3  }
0x36: {  	p1 =	seq.s32 s10, $0x1;
	s10 =	sld [smem:$0x3FBA];
	_ =	sdelay $0x3  }
0x37: {  	[smem:$0x3FBA] =	sst s10  }
0x38: {  	s10 =	sld [smem:$0x3FBB]  }
0x39: {  	_ = 	snop;
	(pc) =	sbr.ind lr, $3  }
0x3a: {  	_ = 	snop  }
0x3b: {  	_ = 	snop  }
0x3c: {  	p2 =	seq.s32 s10, $0x1;
	s10 =	sld [smem:$0x3FBA]  }
0x3d: {  	_ =	shalt  }
0x3e: {  	_ =	shalt  }
0x3f: {  	_ =	shalt  }
0x40: {  	_ =	shalt  }
0x41: {  	_ =	shalt  }
0x42: {  	_ =	shalt  }
0x43: {  	_ =	shalt  }
0x44: {  	_ =	shalt  }
0x45: {  	_ =	shalt  }
0x46: {  	_ =	shalt  }
0x47: {  	_ =	shalt  }
0x48: {  	_ =	shalt  }
0x49: {  	_ =	shalt  }
0x4a: {  	_ =	shalt  }
0x4b: {  	_ =	shalt  }
0x4c: {  	_ =	shalt  }
0x4d: {  	_ =	shalt  }
0x4e: {  	_ =	shalt  }
0x4f: {  	_ =	shalt  }
0x50: {  	_ =	shalt  }
0x51: {  	_ =	shalt  }
0x52: {  	_ =	shalt  }
0x53: {  	_ =	shalt  }
0x54: {  	_ =	shalt  }
0x55: {  	_ =	shalt  }
0x56: {  	_ =	shalt  }
0x57: {  	_ =	shalt  }
0x58: {  	_ =	shalt  }
0x59: {  	_ =	shalt  }
0x5a: {  	_ =	shalt  }
0x5b: {  	_ =	shalt  }
0x5c: {  	_ =	shalt  }
0x5d: {  	_ =	shalt  }
0x5e: {  	_ =	shalt  }
0x5f: {  	_ =	shalt  }
0x60: {  	_ =	shalt  }
0x61: {  	_ =	shalt  }
0x62: {  	_ =	shalt  }
0x63: {  	_ =	shalt  }
0x64: {  	_ =	shalt  }
0x65: {  	_ =	shalt  }
0x66: {  	_ =	shalt  }
0x67: {  	_ =	shalt  }
0x68: {  	_ =	shalt  }
0x69: {  	_ =	shalt  }
0x6a: {  	_ =	shalt  }
0x6b: {  	_ =	shalt  }
0x6c: {  	_ =	shalt  }
0x6d: {  	_ =	shalt  }
0x6e: {  	_ =	shalt  }
0x6f: {  	_ =	shalt  }
0x70: {  	_ =	shalt  }
0x71: {  	_ =	shalt  }
0x72: {  	_ =	shalt  }
0x73: {  	_ =	shalt  }
0x74: {  	_ =	shalt  }
0x75: {  	_ =	shalt  }
0x76: {  	_ =	shalt  }
0x77: {  	_ =	shalt  }
0x78: {  	_ =	shalt  }
0x79: {  	_ =	shalt  }
0x7a: {  	_ =	shalt  }
0x7b: {  	_ =	shalt  }
0x7c: {  	_ =	shalt  }
0x7d: {  	_ =	shalt  }
0x7e: {  	_ =	shalt  }
0x7f: {  	_ =	shalt  }
0x80: {  	_ =	shalt  }
0x81: {  	_ =	shalt  }
0x82: {  	_ =	shalt  }
0x83: {  	_ =	shalt  }
0x84: {  	_ =	shalt  }
0x85: {  	_ =	shalt  }
0x86: {  	_ =	shalt  }
0x87: {  	_ =	shalt  }
.Lfunc_end0:
.L_simem_size_0:
called_computation_lowered:
.L_overlay_start_0:
0x88: {  	s2 =	sld [smem:$0x3FD9]  }
0x89: {  	s3 =	sld [smem:$0x3FFE];
	_ =	sdelay $0x1  }
0x8a: {  	s1 =	srdreg.scid  }
0x8b: {  	s0 =	sand.u32 $0x1, s1  }
0x8c: {  	s17 =	sshll.u32 s0, $0xA;
	s2 =	sadd.s32 s3, s2  }
0x8d: {  	s2 =	sadd.s32 s2, s17  }
0x8e: {  	[smem:$0x3FC6] =	sst s2  }
0x8f: {  	_ = 	snop  }
0x90: {  	s2 =	sld [smem:$0x3FD0];
	(tm) =	ssettm $0x1  }
0x91: {  	s18 =	sld [smem:$0x3FFB];
	_ =	sdelay $0x3  }
0x92: {  	_ =	strace s18  }
0x93: {  	s3 =	sld [smem:$0x3FFC];
	_ =	sdelay $0x3  }
0x94: {  	_ =	strace s3  }
0x95: {  	s3 =	sld [smem:$0x3FFD];
	_ =	sdelay $0x3  }
0x96: {  	_ =	strace s3  }
0x97: {  	_ =	strace $0x8FFFFFFF  }
0x98: {  	s19 =	sld [smem:$0x3FDB];
	_ =	sdelay $0x1  }
0x99: {  	s4 =	simm.s32 $_scs_section_size  }
0x9a: {  	s5 =	simm.s32 $_size__tile_overlayer_lowered;
	s6 =	simm.s32 $_tile_overlayer_lowered  }
0x9b: {  	s22 =	simm.s32 $0x1BFF;
	s21 =	sshll.u32 s6, $0x1;
	s3 =	sadd.s32 s4, s19  }
0x9c: {  	s7 =	simm.s32 $0x0;
	s20 =	sshll.u32 s5, $0x1;
	s5 =	sadd.s32 s21, s3  }
0x9d: {  	[timem:s7], [sflag:s22] =	dma.local [hbm:s5], s20  }
0x9e: {  	_ =	swait.ge [sflag:s22], s20  }
0x9f: {  	s4 =	ssub.s32 $0x0, s20;
	[sflag:s22] =	ssyncset.done $0x0  }
0xa0: {  	[sflag:s22] =	ssyncadd.s32 s4;
	_ =	sdelay $0x1  }
0xa1: {  	s23 =	simm.s32 $0x1B8B  }
0xa2: {  	_ =	swait.ge [sflag:s23], $0x1  }
0xa3: {  	[sflag:s23] =	ssyncset.done $0x0  }
0xa4: {  	s25 =	simm.s32 $0x1B8E;
	s24 =	sld [smem:$0x3FFE];
	[sflag:s23] =	ssyncadd.s32 $0xFFFFFFFF  }
0xa5: {  	s26 =	simm.s32 $execute0_lowered;
	[smem:$0x3FD2] =	sst s25  }
0xa6: {  	s5 =	sshll.u32 s26, $0x1;
	_ =	strace $0x80000046;
	[dreg:$0x1] =	wrdreg $0xFFFFFFFF  }
0xa7: {  	s28 =	simm.s32 $_size_execute0_lowered;
	s3 =	sadd.s32 s3, s5;
	[dreg:$0x0] =	wrdreg $0x0  }
0xa8: {  	s5 =	sshll.u32 s28, $0x1;
	[dreg:$0x2] =	wrdreg s3  }
0xa9: {  	[dreg:$0x3] =	wrdreg s5  }
0xaa: {  	[dreg:$0x4] =	wrdreg $0xC0  }
0xab: {  	_ =	task [dreg:s7], $0x5FFFF  }
0xac: {  	[dreg:$0x1] =	wrdreg $0xFFFFFFFF  }
0xad: {  	[dreg:$0x0] =	wrdreg $0x60  }
0xae: {  	[dreg:$0x2] =	wrdreg s24  }
0xaf: {  	[dreg:$0x3] =	wrdreg s2  }
0xb0: {  	[dreg:$0x4] =	wrdreg $0x19F500  }
0xb1: {  	[dreg:$0x5] =	wrdreg $0x9  }
0xb2: {  	_ =	task.clear_ibuf [dreg:s7], $0x6FFFF;
	_ =	strace $0x90000046  }
0xb3: {  	s29 =	simm.s32 $0x9;
	_ =	strace $0x80000048  }
0xb4: {  	_ =	swait.ge [sflag:s29], $0x1  }
0xb5: {  	[sflag:s29] =	ssyncadd.s32 $0xFFFFFFFF  }
0xb6: {  	_ =	strace $0x90000048  }
0xb7: {  	_ =	sfence  }
0xb8: {  	s30 =	sld [smem:$0x0];
	_ =	sdelay $0x2  }
0xb9: {  	s31 =	sshll.u32 s1, $0xD;
	s1 =	sshrl.u32 s1, $0x2  }
0xba: {  	s3 =	sand.u32 $0x4000, s31;
	s1 =	sadd.s32 s1, s30  }
0xbb: {  	s0 =	sor.u32 s3, s0;
	s1 =	sshll.u32 s1, $0x11  }
0xbc: {  	s0 =	sor.u32 s1, s0  }
0xbd: {  	s0 =	sadd.s32 $0x8F2B, s0  }
0xbe: {  	[sflag:s0] =	ssyncadd.remote.s32 $0x1  }
0xbf: {  	_ =	sfence.sel $0xFFFF  }
0xc0: {  	[dreg:$0x0] =	wrdreg $0xFFFFFFFF;
	(pc) =	sbr.abs _section_cstart, $3  }
0xc1: {  	[dreg:$0x1] =	wrdreg $0xFFFFFFFF  }
0xc2: {  	_ =	task.clear_ibuf [dreg:s7], $0x2FFFF;
	_ =	strace $0x9FFFFFFF  }
0xc3: {  	(tm) =	ssettm $0x7FFFFFFF  }
tec
execute0_lowered:
.L_overlay_start_1:
0x0: {  	(tag) =	ssettag $0x1  }
0x1: {  	s0 =	rddreg [dreg:$0x0]  }
0x2: {  	s3 =	rddreg [dreg:$0x2]  }
0x3: {  	s10 =	stileid.u32;
	s2 =	srdreg.scid;
	s4 =	simm.s32 $0x0  }
0x4: {  	s28 =	simm.s32 $0xEA60;
	s29 =	simm.s32 $0x11170;
	s14 =	simm.s32 $0x17840  }
0x5: {  	s30 =	simm.s32 $0x2;
	s1 =	sand.u32 $0x7, s10;
	s6 =	smul.u32 $0x2710, s10  }
0x6: {  	s2 =	sand.u32 $0x1, s2;
	[smem:$0x7FF] =	sst s4;
	s1 =	smul.u32 $0x13880, s1  }
0x7: {  	s5 =	sadd.s32 $0x13E00, s0;
	s17 =	sshrl.u32 s10, $0x3;
	s7 =	smul.u32 $0x27100, s2  }
0x8: {  	s10 =	simm.s32 $0x0;
	s2 =	ssub.s32 $0x2, s2;
	s20 =	smul.u32 $0x13880, s17  }
0x9: {  	_ =	strace $0x80000047;
	s17 =	smul.u32 $0x14, s17;
	s9 =	sshrl.u32 s2, $0x1  }
0xa: {  	s15 =	sadd.s32 s6, s3;
	s1 =	sshrl.u32 s1, $0x3;
	s2 =	ssub.s32 s2, s9  }
0xb: {  	s8 =	sadd.s32 s6, s7;
	s1 =	sadd.s32 s1, s0;
	s31 =	smax.u32 s2, $0x1  }
0xc: {  	s13 =	sadd.s32 s7, s20;
	s18 =	sadd.s32 $0x400, s1;
	[dreg:$0xe] =	wrdreg s31  }
0xd: {  	s6 =	simm.s32 $0x157C0;
	s19 =	sadd.s32 $0x8E2, s1;
	[dreg:$0x4] =	wrdreg s18  }
0xe: {  	s7 =	simm.s32 $0x4;
	s21 =	sadd.s32 $0xDC4, s1;
	[dreg:$0x5] =	wrdreg s19  }
0xf: {  	s9 =	simm.s32 $0x3;
	s22 =	sadd.s32 $0x12A6, s1;
	[dreg:$0x6] =	wrdreg s21  }
0x10: {  	s8 =	sshrl.u32 s8, $0x3;
	s23 =	sadd.s32 $0x1788, s1;
	[dreg:$0x7] =	wrdreg s22  }
0x11: {  	s26 =	sshrl.u32 s13, $0x3;
	s24 =	sadd.s32 $0x1C6A, s1;
	[dreg:$0x8] =	wrdreg s23  }
0x12: {  	s2 =	simm.s32 $0x1;
	s25 =	sadd.s32 $0x214C, s1;
	[dreg:$0x9] =	wrdreg s24  }
0x13: {  	s0 =	sadd.s32 s8, s0;
	s1 =	sadd.s32 $0x262E, s1;
	[dreg:$0xa] =	wrdreg s25  }
0x14: {  	s8 =	simm.s32 $0x16760;
	[dreg:$0xb] =	wrdreg s1;
	s1 =	sadd.s32 s5, s26  }
0x15: {  	s18 =	sadd.s32 $0x1F40, s13;
	s0 =	sadd.s32 $0x1DC00, s0;
	s21 =	simm.s32 $0x5  }
0x16: {  	s22 =	simm.s32 $0x2710;
	s23 =	simm.s32 $0x4E20;
	s24 =	simm.s32 $0x7530  }
0x17: {  	s25 =	simm.s32 $0x9C40;
	s26 =	simm.s32 $0xC350;
	[dreg:$0xc] =	wrdreg s1  }
0x18: {  	v0 =	vimm.f32 $0.0e+00;
	[dreg:$0xd] =	wrdreg s0;
	s0 =	simm.s32 $0x13880;
	s1 =	simm.s32 $0x14820  }
.LBB2_1:
0x19: {  	s11 =	rddreg [dreg:$0x4]  }
0x1a: {  	[tilespmem:s4], [sflag:$0x5] =	stream.linear.gather [hbm4b:s11+s4], $0x2710, $0x38;
	[tilespmem:$0x1C660] =	vst v63  }
0x1b: {  	_ =	swait.ge [sflag:s21], $0x2710  }
0x1c: {  	[sflag:s21] =	ssyncset.done $0x0  }
0x1d: {  	s19 =	rddreg [dreg:$0x5];
	[sflag:s21] =	ssyncadd.s32 $0xFFFFD8F0  }
0x1e: {  	[tilespmem:s22], [sflag:$0x5] =	stream.linear.gather [hbm4b:s19+s4], $0x2710, $0x38;
	[tilespmem:$0x1C660] =	vst v63  }
0x1f: {  	_ =	swait.ge [sflag:s21], $0x2710  }
0x20: {  	[sflag:s21] =	ssyncset.done $0x0  }
0x21: {  	s20 =	rddreg [dreg:$0x6];
	[sflag:s21] =	ssyncadd.s32 $0xFFFFD8F0  }
0x22: {  	[tilespmem:s23], [sflag:$0x5] =	stream.linear.gather [hbm4b:s20+s4], $0x2710, $0x38;
	[tilespmem:$0x1C660] =	vst v63  }
0x23: {  	_ =	swait.ge [sflag:s21], $0x2710  }
0x24: {  	[sflag:s21] =	ssyncset.done $0x0  }
0x25: {  	s31 =	rddreg [dreg:$0x7];
	[sflag:s21] =	ssyncadd.s32 $0xFFFFD8F0  }
0x26: {  	[tilespmem:s24], [sflag:$0x5] =	stream.linear.gather [hbm4b:s31+s4], $0x2710, $0x38;
	[tilespmem:$0x1C660] =	vst v63  }
0x27: {  	_ =	swait.ge [sflag:s21], $0x2710  }
0x28: {  	[sflag:s21] =	ssyncset.done $0x0  }
0x29: {  	s12 =	rddreg [dreg:$0x8];
	[sflag:s21] =	ssyncadd.s32 $0xFFFFD8F0  }
0x2a: {  	[tilespmem:s25], [sflag:$0x5] =	stream.linear.gather [hbm4b:s12+s4], $0x2710, $0x38;
	[tilespmem:$0x1C660] =	vst v63  }
0x2b: {  	_ =	swait.ge [sflag:s21], $0x2710  }
0x2c: {  	[sflag:s21] =	ssyncset.done $0x0  }
0x2d: {  	s16 =	rddreg [dreg:$0x9];
	[sflag:s21] =	ssyncadd.s32 $0xFFFFD8F0  }
0x2e: {  	[tilespmem:s26], [sflag:$0x5] =	stream.linear.gather [hbm4b:s16+s4], $0x2710, $0x38;
	[tilespmem:$0x1C660] =	vst v63  }
0x2f: {  	_ =	swait.ge [sflag:s21], $0x2710  }
0x30: {  	[sflag:s21] =	ssyncset.done $0x0  }
0x31: {  	s19 =	rddreg [dreg:$0xa];
	[sflag:s21] =	ssyncadd.s32 $0xFFFFD8F0  }
0x32: {  	[tilespmem:s28], [sflag:$0x5] =	stream.linear.gather [hbm4b:s19+s4], $0x2710, $0x38;
	[tilespmem:$0x1C660] =	vst v63  }
0x33: {  	_ =	swait.ge [sflag:s21], $0x2710  }
0x34: {  	[sflag:s21] =	ssyncset.done $0x0  }
0x35: {  	s20 =	rddreg [dreg:$0xb];
	[sflag:s21] =	ssyncadd.s32 $0xFFFFD8F0  }
0x36: {  	[tilespmem:s29], [sflag:$0x5] =	stream.linear.gather [hbm4b:s20+s4], $0x2710, $0x38;
	[tilespmem:$0x1C660] =	vst v63  }
0x37: {  	_ =	swait.ge [sflag:s21], $0x2710  }
0x38: {  	[sflag:s21] =	ssyncset.done $0x0  }
0x39: {  	[sflag:s21] =	ssyncadd.s32 $0xFFFFD8F0  }
0x3a: {  	s12 =	simm.s32 $0x17700;
	s31 =	rddreg [dreg:$0x1]  }
0x3b: {  	[tilespmem:s12], [sflag:$0x5] =	stream.linear.gather [hbm4b:s31+s4], $0x140, $0x38;
	[tilespmem:$0x1C660] =	vst v63  }
0x3c: {  	_ =	swait.ge [sflag:s21], $0x140  }
0x3d: {  	[sflag:s21] =	ssyncset.done $0x0  }
0x3e: {  	s11 =	simm.s32 $0x40;
	s12 =	simm.s32 $0x0;
	[sflag:s21] =	ssyncadd.s32 $0xFFFFFEC0  }
.LBB2_2:
0x3f: {  	p0 =	sne.s32 s11, $0x1F00;
	[tilespmem:s12+$0x17840] =	vst v0;
	s12 =	smov.u32 s11;
	s11 =	sadd.s32 $0x40, s11  }
.Ltmp0:
0x40: {  	(pc) =	sbr.rel @p0 .LBB2_2-.Ltmp0, $2  }
0x41: {  	_ =	sdelay $0x2  }
0x42: {  	s12 =	sshra.s32 s12, $0x2  }
0x43: {  	[tilespmem:s12+$0x17840] =	vst v0;
	s11 =	simm.s32 $0x40;
	s12 =	simm.s32 $0x0  }
.LBB2_4:
0x44: {  	p0 =	sne.s32 s11, $0x1F00;
	[tilespmem:s12+$0x18010] =	vst v0;
	s12 =	smov.u32 s11;
	s11 =	sadd.s32 $0x40, s11  }
.Ltmp1:
0x45: {  	(pc) =	sbr.rel @p0 .LBB2_4-.Ltmp1, $2  }
0x46: {  	_ =	sdelay $0x2  }
0x47: {  	s12 =	sshra.s32 s12, $0x2  }
0x48: {  	[tilespmem:s12+$0x18010] =	vst v0;
	s11 =	simm.s32 $0x40;
	s12 =	simm.s32 $0x0  }
.LBB2_6:
0x49: {  	p0 =	sne.s32 s11, $0x1F00;
	[tilespmem:s12+$0x187E0] =	vst v0;
	s12 =	smov.u32 s11;
	s11 =	sadd.s32 $0x40, s11  }
.Ltmp2:
0x4a: {  	(pc) =	sbr.rel @p0 .LBB2_6-.Ltmp2, $2  }
0x4b: {  	_ =	sdelay $0x2  }
0x4c: {  	s12 =	sshra.s32 s12, $0x2  }
0x4d: {  	[tilespmem:s12+$0x187E0] =	vst v0;
	s11 =	simm.s32 $0x40;
	s12 =	simm.s32 $0x0  }
.LBB2_8:
0x4e: {  	p0 =	sne.s32 s11, $0x1F00;
	[tilespmem:s12+$0x18FB0] =	vst v0;
	s12 =	smov.u32 s11;
	s11 =	sadd.s32 $0x40, s11  }
.Ltmp3:
0x4f: {  	(pc) =	sbr.rel @p0 .LBB2_8-.Ltmp3, $2  }
0x50: {  	_ =	sdelay $0x2  }
0x51: {  	s12 =	sshra.s32 s12, $0x2  }
0x52: {  	[tilespmem:s12+$0x18FB0] =	vst v0;
	s11 =	simm.s32 $0x40;
	s12 =	simm.s32 $0x0  }
.LBB2_10:
0x53: {  	p0 =	sne.s32 s11, $0x1F00;
	[tilespmem:s12+$0x19780] =	vst v0;
	s12 =	smov.u32 s11;
	s11 =	sadd.s32 $0x40, s11  }
.Ltmp4:
0x54: {  	(pc) =	sbr.rel @p0 .LBB2_10-.Ltmp4, $2  }
0x55: {  	_ =	sdelay $0x2  }
0x56: {  	s12 =	sshra.s32 s12, $0x2  }
0x57: {  	[tilespmem:s12+$0x19780] =	vst v0  }
0x58: {  	[spmem:s15] =	stream.linear.scatter [tilespmem:s14], [sflag:$0x5], $0x2710, $0x38;
	[tilespmem:$0x1C660] =	vst v63  }
0x59: {  	_ =	swait.ge [sflag:s21], $0x2710  }
0x5a: {  	[sflag:s21] =	ssyncset.done $0x0  }
0x5b: {  	[sflag:s21] =	ssyncadd.s32 $0xFFFFD8F0  }
0x5c: {  	[bflag:$0x0] =	sbarrier.arrive $0xFFFF  }
0x5d: {  	s11 =	simm.s32 $0x0;
	s31 =	rddreg [dreg:$0xc]  }
0x5e: {  	[tilespmem:s0], [sflag:$0x1] =	stream.linear.gather [hbm4b:s31+s11], $0xFA0, $0x38;
	[tilespmem:$0x1C660] =	vst v63  }
.LBB2_12:
0x5f: {  	s12 =	sshllo.u32 s11, $0x1  }
0x60: {  	s14 =	smul.u32 $0xFA0, s12;
	_ =	sdelay $0x1  }
0x61: {  	s14 =	sadd.s32 s13, s14  }
0x62: {  	s14 =	sshrl.u32 s14, $0x3  }
0x63: {  	s14 =	sadd.s32 s5, s14  }
0x64: {  	[tilespmem:s1], [sflag:$0x2] =	stream.linear.gather [hbm4b:s14+s4], $0xFA0, $0x38;
	[tilespmem:$0x1C660] =	vst v63  }
0x65: {  	_ =	swait.ge [sflag:s2], $0xFA0  }
0x66: {  	p0 =	seq.s32 s11, $0x0;
	[sflag:s2] =	ssyncset.done $0x0  }
0x67: {  	s14 =	simm.s32 @!p0 $0x3;
	[sflag:s2] =	ssyncadd.s32 $0xFFFFF060  }
0x68: {  	_ =	swait.ge @!p0 [sflag:s14], $0xFA0  }
0x69: {  	[sflag:s14] =	ssyncset.done @!p0 $0x0  }
0x6a: {  	s20 =	simm.s32 $0x14090;
	[sflag:s14] =	ssyncadd.s32 @!p0 $0xFFFFF060  }
0x6b: {  	v1 =	vld [tilespmem:s20+$0xFFFFF830]  }
0x6c: {  	v2 =	vld [tilespmem:s20+$0x0]  }
0x6d: {  	v3 =	vld [tilespmem:s20+$0xFFFFFFC0]  }
0x6e: {  	v4 =	vld [tilespmem:s20+$0xFFFFF800]  }
0x6f: {  	v5 =	vld [tilespmem:s20+$0xFFFFFFD0]  }
0x70: {  	v6 =	vld [tilespmem:s20+$0xFFFFF810];
	v19 =	vand.u32 $0xFFFF, v1  }
0x71: {  	v7 =	vld [tilespmem:s20+$0xFFFFFFE0];
	v20 =	vand.u32 $0xFFFF, v2  }
0x72: {  	v17 =	vld [tilespmem:s20+$0xFFFFF820];
	v21 =	vshrl.u32 v1, $0x10  }
0x73: {  	v18 =	vld [tilespmem:s20+$0xFFFFF7F0]  }
0x74: {  	v1 =	vld [tilespmem:s20+$0xFFFFFFF0];
	v22 =	vshrl.u32 v2, $0x10  }
0x75: {  	v2 =	vld.idx.msk [tilespmem:v19+s29+$0x0], $0xffff  }
0x76: {  	v23 =	vld.idx.msk [tilespmem:v20+s29+$0x0], $0xffff  }
0x77: {  	v24 =	vld.idx.msk [tilespmem:v21+s29+$0x0], $0xffff  }
0x78: {  	v25 =	vld.idx.msk [tilespmem:v21+s4+$0x0], $0xffff  }
0x79: {  	v26 =	vld.idx.msk [tilespmem:v22+s4+$0x0], $0xffff  }
0x7a: {  	v27 =	vld.idx.msk [tilespmem:v21+s22+$0x0], $0xffff  }
0x7b: {  	v28 =	vld.idx.msk [tilespmem:v22+s22+$0x0], $0xffff  }
0x7c: {  	v29 =	vld.idx.msk [tilespmem:v21+s23+$0x0], $0xffff  }
0x7d: {  	v30 =	vld.idx.msk [tilespmem:v22+s23+$0x0], $0xffff  }
0x7e: {  	v31 =	vld.idx.msk [tilespmem:v21+s24+$0x0], $0xffff  }
0x7f: {  	v12 =	vshrl.u32 v4, $0x10;
	v34 =	vld.idx.msk [tilespmem:v22+s24+$0x0], $0xffff  }
0x80: {  	v15 =	vand.u32 $0xFFFF, v4;
	v8 =	vshrl.u32 v6, $0x10;
	v11 =	vand.u32 $0xFFFF, v6;
	v36 =	vld.idx.msk [tilespmem:v21+s25+$0x0], $0xffff  }
0x81: {  	v6 =	vshrl.u32 v7, $0x10;
	v9 =	vand.u32 $0xFFFF, v7;
	v4 =	vshrl.u32 v17, $0x10;
	v55 =	vld.idx.msk [tilespmem:v22+s25+$0x0], $0xffff  }
0x82: {  	v7 =	vand.u32 $0xFFFF, v17;
	v17 =	vshrl.u32 v18, $0x10;
	v18 =	vand.u32 $0xFFFF, v18;
	v57 =	vld.idx.msk [tilespmem:v21+s26+$0x0], $0xffff  }
0x83: {  	v16 =	vand.u32 $0xFFFF, v3;
	v21 =	vld.idx.msk [tilespmem:v21+s28+$0x0], $0xffff  }
0x84: {  	v61 =	vld.idx.msk [tilespmem:v20+s28+$0x0], $0xffff  }
0x85: {  	v14 =	vshrl.u32 v3, $0x10;
	v10 =	vshrl.u32 v5, $0x10;
	v13 =	vand.u32 $0xFFFF, v5;
	v63 =	vld.idx.msk [tilespmem:v20+s26+$0x0], $0xffff  }
0x86: {  	v3 =	vshrl.u32 v1, $0x10;
	v5 =	vand.u32 $0xFFFF, v1;
	v46 =	vld.idx.msk [tilespmem:v20+s24+$0x0], $0xffff;
	v32 =	vshll.u32 v2, $0x10  }
0x87: {  	v52 =	vld.idx.msk [tilespmem:v18+s4+$0x0], $0xffff;
	v33 =	vshll.u32 v23, $0x10;
	v1 =	vmul.f32 v23, v2;
	v23 =	vshll.u32 v25, $0x10  }
0x88: {  	v53 =	vld.idx.msk [tilespmem:v16+s4+$0x0], $0xffff;
	v35 =	vshll.u32 v26, $0x10;
	v25 =	vmul.f32 v26, v25;
	v26 =	vshll.u32 v27, $0x10  }
0x89: {  	v56 =	vshll.u32 v28, $0x10;
	v27 =	vmul.f32 v28, v27;
	v58 =	vshll.u32 v29, $0x10  }
0x8a: {  	v40 =	vld.idx.msk [tilespmem:v19+s22+$0x0], $0xffff;
	v37 =	vshll.u32 v30, $0x10;
	v29 =	vmul.f32 v30, v29;
	v59 =	vshll.u32 v34, $0x10  }
0x8b: {  	v49 =	vld.idx.msk [tilespmem:v20+s22+$0x0], $0xffff;
	v60 =	vshll.u32 v55, $0x10;
	v42 =	vshll.u32 v21, $0x10;
	v48 =	vshll.u32 v61, $0x10  }
0x8c: {  	v28 =	vld.idx.msk [tilespmem:v22+s26+$0x0], $0xffff;
	v38 =	vshll.u32 v63, $0x10;
	v51 =	vshll.u32 v46, $0x10;
	v23 =	vmul.f32 v35, v23  }
0x8d: {  	v30 =	vld.idx.msk [tilespmem:v22+s28+$0x0], $0xffff;
	v2 =	vmul.f32 v33, v32;
	v33 =	vmul.f32 v53, v52;
	v25 =	vadd.f32 $0.0e+00, v25  }
0x8e: {  	v22 =	vld.idx.msk [tilespmem:v22+s29+$0x0], $0xffff;
	v26 =	vmul.f32 v56, v26;
	v32 =	vmul.f32 v55, v36;
	v23 =	vadd.f32 $0.0e+00, v23  }
0x8f: {  	v50 =	vld.idx.msk [tilespmem:v20+s4+$0x0], $0xffff;
	v55 =	vshll.u32 v40, $0x10;
	v33 =	vadd.f32 $0.0e+00, v33;
	v25 =	vadd.f32 v27, v25  }
0x90: {  	v54 =	vld.idx.msk [tilespmem:v17+s4+$0x0], $0xffff;
	v27 =	vshll.u32 v31, $0x10;
	v31 =	vmul.f32 v34, v31;
	v23 =	vadd.f32 v26, v23  }
0x91: {  	v56 =	vld.idx.msk [tilespmem:v14+s4+$0x0], $0xffff;
	v26 =	vmul.f32 v37, v58;
	v62 =	vshll.u32 v28, $0x10;
	v28 =	vmul.f32 v28, v57  }
0x92: {  	v43 =	vshll.u32 v30, $0x10;
	v21 =	vmul.f32 v30, v21;
	v58 =	vld.idx.msk [tilespmem:v15+s4+$0x0], $0xffff;
	v25 =	vadd.f32 v29, v25  }
0x93: {  	v45 =	vshll.u32 v22, $0x10;
	v23 =	vadd.f32 v26, v23;
	v26 =	vmul.f32 v59, v27  }
0x94: {  	v22 =	vmul.f32 v22, v24;
	v29 =	vshll.u32 v36, $0x10;
	v27 =	vld.idx.msk [tilespmem:v19+s28+$0x0], $0xffff;
	v25 =	vadd.f32 v31, v25  }
0x95: {  	v44 =	vld.idx.msk [tilespmem:v20+s25+$0x0], $0xffff;
	v31 =	vshll.u32 v57, $0x10;
	v57 =	vshll.u32 v49, $0x10;
	v23 =	vadd.f32 v26, v23  }
0x96: {  	v47 =	vld.idx.msk [tilespmem:v20+s23+$0x0], $0xffff;
	v26 =	vmul.f32 v60, v29;
	v60 =	vshll.u32 v50, $0x10;
	v35 =	vmul.f32 v57, v55  }
0x97: {  	v29 =	vld.idx.msk [tilespmem:v19+s26+$0x0], $0xffff;
	v25 =	vadd.f32 v32, v25;
	v32 =	vmul.f32 v56, v54;
	v55 =	vshll.u32 v58, $0x10  }
0x98: {  	v23 =	vadd.f32 v26, v23;
	v26 =	vmul.f32 v62, v31;
	v31 =	vld.idx.msk [tilespmem:v19+s25+$0x0], $0xffff;
	v62 =	vshll.u32 v52, $0x10  }
0x99: {  	v30 =	vld.idx.msk [tilespmem:v19+s24+$0x0], $0xffff;
	v25 =	vadd.f32 v28, v25;
	v28 =	vshll.u32 v24, $0x10;
	v20 =	vmul.f32 v61, v27  }
0x9a: {  	v61 =	vld.idx.msk [tilespmem:v13+s4+$0x0], $0xffff;
	v32 =	vadd.f32 $0.0e+00, v32;
	v23 =	vadd.f32 v26, v23;
	v26 =	vmul.f32 v43, v42  }
0x9b: {  	v24 =	vmul.f32 v45, v28;
	v42 =	vshll.u32 v53, $0x10;
	v43 =	vld.idx.msk [tilespmem:v11+s4+$0x0], $0xffff;
	v21 =	vadd.f32 v21, v25  }
0x9c: {  	v53 =	vshll.u32 v54, $0x10;
	v54 =	vld.idx.msk [tilespmem:v9+s4+$0x0], $0xffff;
	v25 =	vshll.u32 v29, $0x10;
	v23 =	vadd.f32 v26, v23  }
0x9d: {  	v26 =	vshll.u32 v27, $0x10;
	v21 =	vadd.f32 v22, v21;
	v41 =	vshll.u32 v31, $0x10  }
0x9e: {  	v28 =	vld.idx.msk [tilespmem:v19+s23+$0x0], $0xffff;
	v22 =	vmul.f32 v63, v29;
	v29 =	vshll.u32 v30, $0x10;
	v39 =	vadd.f32 v24, v23  }
0x9f: {  	v52 =	vld.idx.msk [tilespmem:v10+s4+$0x0], $0xffff;
	v23 =	vmul.f32 v38, v25;
	v25 =	vshll.u32 v44, $0x10;
	v24 =	vmul.f32 v44, v31  }
0xa0: {  	v45 =	vld.idx.msk [tilespmem:v8+s4+$0x0], $0xffff;
	v27 =	vmul.f32 v51, v29;
	v29 =	vshll.u32 v47, $0x10;
	v36 =	vmul.f32 v61, v58  }
0xa1: {  	v63 =	vld.idx.msk [tilespmem:v12+s4+$0x0], $0xffff;
	v44 =	vshll.u32 v56, $0x10;
	v25 =	vmul.f32 v25, v41;
	v37 =	vmul.f32 v54, v43  }
0xa2: {  	v31 =	vld.idx.msk [tilespmem:v19+s4+$0x0], $0xffff;
	v19 =	vadd.f32 v39, v21;
	v21 =	vmul.f32 v48, v26;
	v26 =	vmul.f32 v46, v30  }
0xa3: {  	v56 =	vld.idx.msk [tilespmem:v6+s4+$0x0], $0xffff;
	v30 =	vshll.u32 v28, $0x10;
	v28 =	vmul.f32 v47, v28;
	v39 =	vmul.f32 v42, v62  }
0xa4: {  	v58 =	vld.idx.msk [tilespmem:v5+s4+$0x0], $0xffff;
	v42 =	vmul.f32 v44, v53;
	v46 =	vshll.u32 v61, $0x10;
	v36 =	vadd.f32 $0.0e+00, v36  }
0xa5: {  	v51 =	vld.idx.msk [tilespmem:v18+s22+$0x0], $0xffff;
	v48 =	vshll.u32 v52, $0x10;
	v29 =	vmul.f32 v29, v30;
	v30 =	vmul.f32 v49, v40  }
0xa6: {  	v44 =	vmul.f32 v46, v55;
	v37 =	vadd.f32 $0.0e+00, v37;
	v39 =	vadd.f32 $0.0e+00, v39  }
0xa7: {  	v42 =	vadd.f32 $0.0e+00, v42;
	v57 =	vshll.u32 v63, $0x10;
	v34 =	vmul.f32 v52, v63  }
0xa8: {  	v47 =	vld.idx.msk [tilespmem:v7+s4+$0x0], $0xffff;
	v59 =	vshll.u32 v31, $0x10;
	v31 =	vmul.f32 v50, v31;
	v44 =	vadd.f32 $0.0e+00, v44  }
0xa9: {  	v61 =	vld.idx.msk [tilespmem:v16+s22+$0x0], $0xffff;
	v46 =	vmul.f32 v48, v57;
	v50 =	vshll.u32 v54, $0x10;
	v52 =	vshll.u32 v56, $0x10  }
0xaa: {  	v53 =	vld.idx.msk [tilespmem:v17+s22+$0x0], $0xffff;
	v38 =	vmul.f32 v56, v45;
	v54 =	vshll.u32 v58, $0x10;
	v57 =	vshll.u32 v51, $0x10  }
0xab: {  	v49 =	vld.idx.msk [tilespmem:v4+s4+$0x0], $0xffff;
	v40 =	vmul.f32 v60, v59;
	v59 =	vshll.u32 v43, $0x10;
	v34 =	vadd.f32 $0.0e+00, v34  }
0xac: {  	v55 =	vld.idx.msk [tilespmem:v15+s22+$0x0], $0xffff;
	v60 =	vshll.u32 v45, $0x10;
	v31 =	vadd.f32 $0.0e+00, v31;
	v46 =	vadd.f32 $0.0e+00, v46  }
0xad: {  	v43 =	vld.idx.msk [tilespmem:v3+s4+$0x0], $0xffff;
	v48 =	vmul.f32 v50, v59;
	v50 =	vmul.f32 v52, v60;
	v62 =	vshll.u32 v47, $0x10  }
0xae: {  	v38 =	vadd.f32 $0.0e+00, v38;
	v41 =	vmul.f32 v58, v47;
	v47 =	vld.idx.msk [tilespmem:v14+s22+$0x0], $0xffff;
	v58 =	vshll.u32 v61, $0x10  }
0xaf: {  	v45 =	vmul.f32 v61, v51;
	v51 =	vld.idx.msk [tilespmem:v10+s22+$0x0], $0xffff;
	v40 =	vadd.f32 $0.0e+00, v40;
	v52 =	vmul.f32 v54, v62  }
0xb0: {  	v59 =	vld.idx.msk [tilespmem:v11+s22+$0x0], $0xffff;
	v63 =	vshll.u32 v49, $0x10;
	v48 =	vadd.f32 $0.0e+00, v48;
	v50 =	vadd.f32 $0.0e+00, v50  }
0xb1: {  	v57 =	vmul.f32 v58, v57;
	v41 =	vadd.f32 $0.0e+00, v41;
	v30 =	vadd.f32 v30, v31;
	v31 =	vld.idx.msk [tilespmem:v11+s23+$0x0], $0xffff  }
0xb2: {  	v58 =	vshll.u32 v53, $0x10;
	v33 =	vadd.f32 v45, v33;
	v35 =	vadd.f32 v35, v40;
	v40 =	vld.idx.msk [tilespmem:v9+s22+$0x0], $0xffff  }
0xb3: {  	v52 =	vadd.f32 $0.0e+00, v52;
	v39 =	vadd.f32 v57, v39;
	v57 =	vld.idx.msk [tilespmem:v7+s22+$0x0], $0xffff;
	v56 =	vshll.u32 v43, $0x10  }
0xb4: {  	v43 =	vmul.f32 v43, v49;
	v49 =	vld.idx.msk [tilespmem:v13+s22+$0x0], $0xffff;
	v28 =	vadd.f32 v28, v30;
	v54 =	vmul.f32 v56, v63  }
0xb5: {  	v56 =	vld.idx.msk [tilespmem:v12+s22+$0x0], $0xffff;
	v60 =	vshll.u32 v47, $0x10;
	v47 =	vmul.f32 v47, v53;
	v29 =	vadd.f32 v29, v35  }
0xb6: {  	v30 =	vld.idx.msk [tilespmem:v9+s24+$0x0], $0xffff;
	v43 =	vadd.f32 $0.0e+00, v43;
	v60 =	vmul.f32 v60, v58;
	v26 =	vadd.f32 v26, v28  }
0xb7: {  	v61 =	vshll.u32 v55, $0x10;
	v53 =	vld.idx.msk [tilespmem:v4+s22+$0x0], $0xffff;
	v54 =	vadd.f32 $0.0e+00, v54;
	v32 =	vadd.f32 v47, v32  }
0xb8: {  	v35 =	vld.idx.msk [tilespmem:v5+s23+$0x0], $0xffff;
	v27 =	vadd.f32 v27, v29;
	v42 =	vadd.f32 v60, v42;
	v60 =	vshll.u32 v51, $0x10  }
0xb9: {  	v58 =	vld.idx.msk [tilespmem:v8+s22+$0x0], $0xffff;
	v24 =	vadd.f32 v24, v26;
	v62 =	vshll.u32 v49, $0x10;
	v49 =	vmul.f32 v49, v55  }
0xba: {  	v55 =	vld.idx.msk [tilespmem:v6+s22+$0x0], $0xffff;
	v25 =	vadd.f32 v25, v27;
	v45 =	vmul.f32 v62, v61;
	v63 =	vshll.u32 v56, $0x10  }
0xbb: {  	v51 =	vmul.f32 v51, v56;
	v56 =	vld.idx.msk [tilespmem:v5+s22+$0x0], $0xffff;
	v62 =	vshll.u32 v59, $0x10;
	v61 =	vmul.f32 v60, v63  }
0xbc: {  	v28 =	vld.idx.msk [tilespmem:v8+s25+$0x0], $0xffff;
	v36 =	vadd.f32 v49, v36;
	v63 =	vshll.u32 v40, $0x10;
	v40 =	vmul.f32 v40, v59  }
0xbd: {  	v59 =	vld.idx.msk [tilespmem:v3+s22+$0x0], $0xffff;
	v44 =	vadd.f32 v45, v44;
	v60 =	vmul.f32 v63, v62;
	v34 =	vadd.f32 v51, v34  }
0xbe: {  	v49 =	vld.idx.msk [tilespmem:v18+s23+$0x0], $0xffff;
	v63 =	vshll.u32 v57, $0x10;
	v45 =	vadd.f32 v61, v46;
	v61 =	vshll.u32 v58, $0x10  }
0xbf: {  	v51 =	vld.idx.msk [tilespmem:v17+s23+$0x0], $0xffff;
	v37 =	vadd.f32 v40, v37;
	v62 =	vshll.u32 v55, $0x10;
	v55 =	vmul.f32 v55, v58  }
0xc0: {  	v58 =	vld.idx.msk [tilespmem:v16+s23+$0x0], $0xffff;
	v46 =	vadd.f32 v60, v48;
	v47 =	vmul.f32 v62, v61;
	v60 =	vshll.u32 v56, $0x10  }
0xc1: {  	v48 =	vshll.u32 v53, $0x10;
	v56 =	vmul.f32 v56, v57;
	v57 =	vld.idx.msk [tilespmem:v14+s23+$0x0], $0xffff;
	v40 =	vmul.f32 v60, v63  }
0xc2: {  	v38 =	vadd.f32 v55, v38;
	v55 =	vshll.u32 v59, $0x10;
	v53 =	vmul.f32 v59, v53;
	v59 =	vld.idx.msk [tilespmem:v13+s23+$0x0], $0xffff  }
0xc3: {  	v60 =	vshll.u32 v49, $0x10;
	v47 =	vadd.f32 v47, v50;
	v50 =	vld.idx.msk [tilespmem:v15+s23+$0x0], $0xffff;
	v48 =	vmul.f32 v55, v48  }
0xc4: {  	v41 =	vadd.f32 v56, v41;
	v62 =	vshll.u32 v51, $0x10;
	v40 =	vadd.f32 v40, v52;
	v52 =	vld.idx.msk [tilespmem:v12+s23+$0x0], $0xffff  }
0xc5: {  	v43 =	vadd.f32 v53, v43;
	v53 =	vld.idx.msk [tilespmem:v10+s23+$0x0], $0xffff;
	v61 =	vshll.u32 v58, $0x10;
	v48 =	vadd.f32 v48, v54  }
0xc6: {  	v29 =	vld.idx.msk [tilespmem:v16+s25+$0x0], $0xffff;
	v49 =	vmul.f32 v58, v49;
	v63 =	vmul.f32 v61, v60;
	v60 =	vshll.u32 v57, $0x10  }
0xc7: {  	v58 =	vld.idx.msk [tilespmem:v9+s23+$0x0], $0xffff;
	v51 =	vmul.f32 v57, v51;
	v55 =	vmul.f32 v60, v62;
	v62 =	vshll.u32 v59, $0x10  }
0xc8: {  	v57 =	vld.idx.msk [tilespmem:v8+s23+$0x0], $0xffff;
	v33 =	vadd.f32 v49, v33;
	v61 =	vshll.u32 v50, $0x10;
	v39 =	vadd.f32 v63, v39  }
0xc9: {  	v56 =	vld.idx.msk [tilespmem:v7+s23+$0x0], $0xffff;
	v50 =	vmul.f32 v59, v50;
	v32 =	vadd.f32 v51, v32;
	v42 =	vadd.f32 v55, v42  }
0xca: {  	v59 =	vld.idx.msk [tilespmem:v6+s23+$0x0], $0xffff;
	v54 =	vmul.f32 v62, v61;
	v55 =	vshll.u32 v52, $0x10;
	v60 =	vshll.u32 v53, $0x10  }
0xcb: {  	v51 =	vld.idx.msk [tilespmem:v15+s24+$0x0], $0xffff;
	v52 =	vmul.f32 v53, v52;
	v63 =	vmul.f32 v60, v55;
	v60 =	vshll.u32 v31, $0x10  }
0xcc: {  	v55 =	vld.idx.msk [tilespmem:v4+s23+$0x0], $0xffff;
	v61 =	vshll.u32 v58, $0x10;
	v31 =	vmul.f32 v58, v31;
	v36 =	vadd.f32 v50, v36  }
0xcd: {  	v58 =	vld.idx.msk [tilespmem:v3+s23+$0x0], $0xffff;
	v44 =	vadd.f32 v54, v44;
	v49 =	vmul.f32 v61, v60;
	v62 =	vshll.u32 v57, $0x10  }
0xce: {  	v53 =	vld.idx.msk [tilespmem:v17+s24+$0x0], $0xffff;
	v61 =	vshll.u32 v56, $0x10;
	v34 =	vadd.f32 v52, v34;
	v45 =	vadd.f32 v63, v45  }
0xcf: {  	v54 =	vld.idx.msk [tilespmem:v18+s24+$0x0], $0xffff;
	v31 =	vadd.f32 v31, v37;
	v63 =	vshll.u32 v59, $0x10;
	v57 =	vmul.f32 v59, v57  }
0xd0: {  	v59 =	vld.idx.msk [tilespmem:v16+s24+$0x0], $0xffff;
	v46 =	vadd.f32 v49, v46;
	v60 =	vmul.f32 v63, v62;
	v62 =	vshll.u32 v35, $0x10  }
0xd1: {  	v35 =	vmul.f32 v35, v56;
	v56 =	vld.idx.msk [tilespmem:v14+s24+$0x0], $0xffff;
	v49 =	vmul.f32 v62, v61;
	v50 =	vshll.u32 v55, $0x10  }
0xd2: {  	v52 =	vshll.u32 v58, $0x10;
	v55 =	vmul.f32 v58, v55;
	v58 =	vld.idx.msk [tilespmem:v13+s24+$0x0], $0xffff;
	v37 =	vadd.f32 v57, v38  }
0xd3: {  	v38 =	vld.idx.msk [tilespmem:v10+s24+$0x0], $0xffff;
	v62 =	vshll.u32 v53, $0x10;
	v47 =	vadd.f32 v60, v47;
	v63 =	vmul.f32 v52, v50  }
0xd4: {  	v60 =	vshll.u32 v54, $0x10;
	v50 =	vld.idx.msk [tilespmem:v12+s24+$0x0], $0xffff;
	v35 =	vadd.f32 v35, v41;
	v40 =	vadd.f32 v49, v40  }
0xd5: {  	v57 =	vld.idx.msk [tilespmem:v8+s24+$0x0], $0xffff;
	v43 =	vadd.f32 v55, v43;
	v61 =	vshll.u32 v59, $0x10;
	v41 =	vadd.f32 v63, v48  }
0xd6: {  	v26 =	vld.idx.msk [tilespmem:v6+s26+$0x0], $0xffff;
	v54 =	vmul.f32 v59, v54;
	v63 =	vshll.u32 v56, $0x10;
	v52 =	vmul.f32 v61, v60  }
0xd7: {  	v48 =	vld.idx.msk [tilespmem:v11+s24+$0x0], $0xffff;
	v61 =	vshll.u32 v51, $0x10;
	v53 =	vmul.f32 v56, v53;
	v49 =	vmul.f32 v63, v62  }
0xd8: {  	v59 =	vld.idx.msk [tilespmem:v6+s24+$0x0], $0xffff;
	v62 =	vshll.u32 v58, $0x10;
	v51 =	vmul.f32 v58, v51;
	v60 =	vshll.u32 v38, $0x10  }
0xd9: {  	v56 =	vld.idx.msk [tilespmem:v4+s24+$0x0], $0xffff;
	v33 =	vadd.f32 v54, v33;
	v55 =	vmul.f32 v62, v61;
	v63 =	vshll.u32 v50, $0x10  }
0xda: {  	v58 =	vld.idx.msk [tilespmem:v7+s24+$0x0], $0xffff;
	v39 =	vadd.f32 v52, v39;
	v38 =	vmul.f32 v38, v50;
	v52 =	vshll.u32 v57, $0x10  }
0xdb: {  	v50 =	vld.idx.msk [tilespmem:v5+s24+$0x0], $0xffff;
	v32 =	vadd.f32 v53, v32;
	v42 =	vadd.f32 v49, v42;
	v61 =	vmul.f32 v60, v63  }
0xdc: {  	v63 =	vshll.u32 v30, $0x10;
	v62 =	vshll.u32 v48, $0x10;
	v30 =	vmul.f32 v30, v48;
	v48 =	vld.idx.msk [tilespmem:v3+s24+$0x0], $0xffff  }
0xdd: {  	v36 =	vadd.f32 v51, v36;
	v44 =	vadd.f32 v55, v44;
	v55 =	vld.idx.msk [tilespmem:v18+s25+$0x0], $0xffff;
	v60 =	vshll.u32 v59, $0x10  }
0xde: {  	v57 =	vmul.f32 v59, v57;
	v59 =	vld.idx.msk [tilespmem:v17+s25+$0x0], $0xffff;
	v34 =	vadd.f32 v38, v34;
	v45 =	vadd.f32 v61, v45  }
0xdf: {  	v27 =	vld.idx.msk [tilespmem:v13+s26+$0x0], $0xffff;
	v49 =	vmul.f32 v63, v62;
	v60 =	vmul.f32 v60, v52;
	v52 =	vshll.u32 v56, $0x10  }
0xe0: {  	v54 =	vld.idx.msk [tilespmem:v15+s25+$0x0], $0xffff;
	v61 =	vshll.u32 v58, $0x10;
	v30 =	vadd.f32 v30, v31;
	v37 =	vadd.f32 v57, v37  }
0xe1: {  	v46 =	vadd.f32 v49, v46;
	v62 =	vshll.u32 v50, $0x10;
	v50 =	vmul.f32 v50, v58;
	v58 =	vld.idx.msk [tilespmem:v14+s25+$0x0], $0xffff  }
0xe2: {  	v38 =	vld.idx.msk [tilespmem:v10+s25+$0x0], $0xffff;
	v47 =	vadd.f32 v60, v47;
	v49 =	vmul.f32 v62, v61;
	v53 =	vshll.u32 v48, $0x10  }
0xe3: {  	v57 =	vld.idx.msk [tilespmem:v7+s25+$0x0], $0xffff;
	v48 =	vmul.f32 v48, v56;
	v60 =	vshll.u32 v55, $0x10;
	v61 =	vshll.u32 v59, $0x10  }
0xe4: {  	v56 =	vld.idx.msk [tilespmem:v13+s25+$0x0], $0xffff;
	v35 =	vadd.f32 v50, v35;
	v40 =	vadd.f32 v49, v40;
	v63 =	vmul.f32 v53, v52  }
0xe5: {  	v52 =	vld.idx.msk [tilespmem:v12+s25+$0x0], $0xffff;
	v53 =	vshll.u32 v29, $0x10;
	v29 =	vmul.f32 v29, v55;
	v43 =	vadd.f32 v48, v43  }
0xe6: {  	v50 =	vld.idx.msk [tilespmem:v9+s25+$0x0], $0xffff;
	v48 =	vmul.f32 v53, v60;
	v31 =	vadd.f32 v63, v41;
	v62 =	vshll.u32 v58, $0x10  }
0xe7: {  	v53 =	vld.idx.msk [tilespmem:v6+s25+$0x0], $0xffff;
	v63 =	vshll.u32 v54, $0x10;
	v58 =	vmul.f32 v58, v59;
	v29 =	vadd.f32 v29, v33  }
0xe8: {  	v41 =	vld.idx.msk [tilespmem:v11+s25+$0x0], $0xffff;
	v49 =	vmul.f32 v62, v61;
	v62 =	vshll.u32 v38, $0x10;
	v39 =	vadd.f32 v48, v39  }
0xe9: {  	v59 =	vld.idx.msk [tilespmem:v5+s25+$0x0], $0xffff;
	v60 =	vshll.u32 v56, $0x10;
	v54 =	vmul.f32 v56, v54;
	v32 =	vadd.f32 v58, v32  }
0xea: {  	v56 =	vld.idx.msk [tilespmem:v4+s25+$0x0], $0xffff;
	v51 =	vmul.f32 v60, v63;
	v61 =	vshll.u32 v52, $0x10;
	v38 =	vmul.f32 v38, v52  }
0xeb: {  	v58 =	vld.idx.msk [tilespmem:v10+s26+$0x0], $0xffff;
	v60 =	vshll.u32 v50, $0x10;
	v42 =	vadd.f32 v49, v42;
	v55 =	vmul.f32 v62, v61  }
0xec: {  	v52 =	vld.idx.msk [tilespmem:v18+s26+$0x0], $0xffff;
	v61 =	vshll.u32 v28, $0x10;
	v62 =	vshll.u32 v53, $0x10;
	v28 =	vmul.f32 v53, v28  }
0xed: {  	v53 =	vld.idx.msk [tilespmem:v16+s26+$0x0], $0xffff;
	v36 =	vadd.f32 v54, v36;
	v63 =	vshll.u32 v41, $0x10;
	v41 =	vmul.f32 v50, v41  }
0xee: {  	v50 =	vld.idx.msk [tilespmem:v3+s25+$0x0], $0xffff;
	v44 =	vadd.f32 v51, v44;
	v49 =	vmul.f32 v62, v61;
	v34 =	vadd.f32 v38, v34  }
0xef: {  	v51 =	vld.idx.msk [tilespmem:v15+s26+$0x0], $0xffff;
	v48 =	vmul.f32 v60, v63;
	v45 =	vadd.f32 v55, v45;
	v63 =	vshll.u32 v57, $0x10  }
0xf0: {  	v55 =	vld.idx.msk [tilespmem:v17+s26+$0x0], $0xffff;
	v60 =	vshll.u32 v59, $0x10;
	v57 =	vmul.f32 v59, v57;
	v28 =	vadd.f32 v28, v37  }
0xf1: {  	v59 =	vld.idx.msk [tilespmem:v14+s26+$0x0], $0xffff;
	v47 =	vadd.f32 v49, v47;
	v49 =	vshll.u32 v56, $0x10;
	v30 =	vadd.f32 v41, v30  }
0xf2: {  	v54 =	vld.idx.msk [tilespmem:v18+s28+$0x0], $0xffff;
	v46 =	vadd.f32 v48, v46;
	v48 =	vmul.f32 v60, v63;
	v35 =	vadd.f32 v57, v35  }
0xf3: {  	v38 =	vld.idx.msk [tilespmem:v9+s26+$0x0], $0xffff;
	v63 =	vshll.u32 v27, $0x10;
	v33 =	vshll.u32 v53, $0x10;
	v60 =	vshll.u32 v50, $0x10  }
0xf4: {  	v37 =	vld.idx.msk [tilespmem:v8+s26+$0x0], $0xffff;
	v50 =	vmul.f32 v50, v56;
	v56 =	vshll.u32 v52, $0x10;
	v40 =	vadd.f32 v48, v40  }
0xf5: {  	v57 =	vld.idx.msk [tilespmem:v5+s26+$0x0], $0xffff;
	v62 =	vshll.u32 v51, $0x10;
	v52 =	vmul.f32 v53, v52;
	v27 =	vmul.f32 v27, v51  }
0xf6: {  	v48 =	vmul.f32 v60, v49;
	v49 =	vld.idx.msk [tilespmem:v12+s26+$0x0], $0xffff;
	v60 =	vshll.u32 v55, $0x10;
	v61 =	vshll.u32 v59, $0x10  }
0xf7: {  	v33 =	vmul.f32 v33, v56;
	v56 =	vld.idx.msk [tilespmem:v7+s26+$0x0], $0xffff;
	v41 =	vmul.f32 v63, v62;
	v62 =	vshll.u32 v58, $0x10  }
0xf8: {  	v55 =	vmul.f32 v59, v55;
	v43 =	vadd.f32 v50, v43;
	v31 =	vadd.f32 v48, v31;
	v48 =	vld.idx.msk [tilespmem:v11+s26+$0x0], $0xffff  }
0xf9: {  	v59 =	vld.idx.msk [tilespmem:v4+s26+$0x0], $0xffff;
	v50 =	vmul.f32 v61, v60;
	v52 =	vadd.f32 v52, v29;
	v33 =	vadd.f32 v33, v39  }
0xfa: {  	v60 =	vshll.u32 v38, $0x10;
	v29 =	vld.idx.msk [tilespmem:v11+s28+$0x0], $0xffff;
	v41 =	vadd.f32 v41, v44;
	v55 =	vadd.f32 v55, v32  }
0xfb: {  	v11 =	vld.idx.msk [tilespmem:v11+s29+$0x0], $0xffff;
	v42 =	vadd.f32 v50, v42;
	v61 =	vshll.u32 v49, $0x10;
	v49 =	vmul.f32 v58, v49  }
0xfc: {  	v50 =	vld.idx.msk [tilespmem:v17+s28+$0x0], $0xffff;
	v53 =	vmul.f32 v62, v61;
	v61 =	vshll.u32 v37, $0x10;
	v62 =	vshll.u32 v26, $0x10  }
0xfd: {  	v58 =	vld.idx.msk [tilespmem:v3+s26+$0x0], $0xffff;
	v26 =	vmul.f32 v26, v37;
	v63 =	vshll.u32 v48, $0x10;
	v38 =	vmul.f32 v38, v48  }
0xfe: {  	v37 =	vld.idx.msk [tilespmem:v16+s28+$0x0], $0xffff;
	v39 =	vmul.f32 v62, v61;
	v34 =	vadd.f32 v49, v34;
	v51 =	vmul.f32 v60, v63  }
0xff: {  	v63 =	vshll.u32 v56, $0x10;
	v60 =	vshll.u32 v57, $0x10;
	v56 =	vmul.f32 v57, v56;
	v57 =	vld.idx.msk [tilespmem:v14+s28+$0x0], $0xffff  }
0x100: {  	v48 =	vshll.u32 v59, $0x10;
	v45 =	vadd.f32 v53, v45;
	v53 =	vld.idx.msk [tilespmem:v15+s28+$0x0], $0xffff;
	v49 =	vadd.f32 v26, v28  }
0x101: {  	v26 =	vld.idx.msk [tilespmem:v6+s28+$0x0], $0xffff;
	v44 =	vmul.f32 v60, v63;
	v60 =	vshll.u32 v54, $0x10;
	v39 =	vadd.f32 v39, v47  }
0x102: {  	v38 =	vadd.f32 v38, v30;
	v30 =	vld.idx.msk [tilespmem:v8+s28+$0x0], $0xffff;
	v46 =	vadd.f32 v51, v46;
	v51 =	vshll.u32 v58, $0x10  }
0x103: {  	v58 =	vmul.f32 v58, v59;
	v59 =	vld.idx.msk [tilespmem:v13+s28+$0x0], $0xffff;
	v56 =	vadd.f32 v56, v35;
	v61 =	vmul.f32 v51, v48  }
0x104: {  	v48 =	vld.idx.msk [tilespmem:v12+s28+$0x0], $0xffff;
	v51 =	vshll.u32 v37, $0x10;
	v40 =	vadd.f32 v44, v40;
	v44 =	vadd.f32 v23, v25  }
0x105: {  	v23 =	vld.idx.msk [tilespmem:v10+s28+$0x0], $0xffff;
	v25 =	vshll.u32 v50, $0x10;
	v54 =	vmul.f32 v37, v54;
	v43 =	vadd.f32 v58, v43  }
0x106: {  	v35 =	vld.idx.msk [tilespmem:v5+s28+$0x0], $0xffff;
	v58 =	vadd.f32 v22, v24;
	v24 =	vmul.f32 v51, v60;
	v47 =	vadd.f32 v61, v31  }
0x107: {  	v22 =	vld.idx.msk [tilespmem:v7+s28+$0x0], $0xffff;
	v31 =	vshll.u32 v57, $0x10;
	v61 =	vadd.f32 v27, v36;
	v62 =	vshll.u32 v53, $0x10  }
0x108: {  	v27 =	vld.idx.msk [tilespmem:v9+s28+$0x0], $0xffff;
	v50 =	vmul.f32 v57, v50;
	v25 =	vmul.f32 v31, v25;
	v20 =	vadd.f32 v20, v58  }
0x109: {  	v63 =	vshll.u32 v59, $0x10;
	v53 =	vmul.f32 v59, v53;
	v59 =	vld.idx.msk [tilespmem:v18+s29+$0x0], $0xffff;
	v18 =	vshll.u32 v26, $0x10  }
0x10a: {  	v37 =	vld.idx.msk [tilespmem:v3+s28+$0x0], $0xffff;
	v28 =	vshll.u32 v48, $0x10;
	v31 =	vshll.u32 v23, $0x10;
	v32 =	vmul.f32 v63, v62  }
0x10b: {  	v48 =	vmul.f32 v23, v48;
	v62 =	vld.idx.msk [tilespmem:v16+s29+$0x0], $0xffff;
	v63 =	vmul.f32 v26, v30;
	v16 =	vadd.f32 v24, v33  }
0x10c: {  	v51 =	vld.idx.msk [tilespmem:v4+s28+$0x0], $0xffff;
	v25 =	vadd.f32 v25, v42;
	v36 =	vmul.f32 v31, v28;
	v28 =	vshll.u32 v29, $0x10  }
0x10d: {  	v9 =	vld.idx.msk [tilespmem:v9+s29+$0x0], $0xffff;
	v23 =	vshll.u32 v22, $0x10;
	v22 =	vmul.f32 v35, v22;
	v26 =	vadd.f32 v53, v61  }
0x10e: {  	v31 =	vshll.u32 v27, $0x10;
	v60 =	vmul.f32 v27, v29;
	v27 =	vld.idx.msk [tilespmem:v17+s29+$0x0], $0xffff;
	v17 =	vshll.u32 v35, $0x10  }
0x10f: {  	v35 =	vadd.f32 v50, v55;
	v57 =	vmul.f32 v31, v28;
	v28 =	vshll.u32 v30, $0x10;
	v31 =	vld.idx.msk [tilespmem:v15+s29+$0x0], $0xffff  }
0x110: {  	v33 =	vadd.f32 v48, v34;
	v24 =	vadd.f32 v63, v49;
	v18 =	vmul.f32 v18, v28;
	v28 =	vld.idx.msk [tilespmem:v14+s29+$0x0], $0xffff  }
0x111: {  	v63 =	vshll.u32 v11, $0x10;
	v17 =	vmul.f32 v17, v23;
	v14 =	vadd.f32 v32, v41;
	v32 =	vld.idx.msk [tilespmem:v13+s29+$0x0], $0xffff  }
0x112: {  	v23 =	vshll.u32 v51, $0x10;
	v15 =	vshll.u32 v37, $0x10;
	v41 =	vmul.f32 v37, v51;
	v37 =	vld.idx.msk [tilespmem:v10+s29+$0x0], $0xffff  }
0x113: {  	v42 =	vshll.u32 v59, $0x10;
	v13 =	vadd.f32 v36, v45;
	v23 =	vmul.f32 v15, v23;
	v10 =	vld.idx.msk [tilespmem:v8+s29+$0x0], $0xffff  }
0x114: {  	v34 =	vadd.f32 v60, v38;
	v8 =	vld.idx.msk [tilespmem:v4+s29+$0x0], $0xffff;
	v4 =	vshll.u32 v9, $0x10;
	v15 =	vadd.f32 v57, v46  }
0x115: {  	v36 =	vld.idx.msk [tilespmem:v12+s29+$0x0], $0xffff;
	v12 =	vshll.u32 v62, $0x10;
	v30 =	vadd.f32 v17, v40;
	v29 =	vadd.f32 v18, v39  }
0x116: {  	v38 =	vmul.f32 v62, v59;
	v17 =	vadd.f32 v23, v47;
	v23 =	vadd.f32 v54, v52  }
0x117: {  	v6 =	vld.idx.msk [tilespmem:v6+s29+$0x0], $0xffff;
	v4 =	vmul.f32 v4, v63;
	v18 =	vadd.f32 v21, v44;
	v21 =	vadd.f32 v22, v56  }
0x118: {  	v7 =	vld.idx.msk [tilespmem:v7+s29+$0x0], $0xffff;
	v22 =	vadd.f32 v41, v43;
	v41 =	vmul.f32 v12, v42;
	v51 =	vshll.u32 v27, $0x10  }
0x119: {  	v5 =	vld.idx.msk [tilespmem:v5+s29+$0x0], $0xffff;
	v55 =	vshll.u32 v31, $0x10;
	v54 =	vshll.u32 v28, $0x10;
	v57 =	vshll.u32 v32, $0x10  }
0x11a: {  	s19 =	simm.s32 $0x15FD0;
	s31 =	simm.s32 $0x140E0;
	v60 =	vshll.u32 v36, $0x10;
	v61 =	vshll.u32 v37, $0x10;
	v12 =	vmul.f32 v54, v51  }
0x11b: {  	s16 =	simm.s32 $0x15FD0;
	s14 =	sshll.u32 s11, $0x1;
	s20 =	simm.s32 $0x0;
	[tilespmem:s19+$0x0] =	vst v19;
	v3 =	vld.idx.msk [tilespmem:v3+s29+$0x0], $0xffff;
	v19 =	vshll.u32 v10, $0x10;
	v40 =	vmul.f32 v57, v55;
	v39 =	vmul.f32 v61, v60  }
.LBB2_13:
0x11c: {  	v42 =	vld [tilespmem:s31+$0xFFFFF830];
	v43 =	vmul.f32 v28, v27;
	v44 =	vmul.f32 v32, v31;
	v27 =	vshll.u32 v6, $0x10  }
0x11d: {  	v36 =	vmul.f32 v37, v36;
	v31 =	vld [tilespmem:s31+$0x0];
	v32 =	vmul.f32 v27, v19;
	v19 =	vshll.u32 v7, $0x10  }
0x11e: {  	v37 =	vmul.f32 v9, v11;
	v45 =	vmul.f32 v6, v10;
	v6 =	vshll.u32 v5, $0x10;
	v28 =	vld [tilespmem:s31+$0xFFFFFFC0]  }
0x11f: {  	v47 =	vmul.f32 v5, v7;
	v46 =	vmul.f32 v6, v19;
	v5 =	vshll.u32 v8, $0x10;
	v10 =	vld [tilespmem:s31+$0xFFFFF800]  }
0x120: {  	s20 =	sadd.s32 $0x5, s20;
	v41 =	vadd.f32 v41, v16;
	v7 =	vshll.u32 v3, $0x10;
	v48 =	vmul.f32 v3, v8;
	v6 =	vld [tilespmem:s31+$0xFFFFFFD0]  }
0x121: {  	v49 =	vadd.f32 v12, v25;
	p1 =	slt.u32 s20, $0x78;
	v8 =	vmul.f32 v7, v5;
	v3 =	vld [tilespmem:s31+$0xFFFFF810];
	v19 =	vand.u32 $0xFFFF, v42  }
0x122: {  	v40 =	vadd.f32 v40, v14;
	v27 =	vadd.f32 v39, v13;
	v7 =	vld [tilespmem:s31+$0xFFFFFFE0];
	v25 =	vand.u32 $0xFFFF, v31  }
0x123: {  	v42 =	vshrl.u32 v42, $0x10;
	v13 =	vshrl.u32 v28, $0x10;
	v16 =	vand.u32 $0xFFFF, v28;
	v39 =	vld [tilespmem:s31+$0xFFFFF820]  }
0x124: {  	v28 =	vadd.f32 v4, v15;
	v9 =	vshrl.u32 v10, $0x10;
	v14 =	vand.u32 $0xFFFF, v10;
	v50 =	vld [tilespmem:s31+$0xFFFFFFF0]  }
0x125: {  	v52 =	vshrl.u32 v31, $0x10;
	v51 =	vld [tilespmem:s31+$0xFFFFF7F0];
	v11 =	vshrl.u32 v6, $0x10;
	v15 =	vand.u32 $0xFFFF, v6  }
0x126: {  	v29 =	vadd.f32 v32, v29;
	v5 =	vshrl.u32 v3, $0x10;
	v12 =	vand.u32 $0xFFFF, v3;
	v53 =	vld.idx.msk [tilespmem:v19+s29+$0x0], $0xffff  }
0x127: {  	v32 =	vadd.f32 v46, v30;
	v6 =	vshrl.u32 v7, $0x10;
	v10 =	vand.u32 $0xFFFF, v7;
	v54 =	vld.idx.msk [tilespmem:v25+s29+$0x0], $0xffff  }
0x128: {  	v31 =	vadd.f32 v8, v17;
	v3 =	vshrl.u32 v39, $0x10;
	v7 =	vand.u32 $0xFFFF, v39;
	v39 =	vld.idx.msk [tilespmem:v42+s29+$0x0], $0xffff  }
0x129: {  	v30 =	vadd.f32 v2, v18;
	v4 =	vshrl.u32 v50, $0x10;
	v8 =	vand.u32 $0xFFFF, v50;
	v46 =	vld.idx.msk [tilespmem:v42+s4+$0x0], $0xffff  }
0x12a: {  	v23 =	vadd.f32 v38, v23;
	v17 =	vshrl.u32 v51, $0x10;
	v18 =	vand.u32 $0xFFFF, v51;
	v50 =	vld.idx.msk [tilespmem:v52+s4+$0x0], $0xffff  }
0x12b: {  	v43 =	vadd.f32 v43, v35;
	v26 =	vadd.f32 v44, v26;
	v51 =	vld.idx.msk [tilespmem:v42+s22+$0x0], $0xffff  }
0x12c: {  	v38 =	vadd.f32 v36, v33;
	v37 =	vadd.f32 v37, v34;
	v2 =	vshll.u32 v53, $0x10;
	v44 =	vld.idx.msk [tilespmem:v52+s22+$0x0], $0xffff  }
0x12d: {  	v36 =	vadd.f32 v45, v24;
	v33 =	vshll.u32 v54, $0x10;
	v53 =	vmul.f32 v54, v53;
	v55 =	vld.idx.msk [tilespmem:v42+s23+$0x0], $0xffff  }
0x12e: {  	v35 =	vadd.f32 v47, v21;
	v34 =	vadd.f32 v48, v22;
	v2 =	vmul.f32 v33, v2;
	v24 =	vld.idx.msk [tilespmem:v52+s23+$0x0], $0xffff  }
0x12f: {  	v22 =	vadd.f32 v41, v23;
	v33 =	vadd.f32 v1, v20;
	v1 =	vmov v53;
	v21 =	vld.idx.msk [tilespmem:v42+s24+$0x0], $0xffff  }
0x130: {  	v43 =	vadd.f32 v49, v43;
	v20 =	vshll.u32 v46, $0x10;
	v23 =	vshll.u32 v50, $0x10;
	v41 =	vld.idx.msk [tilespmem:v52+s24+$0x0], $0xffff  }
0x131: {  	v26 =	vadd.f32 v40, v26;
	v20 =	vmul.f32 v23, v20;
	v23 =	vmul.f32 v50, v46;
	v45 =	vld.idx.msk [tilespmem:v42+s25+$0x0], $0xffff  }
0x132: {  	v40 =	vshll.u32 v51, $0x10;
	v46 =	vshll.u32 v44, $0x10;
	v44 =	vmul.f32 v44, v51;
	v47 =	vld.idx.msk [tilespmem:v52+s25+$0x0], $0xffff;
	[tilespmem:s19+$0xFFFFF7F0] =	vst v22  }
0x133: {  	v20 =	vadd.f32 $0.0e+00, v20;
	v22 =	vadd.f32 $0.0e+00, v23;
	v23 =	vmul.f32 v46, v40;
	v40 =	vld.idx.msk [tilespmem:v42+s26+$0x0], $0xffff;
	[tilespmem:s19+$0xFFFFFFC0] =	vst v43  }
0x134: {  	v43 =	vshll.u32 v55, $0x10;
	v46 =	vshll.u32 v24, $0x10;
	v24 =	vmul.f32 v24, v55;
	v48 =	vld.idx.msk [tilespmem:v52+s26+$0x0], $0xffff;
	[tilespmem:s19+$0xFFFFF800] =	vst v26  }
0x135: {  	v20 =	vadd.f32 v23, v20;
	v22 =	vadd.f32 v44, v22;
	v23 =	vmul.f32 v46, v43;
	v26 =	vld.idx.msk [tilespmem:v42+s28+$0x0], $0xffff  }
0x136: {  	v42 =	vshll.u32 v21, $0x10;
	v43 =	vshll.u32 v41, $0x10;
	v21 =	vmul.f32 v41, v21;
	v41 =	vld.idx.msk [tilespmem:v52+s28+$0x0], $0xffff  }
0x137: {  	v20 =	vadd.f32 v23, v20;
	v22 =	vadd.f32 v24, v22;
	v23 =	vmul.f32 v43, v42;
	v24 =	vld.idx.msk [tilespmem:v52+s29+$0x0], $0xffff  }
0x138: {  	v42 =	vshll.u32 v45, $0x10;
	v43 =	vshll.u32 v47, $0x10;
	v44 =	vmul.f32 v47, v45;
	v45 =	vld.idx.msk [tilespmem:v19+s28+$0x0], $0xffff  }
0x139: {  	v20 =	vadd.f32 v23, v20;
	v21 =	vadd.f32 v21, v22;
	v22 =	vmul.f32 v43, v42;
	v42 =	vld.idx.msk [tilespmem:v25+s28+$0x0], $0xffff  }
0x13a: {  	v43 =	vshll.u32 v40, $0x10;
	v46 =	vshll.u32 v48, $0x10;
	v40 =	vmul.f32 v48, v40;
	v23 =	vld.idx.msk [tilespmem:v19+s26+$0x0], $0xffff  }
0x13b: {  	v20 =	vadd.f32 v22, v20;
	v21 =	vadd.f32 v44, v21;
	v22 =	vmul.f32 v46, v43;
	v44 =	vld.idx.msk [tilespmem:v25+s26+$0x0], $0xffff  }
0x13c: {  	v46 =	vshll.u32 v26, $0x10;
	v47 =	vshll.u32 v41, $0x10;
	v26 =	vmul.f32 v41, v26;
	v43 =	vld.idx.msk [tilespmem:v19+s25+$0x0], $0xffff  }
0x13d: {  	v20 =	vadd.f32 v22, v20;
	v21 =	vadd.f32 v40, v21;
	v22 =	vmul.f32 v47, v46;
	v41 =	vld.idx.msk [tilespmem:v25+s25+$0x0], $0xffff  }
0x13e: {  	v46 =	vshll.u32 v39, $0x10;
	v47 =	vshll.u32 v24, $0x10;
	v24 =	vmul.f32 v24, v39;
	v40 =	vld.idx.msk [tilespmem:v19+s24+$0x0], $0xffff  }
0x13f: {  	v20 =	vadd.f32 v22, v20;
	v21 =	vadd.f32 v26, v21;
	v22 =	vmul.f32 v47, v46;
	v39 =	vld.idx.msk [tilespmem:v25+s24+$0x0], $0xffff  }
0x140: {  	v47 =	vshll.u32 v45, $0x10;
	v48 =	vshll.u32 v42, $0x10;
	v26 =	vshll.u32 v23, $0x10;
	v46 =	vld.idx.msk [tilespmem:v19+s23+$0x0], $0xffff  }
0x141: {  	v50 =	vshll.u32 v44, $0x10;
	v20 =	vadd.f32 v22, v20;
	v24 =	vadd.f32 v24, v21;
	v49 =	vld.idx.msk [tilespmem:v25+s23+$0x0], $0xffff  }
0x142: {  	v21 =	vmul.f32 v44, v23;
	v52 =	vshll.u32 v43, $0x10;
	v22 =	vmul.f32 v50, v26;
	v51 =	vld.idx.msk [tilespmem:v19+s22+$0x0], $0xffff  }
0x143: {  	v26 =	vshll.u32 v41, $0x10;
	v23 =	vmul.f32 v41, v43;
	v41 =	vadd.f32 v20, v24;
	v44 =	vld.idx.msk [tilespmem:v25+s22+$0x0], $0xffff  }
0x144: {  	s19 =	sadd.s32 $0x50, s19;
	v20 =	vmul.f32 v48, v47;
	v50 =	vshll.u32 v40, $0x10;
	v24 =	vmul.f32 v26, v52;
	v43 =	vld.idx.msk [tilespmem:v19+s4+$0x0], $0xffff  }
0x145: {  	v26 =	vshll.u32 v39, $0x10;
	v19 =	vmul.f32 v42, v45;
	v47 =	vld.idx.msk [tilespmem:v25+s4+$0x0], $0xffff;
	v25 =	vmul.f32 v39, v40;
	[tilespmem:s19+$0x0] =	vst v41  }
0x146: {  	v38 =	vadd.f32 v27, v38;
	v40 =	vshll.u32 v46, $0x10;
	v26 =	vmul.f32 v26, v50;
	v39 =	vld.idx.msk [tilespmem:v18+s4+$0x0], $0xffff  }
0x147: {  	v37 =	vadd.f32 v28, v37;
	v42 =	vshll.u32 v49, $0x10;
	v27 =	vmul.f32 v49, v46;
	v41 =	vld.idx.msk [tilespmem:v16+s4+$0x0], $0xffff  }
0x148: {  	v36 =	vadd.f32 v29, v36;
	v46 =	vshll.u32 v51, $0x10;
	v28 =	vmul.f32 v42, v40;
	v45 =	vld.idx.msk [tilespmem:v17+s4+$0x0], $0xffff;
	[tilespmem:s16+$0xFFFFFFD0] =	vst v38  }
0x149: {  	v32 =	vadd.f32 v32, v35;
	v40 =	vshll.u32 v44, $0x10;
	v29 =	vmul.f32 v44, v51;
	v38 =	vld.idx.msk [tilespmem:v13+s4+$0x0], $0xffff;
	[tilespmem:s16+$0xFFFFF810] =	vst v37  }
0x14a: {  	v31 =	vadd.f32 v31, v34;
	v37 =	vshll.u32 v43, $0x10;
	v40 =	vmul.f32 v40, v46;
	v35 =	vld.idx.msk [tilespmem:v14+s4+$0x0], $0xffff;
	[tilespmem:s16+$0xFFFFFFE0] =	vst v36  }
0x14b: {  	v36 =	vshll.u32 v47, $0x10;
	v42 =	vmul.f32 v47, v43;
	v34 =	vld.idx.msk [tilespmem:v15+s4+$0x0], $0xffff;
	[tilespmem:s16+$0xFFFFF820] =	vst v32;
	v32 =	vadd.f32 v30, v33  }
0x14c: {  	v33 =	vshll.u32 v39, $0x10;
	v36 =	vmul.f32 v36, v37;
	v43 =	vld.idx.msk [tilespmem:v9+s4+$0x0], $0xffff;
	[tilespmem:s16+$0xFFFFFFF0] =	vst v31  }
0x14d: {  	v31 =	vshll.u32 v41, $0x10;
	v37 =	vmul.f32 v41, v39;
	v30 =	vadd.f32 $0.0e+00, v42;
	v39 =	vld.idx.msk [tilespmem:v11+s4+$0x0], $0xffff;
	[tilespmem:s16+$0xFFFFF830] =	vst v32;
	s16 =	smov.u32 s19  }
0x14e: {  	v31 =	vmul.f32 v31, v33;
	v32 =	vshll.u32 v45, $0x10;
	v36 =	vadd.f32 $0.0e+00, v36;
	v33 =	vld.idx.msk [tilespmem:v12+s4+$0x0], $0xffff  }
0x14f: {  	v37 =	vadd.f32 $0.0e+00, v37;
	v41 =	vshll.u32 v38, $0x10;
	v38 =	vmul.f32 v38, v45;
	v42 =	vld.idx.msk [tilespmem:v10+s4+$0x0], $0xffff  }
0x150: {  	v31 =	vadd.f32 $0.0e+00, v31;
	v32 =	vmul.f32 v41, v32;
	v41 =	vshll.u32 v35, $0x10;
	v44 =	vld.idx.msk [tilespmem:v5+s4+$0x0], $0xffff  }
0x151: {  	v38 =	vadd.f32 $0.0e+00, v38;
	v45 =	vshll.u32 v34, $0x10;
	v34 =	vmul.f32 v34, v35;
	v35 =	vld.idx.msk [tilespmem:v6+s4+$0x0], $0xffff  }
0x152: {  	v32 =	vadd.f32 $0.0e+00, v32;
	v41 =	vmul.f32 v45, v41;
	v45 =	vshll.u32 v43, $0x10;
	v46 =	vld.idx.msk [tilespmem:v7+s4+$0x0], $0xffff  }
0x153: {  	v34 =	vadd.f32 $0.0e+00, v34;
	v47 =	vshll.u32 v39, $0x10;
	v39 =	vmul.f32 v39, v43;
	v43 =	vld.idx.msk [tilespmem:v8+s4+$0x0], $0xffff  }
0x154: {  	v41 =	vadd.f32 $0.0e+00, v41;
	v45 =	vmul.f32 v47, v45;
	v47 =	vshll.u32 v33, $0x10;
	v48 =	vld.idx.msk [tilespmem:v3+s4+$0x0], $0xffff  }
0x155: {  	v39 =	vadd.f32 $0.0e+00, v39;
	v49 =	vshll.u32 v42, $0x10;
	v33 =	vmul.f32 v42, v33;
	v42 =	vld.idx.msk [tilespmem:v4+s4+$0x0], $0xffff  }
0x156: {  	v45 =	vadd.f32 $0.0e+00, v45;
	v47 =	vmul.f32 v49, v47;
	v49 =	vshll.u32 v44, $0x10;
	v50 =	vld.idx.msk [tilespmem:v18+s22+$0x0], $0xffff  }
0x157: {  	v33 =	vadd.f32 $0.0e+00, v33;
	v52 =	vshll.u32 v35, $0x10;
	v35 =	vmul.f32 v35, v44;
	v51 =	vld.idx.msk [tilespmem:v16+s22+$0x0], $0xffff  }
0x158: {  	v47 =	vadd.f32 $0.0e+00, v47;
	v49 =	vmul.f32 v52, v49;
	v52 =	vshll.u32 v46, $0x10;
	v44 =	vld.idx.msk [tilespmem:v17+s22+$0x0], $0xffff  }
0x159: {  	v35 =	vadd.f32 $0.0e+00, v35;
	v54 =	vshll.u32 v43, $0x10;
	v43 =	vmul.f32 v43, v46;
	v53 =	vld.idx.msk [tilespmem:v13+s22+$0x0], $0xffff  }
0x15a: {  	v49 =	vadd.f32 $0.0e+00, v49;
	v52 =	vmul.f32 v54, v52;
	v54 =	vshll.u32 v48, $0x10;
	v46 =	vld.idx.msk [tilespmem:v14+s22+$0x0], $0xffff  }
0x15b: {  	v43 =	vadd.f32 $0.0e+00, v43;
	v56 =	vshll.u32 v42, $0x10;
	v42 =	vmul.f32 v42, v48;
	v55 =	vld.idx.msk [tilespmem:v15+s22+$0x0], $0xffff  }
0x15c: {  	v48 =	vshll.u32 v50, $0x10;
	v52 =	vadd.f32 $0.0e+00, v52;
	v54 =	vmul.f32 v56, v54;
	v57 =	vld.idx.msk [tilespmem:v9+s22+$0x0], $0xffff  }
0x15d: {  	v56 =	vshll.u32 v51, $0x10;
	v50 =	vmul.f32 v51, v50;
	v42 =	vadd.f32 $0.0e+00, v42;
	v51 =	vld.idx.msk [tilespmem:v11+s22+$0x0], $0xffff  }
0x15e: {  	v48 =	vmul.f32 v56, v48;
	v56 =	vshll.u32 v44, $0x10;
	v54 =	vadd.f32 $0.0e+00, v54;
	v58 =	vld.idx.msk [tilespmem:v12+s22+$0x0], $0xffff  }
0x15f: {  	v36 =	vadd.f32 v40, v36;
	v59 =	vshll.u32 v53, $0x10;
	v44 =	vmul.f32 v53, v44;
	v53 =	vld.idx.msk [tilespmem:v10+s22+$0x0], $0xffff  }
0x160: {  	v31 =	vadd.f32 v48, v31;
	v40 =	vmul.f32 v59, v56;
	v48 =	vshll.u32 v46, $0x10;
	v56 =	vld.idx.msk [tilespmem:v5+s22+$0x0], $0xffff  }
0x161: {  	v37 =	vadd.f32 v50, v37;
	v50 =	vshll.u32 v55, $0x10;
	v46 =	vmul.f32 v55, v46;
	v55 =	vld.idx.msk [tilespmem:v6+s22+$0x0], $0xffff  }
0x162: {  	v32 =	vadd.f32 v40, v32;
	v40 =	vmul.f32 v50, v48;
	v48 =	vshll.u32 v57, $0x10;
	v50 =	vld.idx.msk [tilespmem:v7+s22+$0x0], $0xffff  }
0x163: {  	v38 =	vadd.f32 v44, v38;
	v44 =	vshll.u32 v51, $0x10;
	v51 =	vmul.f32 v51, v57;
	v57 =	vld.idx.msk [tilespmem:v8+s22+$0x0], $0xffff  }
0x164: {  	v40 =	vadd.f32 v40, v41;
	v41 =	vmul.f32 v44, v48;
	v44 =	vshll.u32 v58, $0x10;
	v48 =	vld.idx.msk [tilespmem:v3+s22+$0x0], $0xffff  }
0x165: {  	v34 =	vadd.f32 v46, v34;
	v46 =	vshll.u32 v53, $0x10;
	v53 =	vmul.f32 v53, v58;
	v58 =	vld.idx.msk [tilespmem:v4+s22+$0x0], $0xffff  }
0x166: {  	v41 =	vadd.f32 v41, v45;
	v44 =	vmul.f32 v46, v44;
	v45 =	vshll.u32 v56, $0x10;
	v59 =	vld.idx.msk [tilespmem:v18+s23+$0x0], $0xffff  }
0x167: {  	v39 =	vadd.f32 v51, v39;
	v51 =	vshll.u32 v55, $0x10;
	v55 =	vmul.f32 v55, v56;
	v46 =	vld.idx.msk [tilespmem:v16+s23+$0x0], $0xffff  }
0x168: {  	v44 =	vadd.f32 v44, v47;
	v45 =	vmul.f32 v51, v45;
	v47 =	vshll.u32 v50, $0x10;
	v56 =	vld.idx.msk [tilespmem:v17+s23+$0x0], $0xffff  }
0x169: {  	v33 =	vadd.f32 v53, v33;
	v53 =	vshll.u32 v57, $0x10;
	v50 =	vmul.f32 v57, v50;
	v51 =	vld.idx.msk [tilespmem:v13+s23+$0x0], $0xffff  }
0x16a: {  	v45 =	vadd.f32 v45, v49;
	v47 =	vmul.f32 v53, v47;
	v49 =	vshll.u32 v48, $0x10;
	v57 =	vld.idx.msk [tilespmem:v14+s23+$0x0], $0xffff  }
0x16b: {  	v35 =	vadd.f32 v55, v35;
	v55 =	vshll.u32 v58, $0x10;
	v48 =	vmul.f32 v58, v48;
	v53 =	vld.idx.msk [tilespmem:v15+s23+$0x0], $0xffff  }
0x16c: {  	v58 =	vshll.u32 v59, $0x10;
	v47 =	vadd.f32 v47, v52;
	v49 =	vmul.f32 v55, v49;
	v60 =	vld.idx.msk [tilespmem:v9+s23+$0x0], $0xffff  }
0x16d: {  	v43 =	vadd.f32 v50, v43;
	v52 =	vshll.u32 v46, $0x10;
	v42 =	vadd.f32 v48, v42;
	v55 =	vld.idx.msk [tilespmem:v11+s23+$0x0], $0xffff  }
0x16e: {  	v29 =	vadd.f32 v29, v30;
	v48 =	vshll.u32 v56, $0x10;
	v49 =	vadd.f32 v49, v54;
	v50 =	vld.idx.msk [tilespmem:v12+s23+$0x0], $0xffff  }
0x16f: {  	v46 =	vmul.f32 v46, v59;
	v30 =	vmul.f32 v52, v58;
	v52 =	vshll.u32 v51, $0x10;
	v54 =	vld.idx.msk [tilespmem:v10+s23+$0x0], $0xffff  }
0x170: {  	v51 =	vmul.f32 v51, v56;
	v48 =	vmul.f32 v52, v48;
	v52 =	vshll.u32 v57, $0x10;
	v56 =	vld.idx.msk [tilespmem:v5+s23+$0x0], $0xffff  }
0x171: {  	v30 =	vadd.f32 v30, v31;
	v31 =	vshll.u32 v53, $0x10;
	v53 =	vmul.f32 v53, v57;
	v57 =	vld.idx.msk [tilespmem:v6+s23+$0x0], $0xffff  }
0x172: {  	v32 =	vadd.f32 v48, v32;
	v31 =	vmul.f32 v31, v52;
	v48 =	vshll.u32 v60, $0x10;
	v52 =	vld.idx.msk [tilespmem:v7+s23+$0x0], $0xffff  }
0x173: {  	v28 =	vadd.f32 v28, v36;
	v58 =	vshll.u32 v55, $0x10;
	v55 =	vmul.f32 v55, v60;
	v59 =	vld.idx.msk [tilespmem:v8+s23+$0x0], $0xffff  }
0x174: {  	v31 =	vadd.f32 v31, v40;
	v36 =	vmul.f32 v58, v48;
	v40 =	vshll.u32 v50, $0x10;
	v48 =	vld.idx.msk [tilespmem:v3+s23+$0x0], $0xffff  }
0x175: {  	v37 =	vadd.f32 v46, v37;
	v46 =	vshll.u32 v54, $0x10;
	v50 =	vmul.f32 v54, v50;
	v54 =	vld.idx.msk [tilespmem:v4+s23+$0x0], $0xffff  }
0x176: {  	v36 =	vadd.f32 v36, v41;
	v40 =	vmul.f32 v46, v40;
	v41 =	vshll.u32 v56, $0x10;
	v58 =	vld.idx.msk [tilespmem:v18+s24+$0x0], $0xffff  }
0x177: {  	v38 =	vadd.f32 v51, v38;
	v51 =	vshll.u32 v57, $0x10;
	v56 =	vmul.f32 v57, v56;
	v46 =	vld.idx.msk [tilespmem:v16+s24+$0x0], $0xffff  }
0x178: {  	v40 =	vadd.f32 v40, v44;
	v41 =	vmul.f32 v51, v41;
	v44 =	vshll.u32 v52, $0x10;
	v57 =	vld.idx.msk [tilespmem:v17+s24+$0x0], $0xffff  }
0x179: {  	v34 =	vadd.f32 v53, v34;
	v53 =	vshll.u32 v59, $0x10;
	v52 =	vmul.f32 v59, v52;
	v51 =	vld.idx.msk [tilespmem:v13+s24+$0x0], $0xffff  }
0x17a: {  	v41 =	vadd.f32 v41, v45;
	v44 =	vmul.f32 v53, v44;
	v45 =	vshll.u32 v48, $0x10;
	v59 =	vld.idx.msk [tilespmem:v14+s24+$0x0], $0xffff  }
0x17b: {  	v39 =	vadd.f32 v55, v39;
	v55 =	vshll.u32 v54, $0x10;
	v48 =	vmul.f32 v54, v48;
	v53 =	vld.idx.msk [tilespmem:v15+s24+$0x0], $0xffff  }
0x17c: {  	v54 =	vshll.u32 v58, $0x10;
	v44 =	vadd.f32 v44, v47;
	v45 =	vmul.f32 v55, v45;
	v60 =	vld.idx.msk [tilespmem:v9+s24+$0x0], $0xffff  }
0x17d: {  	v33 =	vadd.f32 v50, v33;
	v35 =	vadd.f32 v56, v35;
	v47 =	vshll.u32 v46, $0x10;
	v55 =	vld.idx.msk [tilespmem:v11+s24+$0x0], $0xffff  }
0x17e: {  	v43 =	vadd.f32 v52, v43;
	v50 =	vshll.u32 v57, $0x10;
	v45 =	vadd.f32 v45, v49;
	v56 =	vld.idx.msk [tilespmem:v12+s24+$0x0], $0xffff  }
0x17f: {  	v27 =	vadd.f32 v27, v29;
	v42 =	vadd.f32 v48, v42;
	v49 =	vshll.u32 v51, $0x10;
	v52 =	vld.idx.msk [tilespmem:v10+s24+$0x0], $0xffff  }
0x180: {  	v29 =	vmul.f32 v47, v54;
	v47 =	vmul.f32 v49, v50;
	v48 =	vshll.u32 v59, $0x10;
	v49 =	vld.idx.msk [tilespmem:v5+s24+$0x0], $0xffff  }
0x181: {  	v46 =	vmul.f32 v46, v58;
	v50 =	vmul.f32 v51, v57;
	v51 =	vshll.u32 v53, $0x10;
	v54 =	vld.idx.msk [tilespmem:v6+s24+$0x0], $0xffff  }
0x182: {  	v48 =	vmul.f32 v51, v48;
	v51 =	vmul.f32 v53, v59;
	v53 =	vshll.u32 v60, $0x10;
	v57 =	vld.idx.msk [tilespmem:v7+s24+$0x0], $0xffff  }
0x183: {  	v29 =	vadd.f32 v29, v30;
	v30 =	vshll.u32 v55, $0x10;
	v55 =	vmul.f32 v55, v60;
	v58 =	vld.idx.msk [tilespmem:v8+s24+$0x0], $0xffff  }
0x184: {  	v32 =	vadd.f32 v47, v32;
	v30 =	vmul.f32 v30, v53;
	v47 =	vshll.u32 v56, $0x10;
	v53 =	vld.idx.msk [tilespmem:v3+s24+$0x0], $0xffff  }
0x185: {  	v31 =	vadd.f32 v48, v31;
	v48 =	vshll.u32 v52, $0x10;
	v52 =	vmul.f32 v52, v56;
	v56 =	vld.idx.msk [tilespmem:v4+s24+$0x0], $0xffff  }
0x186: {  	v30 =	vadd.f32 v30, v36;
	v36 =	vmul.f32 v48, v47;
	v47 =	vshll.u32 v49, $0x10;
	v59 =	vld.idx.msk [tilespmem:v18+s25+$0x0], $0xffff  }
0x187: {  	v26 =	vadd.f32 v26, v28;
	v60 =	vshll.u32 v54, $0x10;
	v49 =	vmul.f32 v54, v49;
	v48 =	vld.idx.msk [tilespmem:v16+s25+$0x0], $0xffff  }
0x188: {  	v36 =	vadd.f32 v36, v40;
	v40 =	vmul.f32 v60, v47;
	v47 =	vshll.u32 v57, $0x10;
	v28 =	vld.idx.msk [tilespmem:v17+s25+$0x0], $0xffff  }
0x189: {  	v37 =	vadd.f32 v46, v37;
	v54 =	vshll.u32 v58, $0x10;
	v57 =	vmul.f32 v58, v57;
	v46 =	vld.idx.msk [tilespmem:v13+s25+$0x0], $0xffff  }
0x18a: {  	v40 =	vadd.f32 v40, v41;
	v41 =	vmul.f32 v54, v47;
	v47 =	vshll.u32 v53, $0x10;
	v58 =	vld.idx.msk [tilespmem:v14+s25+$0x0], $0xffff  }
0x18b: {  	v38 =	vadd.f32 v50, v38;
	v54 =	vshll.u32 v56, $0x10;
	v53 =	vmul.f32 v56, v53;
	v50 =	vld.idx.msk [tilespmem:v15+s25+$0x0], $0xffff  }
0x18c: {  	v56 =	vshll.u32 v59, $0x10;
	v41 =	vadd.f32 v41, v44;
	v44 =	vmul.f32 v54, v47;
	v60 =	vld.idx.msk [tilespmem:v9+s25+$0x0], $0xffff  }
0x18d: {  	v34 =	vadd.f32 v51, v34;
	v39 =	vadd.f32 v55, v39;
	v47 =	vshll.u32 v48, $0x10;
	v51 =	vld.idx.msk [tilespmem:v11+s25+$0x0], $0xffff  }
0x18e: {  	v33 =	vadd.f32 v52, v33;
	v54 =	vshll.u32 v28, $0x10;
	v44 =	vadd.f32 v44, v45;
	v52 =	vld.idx.msk [tilespmem:v12+s25+$0x0], $0xffff  }
0x18f: {  	v35 =	vadd.f32 v49, v35;
	v43 =	vadd.f32 v57, v43;
	v45 =	vshll.u32 v46, $0x10;
	v49 =	vld.idx.msk [tilespmem:v10+s25+$0x0], $0xffff  }
0x190: {  	v25 =	vadd.f32 v25, v27;
	v42 =	vadd.f32 v53, v42;
	v55 =	vshll.u32 v58, $0x10;
	v57 =	vld.idx.msk [tilespmem:v5+s25+$0x0], $0xffff  }
0x191: {  	v27 =	vmul.f32 v47, v56;
	v45 =	vmul.f32 v45, v54;
	v47 =	vshll.u32 v50, $0x10;
	v53 =	vld.idx.msk [tilespmem:v6+s25+$0x0], $0xffff  }
0x192: {  	v48 =	vmul.f32 v48, v59;
	v47 =	vmul.f32 v47, v55;
	v54 =	vshll.u32 v60, $0x10;
	v55 =	vld.idx.msk [tilespmem:v7+s25+$0x0], $0xffff  }
0x193: {  	v28 =	vmul.f32 v46, v28;
	v46 =	vmul.f32 v50, v58;
	v50 =	vshll.u32 v51, $0x10;
	v56 =	vld.idx.msk [tilespmem:v8+s25+$0x0], $0xffff  }
0x194: {  	v51 =	vmul.f32 v51, v60;
	v50 =	vmul.f32 v50, v54;
	v54 =	vshll.u32 v52, $0x10;
	v58 =	vld.idx.msk [tilespmem:v3+s25+$0x0], $0xffff  }
0x195: {  	v27 =	vadd.f32 v27, v29;
	v29 =	vshll.u32 v49, $0x10;
	v49 =	vmul.f32 v49, v52;
	v52 =	vld.idx.msk [tilespmem:v4+s25+$0x0], $0xffff  }
0x196: {  	v32 =	vadd.f32 v45, v32;
	v29 =	vmul.f32 v29, v54;
	v54 =	vshll.u32 v57, $0x10;
	v45 =	vld.idx.msk [tilespmem:v18+s26+$0x0], $0xffff  }
0x197: {  	v31 =	vadd.f32 v47, v31;
	v47 =	vshll.u32 v53, $0x10;
	v53 =	vmul.f32 v53, v57;
	v59 =	vld.idx.msk [tilespmem:v16+s26+$0x0], $0xffff  }
0x198: {  	v30 =	vadd.f32 v50, v30;
	v47 =	vmul.f32 v47, v54;
	v50 =	vshll.u32 v55, $0x10;
	v57 =	vld.idx.msk [tilespmem:v17+s26+$0x0], $0xffff  }
0x199: {  	v29 =	vadd.f32 v29, v36;
	v36 =	vshll.u32 v56, $0x10;
	v55 =	vmul.f32 v56, v55;
	v54 =	vld.idx.msk [tilespmem:v13+s26+$0x0], $0xffff  }
0x19a: {  	v40 =	vadd.f32 v47, v40;
	v36 =	vmul.f32 v36, v50;
	v47 =	vshll.u32 v58, $0x10;
	v56 =	vld.idx.msk [tilespmem:v14+s26+$0x0], $0xffff  }
0x19b: {  	v24 =	vadd.f32 v24, v26;
	v60 =	vshll.u32 v52, $0x10;
	v52 =	vmul.f32 v52, v58;
	v50 =	vld.idx.msk [tilespmem:v15+s26+$0x0], $0xffff  }
0x19c: {  	v26 =	vshll.u32 v45, $0x10;
	v36 =	vadd.f32 v36, v41;
	v41 =	vmul.f32 v60, v47;
	v58 =	vld.idx.msk [tilespmem:v9+s26+$0x0], $0xffff  }
0x19d: {  	v37 =	vadd.f32 v48, v37;
	v28 =	vadd.f32 v28, v38;
	v38 =	vshll.u32 v59, $0x10;
	v47 =	vld.idx.msk [tilespmem:v11+s26+$0x0], $0xffff  }
0x19e: {  	v34 =	vadd.f32 v46, v34;
	v48 =	vshll.u32 v57, $0x10;
	v41 =	vadd.f32 v41, v44;
	v46 =	vld.idx.msk [tilespmem:v12+s26+$0x0], $0xffff  }
0x19f: {  	v39 =	vadd.f32 v51, v39;
	v33 =	vadd.f32 v49, v33;
	v44 =	vshll.u32 v54, $0x10;
	v49 =	vld.idx.msk [tilespmem:v10+s26+$0x0], $0xffff  }
0x1a0: {  	v35 =	vadd.f32 v53, v35;
	v43 =	vadd.f32 v55, v43;
	v51 =	vshll.u32 v56, $0x10;
	v53 =	vld.idx.msk [tilespmem:v5+s26+$0x0], $0xffff  }
0x1a1: {  	v23 =	vadd.f32 v23, v25;
	v42 =	vadd.f32 v52, v42;
	v55 =	vshll.u32 v50, $0x10;
	v60 =	vld.idx.msk [tilespmem:v6+s26+$0x0], $0xffff  }
0x1a2: {  	v25 =	vmul.f32 v38, v26;
	v26 =	vmul.f32 v44, v48;
	v38 =	vshll.u32 v58, $0x10;
	v44 =	vld.idx.msk [tilespmem:v7+s26+$0x0], $0xffff  }
0x1a3: {  	v45 =	vmul.f32 v59, v45;
	v48 =	vmul.f32 v55, v51;
	v51 =	vshll.u32 v47, $0x10;
	v52 =	vld.idx.msk [tilespmem:v8+s26+$0x0], $0xffff  }
0x1a4: {  	v54 =	vmul.f32 v54, v57;
	v38 =	vmul.f32 v51, v38;
	v51 =	vshll.u32 v46, $0x10;
	v55 =	vld.idx.msk [tilespmem:v3+s26+$0x0], $0xffff  }
0x1a5: {  	v50 =	vmul.f32 v50, v56;
	v47 =	vmul.f32 v47, v58;
	v56 =	vshll.u32 v49, $0x10;
	v57 =	vld.idx.msk [tilespmem:v4+s26+$0x0], $0xffff  }
0x1a6: {  	v46 =	vmul.f32 v49, v46;
	v51 =	vmul.f32 v56, v51;
	v49 =	vshll.u32 v53, $0x10;
	v58 =	vld.idx.msk [tilespmem:v18+s28+$0x0], $0xffff  }
0x1a7: {  	v25 =	vadd.f32 v25, v27;
	v56 =	vshll.u32 v60, $0x10;
	v53 =	vmul.f32 v60, v53;
	v27 =	vld.idx.msk [tilespmem:v16+s28+$0x0], $0xffff  }
0x1a8: {  	v26 =	vadd.f32 v26, v32;
	v49 =	vmul.f32 v56, v49;
	v56 =	vshll.u32 v44, $0x10;
	v32 =	vld.idx.msk [tilespmem:v17+s28+$0x0], $0xffff  }
0x1a9: {  	v48 =	vadd.f32 v48, v31;
	v31 =	vshll.u32 v52, $0x10;
	v44 =	vmul.f32 v52, v44;
	v59 =	vld.idx.msk [tilespmem:v13+s28+$0x0], $0xffff  }
0x1aa: {  	v30 =	vadd.f32 v38, v30;
	v31 =	vmul.f32 v31, v56;
	v52 =	vshll.u32 v55, $0x10;
	v38 =	vld.idx.msk [tilespmem:v14+s28+$0x0], $0xffff  }
0x1ab: {  	v29 =	vadd.f32 v51, v29;
	v51 =	vshll.u32 v57, $0x10;
	v55 =	vmul.f32 v57, v55;
	v56 =	vld.idx.msk [tilespmem:v15+s28+$0x0], $0xffff  }
0x1ac: {  	v40 =	vadd.f32 v49, v40;
	v57 =	vshll.u32 v58, $0x10;
	v49 =	vmul.f32 v51, v52;
	v60 =	vld.idx.msk [tilespmem:v9+s28+$0x0], $0xffff  }
0x1ad: {  	v22 =	vadd.f32 v22, v24;
	v61 =	vadd.f32 v31, v36;
	v51 =	vshll.u32 v27, $0x10;
	v52 =	vld.idx.msk [tilespmem:v11+s28+$0x0], $0xffff  }
0x1ae: {  	v24 =	vadd.f32 v45, v37;
	v31 =	vshll.u32 v32, $0x10;
	v41 =	vadd.f32 v49, v41;
	v36 =	vld.idx.msk [tilespmem:v12+s28+$0x0], $0xffff  }
0x1af: {  	v45 =	vadd.f32 v54, v28;
	v34 =	vadd.f32 v50, v34;
	v28 =	vshll.u32 v59, $0x10;
	v37 =	vld.idx.msk [tilespmem:v10+s28+$0x0], $0xffff  }
0x1b0: {  	v39 =	vadd.f32 v47, v39;
	v46 =	vadd.f32 v46, v33;
	v47 =	vshll.u32 v38, $0x10;
	v33 =	vld.idx.msk [tilespmem:v5+s28+$0x0], $0xffff  }
0x1b1: {  	v50 =	vadd.f32 v53, v35;
	v43 =	vadd.f32 v44, v43;
	v49 =	vshll.u32 v56, $0x10;
	v35 =	vld.idx.msk [tilespmem:v6+s28+$0x0], $0xffff  }
0x1b2: {  	v54 =	vadd.f32 v21, v23;
	v42 =	vadd.f32 v55, v42;
	v44 =	vshll.u32 v60, $0x10;
	v53 =	vld.idx.msk [tilespmem:v7+s28+$0x0], $0xffff  }
0x1b3: {  	v21 =	vmul.f32 v51, v57;
	v23 =	vmul.f32 v28, v31;
	v28 =	vshll.u32 v52, $0x10;
	v31 =	vld.idx.msk [tilespmem:v8+s28+$0x0], $0xffff  }
0x1b4: {  	v47 =	vmul.f32 v49, v47;
	v44 =	vmul.f32 v28, v44;
	v28 =	vshll.u32 v36, $0x10;
	v49 =	vld.idx.msk [tilespmem:v3+s28+$0x0], $0xffff  }
0x1b5: {  	v51 =	vmul.f32 v27, v58;
	v55 =	vmul.f32 v59, v32;
	v27 =	vshll.u32 v37, $0x10;
	v57 =	vld.idx.msk [tilespmem:v4+s28+$0x0], $0xffff  }
0x1b6: {  	v38 =	vmul.f32 v56, v38;
	v58 =	vld.idx.msk [tilespmem:v18+s29+$0x0], $0xffff;
	v18 =	vmul.f32 v27, v28;
	v28 =	vshll.u32 v33, $0x10  }
0x1b7: {  	v52 =	vmul.f32 v52, v60;
	v59 =	vmul.f32 v37, v36;
	v56 =	vld.idx.msk [tilespmem:v16+s29+$0x0], $0xffff;
	v16 =	vshll.u32 v35, $0x10  }
0x1b8: {  	v60 =	vmul.f32 v35, v33;
	v32 =	vshll.u32 v53, $0x10;
	v27 =	vld.idx.msk [tilespmem:v17+s29+$0x0], $0xffff;
	v17 =	vmul.f32 v16, v28  }
0x1b9: {  	v16 =	vadd.f32 v21, v25;
	v21 =	vmul.f32 v31, v53;
	v28 =	vld.idx.msk [tilespmem:v13+s29+$0x0], $0xffff;
	v13 =	vshll.u32 v31, $0x10  }
0x1ba: {  	v25 =	vadd.f32 v23, v26;
	v26 =	vshll.u32 v49, $0x10;
	v31 =	vld.idx.msk [tilespmem:v14+s29+$0x0], $0xffff;
	v23 =	vmul.f32 v13, v32  }
0x1bb: {  	v14 =	vadd.f32 v47, v48;
	v47 =	vmul.f32 v57, v49;
	v32 =	vld.idx.msk [tilespmem:v15+s29+$0x0], $0xffff;
	v15 =	vshll.u32 v57, $0x10  }
0x1bc: {  	v13 =	vadd.f32 v44, v30;
	v48 =	vshll.u32 v58, $0x10;
	v36 =	vld.idx.msk [tilespmem:v9+s29+$0x0], $0xffff;
	v9 =	vmul.f32 v15, v26  }
0x1bd: {  	v44 =	vshll.u32 v56, $0x10;
	v15 =	vadd.f32 v18, v29;
	v29 =	vadd.f32 v17, v40;
	v37 =	vld.idx.msk [tilespmem:v11+s29+$0x0], $0xffff  }
0x1be: {  	v30 =	vadd.f32 v23, v61;
	v40 =	vshll.u32 v27, $0x10;
	v11 =	vld.idx.msk [tilespmem:v12+s29+$0x0], $0xffff;
	v17 =	vadd.f32 v9, v41  }
0x1bf: {  	v23 =	vadd.f32 v51, v24;
	v18 =	vadd.f32 v20, v22;
	v12 =	vshll.u32 v28, $0x10;
	v9 =	vld.idx.msk [tilespmem:v10+s29+$0x0], $0xffff  }
0x1c0: {  	v35 =	vadd.f32 v55, v45;
	v26 =	vadd.f32 v38, v34;
	v38 =	vshll.u32 v31, $0x10;
	v10 =	vld.idx.msk [tilespmem:v5+s29+$0x0], $0xffff  }
0x1c1: {  	v33 =	vadd.f32 v52, v39;
	v34 =	vadd.f32 v59, v46;
	v39 =	vshll.u32 v32, $0x10;
	v6 =	vld.idx.msk [tilespmem:v6+s29+$0x0], $0xffff  }
.Ltmp5:
0x1c2: {  	v21 =	vadd.f32 v21, v43;
	v24 =	vadd.f32 v60, v50;
	v45 =	vshll.u32 v36, $0x10;
	v7 =	vld.idx.msk [tilespmem:v7+s29+$0x0], $0xffff;
	(pc) =	sbr.rel @p1 .LBB2_13-.Ltmp5, $4  }
0x1c3: {  	v22 =	vadd.f32 v47, v42;
	v20 =	vadd.f32 v19, v54;
	v43 =	vshll.u32 v37, $0x10;
	v5 =	vld.idx.msk [tilespmem:v8+s29+$0x0], $0xffff  }
0x1c4: {  	v41 =	vmul.f32 v44, v48;
	v12 =	vmul.f32 v12, v40;
	v19 =	vshll.u32 v11, $0x10;
	v8 =	vld.idx.msk [tilespmem:v3+s29+$0x0], $0xffff  }
0x1c5: {  	v40 =	vmul.f32 v39, v38;
	v39 =	vmul.f32 v43, v45;
	v42 =	vshll.u32 v9, $0x10;
	v3 =	vld.idx.msk [tilespmem:v4+s29+$0x0], $0xffff  }
0x1c6: {  	s31 =	sadd.s32 $0x50, s31;
	v38 =	vmul.f32 v56, v58;
	v4 =	vmul.f32 v42, v19;
	v19 =	vshll.u32 v10, $0x10  }
0x1c7: {  	v42 =	vshll.u32 v6, $0x10;
	v49 =	vshll.u32 v7, $0x10;
	v16 =	vadd.f32 v41, v16  }
0x1c8: {  	v12 =	vadd.f32 v12, v25;
	v14 =	vadd.f32 v40, v14;
	v52 =	vmul.f32 v28, v27  }
0x1c9: {  	v13 =	vadd.f32 v39, v13;
	v54 =	vmul.f32 v32, v31;
	v55 =	vmul.f32 v37, v36  }
0x1ca: {  	v2 =	vadd.f32 v2, v18;
	v9 =	vmul.f32 v9, v11;
	v57 =	vmul.f32 v6, v10  }
0x1cb: {  	v1 =	vadd.f32 v1, v20;
	v19 =	vmul.f32 v42, v19;
	v4 =	vadd.f32 v4, v15  }
0x1cc: {  	v43 =	vshll.u32 v5, $0x10;
	v23 =	vadd.f32 v38, v23;
	v15 =	vadd.f32 v52, v35  }
0x1cd: {  	v59 =	vmul.f32 v5, v7;
	v56 =	vadd.f32 v54, v26;
	v58 =	vadd.f32 v55, v33  }
0x1ce: {  	v42 =	vmul.f32 v43, v49;
	v60 =	vadd.f32 v9, v34;
	v1 =	vadd.f32 v2, v1  }
0x1cf: {  	v50 =	vshll.u32 v8, $0x10;
	v6 =	vadd.f32 v57, v24;
	v16 =	vadd.f32 v16, v23  }
0x1d0: {  	v51 =	vshll.u32 v3, $0x10;
	v19 =	vadd.f32 v19, v29;
	v12 =	vadd.f32 v12, v15;
	[tilespmem:s16+$0xFFFFF830] =	vst v1  }
0x1d1: {  	v3 =	vmul.f32 v3, v8;
	v5 =	vadd.f32 v59, v21;
	v61 =	vadd.f32 v14, v56;
	[tilespmem:s19+$0xFFFFF7F0] =	vst v16  }
0x1d2: {  	v25 =	vmul.f32 v51, v50;
	v53 =	vadd.f32 v42, v30;
	v4 =	vadd.f32 v4, v60;
	[tilespmem:s19+$0xFFFFFFC0] =	vst v12  }
0x1d3: {  	v62 =	vadd.f32 v13, v58;
	v3 =	vadd.f32 v3, v22;
	[tilespmem:s19+$0xFFFFF800] =	vst v61  }
0x1d4: {  	p1 =	sne.s32 s11, $0x9;
	v6 =	vadd.f32 v19, v6;
	v17 =	vadd.f32 v25, v17;
	[tilespmem:s16+$0xFFFFF810] =	vst v4  }
.Ltmp6:
0x1d5: {  	s14 =	sadd.s32 s17, s14;
	v63 =	vadd.f32 v53, v5;
	[tilespmem:s16+$0xFFFFFFD0] =	vst v62;
	(pc) =	sbr.rel @p1 .LBB2_16-.Ltmp6, $4  }
0x1d6: {  	s14 =	sshll.u32 s14, $0x3;
	[tilespmem:s16+$0xFFFFFFE0] =	vst v6;
	v3 =	vadd.f32 v17, v3  }
0x1d7: {  	s14 =	sand.u32 $0x3FFFFFF8, s14;
	[tilespmem:s16+$0xFFFFF820] =	vst v63  }
0x1d8: {  	s14 =	sadd.s32 $0x17700, s14;
	[tilespmem:s16+$0xFFFFFFF0] =	vst v3  }
0x1d9: {  	[spmem:s3] =	stream.indirect.scatter.add.f32 [tilespmem:s6], [sflag:$0x3], $0x7D0, s14, s30, $0xb8;
	[tilespmem:$0x1C660] =	vst v63  }
.Ltmp7:
0x1da: {  	(pc) =	sbr.rel .LBB2_17-.Ltmp7, $4  }
0x1db: {  	_ = 	snop  }
0x1dc: {  	_ =	swait.ge [sflag:s30], $0xFA0  }
0x1dd: {  	[sflag:s30] =	ssyncset.done $0x0  }
0x1de: {  	[sflag:s30] =	ssyncadd.s32 $0xFFFFF060  }
.LBB2_16:
0x1df: {  	s14 =	smul.u32 $0x1F40, s11;
	_ =	sdelay $0x1  }
0x1e0: {  	s14 =	sadd.s32 s14, s18  }
0x1e1: {  	s14 =	sshrl.u32 s14, $0x3  }
.Ltmp8:
0x1e2: {  	s14 =	sadd.s32 s5, s14;
	(pc) =	sbr.rel @p0 .LBB2_18-.Ltmp8, $4  }
0x1e3: {  	[tilespmem:s0], [sflag:$0x1] =	stream.linear.gather [hbm4b:s14+s4], $0xFA0, $0x38;
	[tilespmem:$0x1C660] =	vst v63  }
0x1e4: {  	_ =	swait.ge [sflag:s30], $0xFA0  }
0x1e5: {  	[sflag:s30] =	ssyncset.done $0x0  }
0x1e6: {  	[sflag:s30] =	ssyncadd.s32 $0xFFFFF060  }
.LBB2_17:
0x1e7: {  	_ =	swait.ge [sflag:s7], $0xFA0  }
0x1e8: {  	[sflag:s7] =	ssyncset.done $0x0  }
0x1e9: {  	[sflag:s7] =	ssyncadd.s32 $0xFFFFF060  }
.LBB2_18:
0x1ea: {  	s14 =	simm.s32 $0x15030  }
0x1eb: {  	v1 =	vld [tilespmem:s14+$0xFFFFF830]  }
0x1ec: {  	v2 =	vld [tilespmem:s14+$0x0]  }
0x1ed: {  	v3 =	vld [tilespmem:s14+$0xFFFFFFC0]  }
0x1ee: {  	v4 =	vld [tilespmem:s14+$0xFFFFF800]  }
0x1ef: {  	v5 =	vld [tilespmem:s14+$0xFFFFFFD0]  }
0x1f0: {  	v6 =	vld [tilespmem:s14+$0xFFFFF810];
	v19 =	vand.u32 $0xFFFF, v1  }
0x1f1: {  	v7 =	vld [tilespmem:s14+$0xFFFFFFE0];
	v20 =	vand.u32 $0xFFFF, v2  }
0x1f2: {  	v17 =	vld [tilespmem:s14+$0xFFFFF820];
	v21 =	vshrl.u32 v1, $0x10  }
0x1f3: {  	v18 =	vld [tilespmem:s14+$0xFFFFF7F0]  }
0x1f4: {  	v1 =	vld [tilespmem:s14+$0xFFFFFFF0];
	v22 =	vshrl.u32 v2, $0x10  }
0x1f5: {  	v2 =	vld.idx.msk [tilespmem:v19+s29+$0x0], $0xffff  }
0x1f6: {  	v23 =	vld.idx.msk [tilespmem:v20+s29+$0x0], $0xffff  }
0x1f7: {  	v24 =	vld.idx.msk [tilespmem:v21+s29+$0x0], $0xffff  }
0x1f8: {  	v25 =	vld.idx.msk [tilespmem:v21+s4+$0x0], $0xffff  }
0x1f9: {  	v26 =	vld.idx.msk [tilespmem:v22+s4+$0x0], $0xffff  }
0x1fa: {  	v27 =	vld.idx.msk [tilespmem:v21+s22+$0x0], $0xffff  }
0x1fb: {  	v28 =	vld.idx.msk [tilespmem:v22+s22+$0x0], $0xffff  }
0x1fc: {  	v29 =	vld.idx.msk [tilespmem:v21+s23+$0x0], $0xffff  }
0x1fd: {  	v30 =	vld.idx.msk [tilespmem:v22+s23+$0x0], $0xffff  }
0x1fe: {  	v31 =	vld.idx.msk [tilespmem:v21+s24+$0x0], $0xffff  }
0x1ff: {  	v12 =	vshrl.u32 v4, $0x10;
	v34 =	vld.idx.msk [tilespmem:v22+s24+$0x0], $0xffff  }
0x200: {  	v15 =	vand.u32 $0xFFFF, v4;
	v8 =	vshrl.u32 v6, $0x10;
	v11 =	vand.u32 $0xFFFF, v6;
	v36 =	vld.idx.msk [tilespmem:v21+s25+$0x0], $0xffff  }
0x201: {  	v6 =	vshrl.u32 v7, $0x10;
	v9 =	vand.u32 $0xFFFF, v7;
	v4 =	vshrl.u32 v17, $0x10;
	v55 =	vld.idx.msk [tilespmem:v22+s25+$0x0], $0xffff  }
0x202: {  	v7 =	vand.u32 $0xFFFF, v17;
	v17 =	vshrl.u32 v18, $0x10;
	v18 =	vand.u32 $0xFFFF, v18;
	v57 =	vld.idx.msk [tilespmem:v21+s26+$0x0], $0xffff  }
0x203: {  	v16 =	vand.u32 $0xFFFF, v3;
	v21 =	vld.idx.msk [tilespmem:v21+s28+$0x0], $0xffff  }
0x204: {  	v61 =	vld.idx.msk [tilespmem:v20+s28+$0x0], $0xffff  }
0x205: {  	v14 =	vshrl.u32 v3, $0x10;
	v10 =	vshrl.u32 v5, $0x10;
	v13 =	vand.u32 $0xFFFF, v5;
	v63 =	vld.idx.msk [tilespmem:v20+s26+$0x0], $0xffff  }
0x206: {  	v3 =	vshrl.u32 v1, $0x10;
	v5 =	vand.u32 $0xFFFF, v1;
	v46 =	vld.idx.msk [tilespmem:v20+s24+$0x0], $0xffff;
	v32 =	vshll.u32 v2, $0x10  }
0x207: {  	v52 =	vld.idx.msk [tilespmem:v18+s4+$0x0], $0xffff;
	v33 =	vshll.u32 v23, $0x10;
	v1 =	vmul.f32 v23, v2;
	v23 =	vshll.u32 v25, $0x10  }
0x208: {  	v53 =	vld.idx.msk [tilespmem:v16+s4+$0x0], $0xffff;
	v35 =	vshll.u32 v26, $0x10;
	v25 =	vmul.f32 v26, v25;
	v26 =	vshll.u32 v27, $0x10  }
0x209: {  	v56 =	vshll.u32 v28, $0x10;
	v27 =	vmul.f32 v28, v27;
	v58 =	vshll.u32 v29, $0x10  }
0x20a: {  	v40 =	vld.idx.msk [tilespmem:v19+s22+$0x0], $0xffff;
	v37 =	vshll.u32 v30, $0x10;
	v29 =	vmul.f32 v30, v29;
	v59 =	vshll.u32 v34, $0x10  }
0x20b: {  	v49 =	vld.idx.msk [tilespmem:v20+s22+$0x0], $0xffff;
	v60 =	vshll.u32 v55, $0x10;
	v42 =	vshll.u32 v21, $0x10;
	v48 =	vshll.u32 v61, $0x10  }
0x20c: {  	v28 =	vld.idx.msk [tilespmem:v22+s26+$0x0], $0xffff;
	v38 =	vshll.u32 v63, $0x10;
	v51 =	vshll.u32 v46, $0x10;
	v23 =	vmul.f32 v35, v23  }
0x20d: {  	v30 =	vld.idx.msk [tilespmem:v22+s28+$0x0], $0xffff;
	v2 =	vmul.f32 v33, v32;
	v33 =	vmul.f32 v53, v52;
	v25 =	vadd.f32 $0.0e+00, v25  }
0x20e: {  	v22 =	vld.idx.msk [tilespmem:v22+s29+$0x0], $0xffff;
	v26 =	vmul.f32 v56, v26;
	v32 =	vmul.f32 v55, v36;
	v23 =	vadd.f32 $0.0e+00, v23  }
0x20f: {  	v50 =	vld.idx.msk [tilespmem:v20+s4+$0x0], $0xffff;
	v55 =	vshll.u32 v40, $0x10;
	v33 =	vadd.f32 $0.0e+00, v33;
	v25 =	vadd.f32 v27, v25  }
0x210: {  	v54 =	vld.idx.msk [tilespmem:v17+s4+$0x0], $0xffff;
	v27 =	vshll.u32 v31, $0x10;
	v31 =	vmul.f32 v34, v31;
	v23 =	vadd.f32 v26, v23  }
0x211: {  	v56 =	vld.idx.msk [tilespmem:v14+s4+$0x0], $0xffff;
	v26 =	vmul.f32 v37, v58;
	v62 =	vshll.u32 v28, $0x10;
	v28 =	vmul.f32 v28, v57  }
0x212: {  	v43 =	vshll.u32 v30, $0x10;
	v21 =	vmul.f32 v30, v21;
	v58 =	vld.idx.msk [tilespmem:v15+s4+$0x0], $0xffff;
	v25 =	vadd.f32 v29, v25  }
0x213: {  	v45 =	vshll.u32 v22, $0x10;
	v23 =	vadd.f32 v26, v23;
	v26 =	vmul.f32 v59, v27  }
0x214: {  	v22 =	vmul.f32 v22, v24;
	v29 =	vshll.u32 v36, $0x10;
	v27 =	vld.idx.msk [tilespmem:v19+s28+$0x0], $0xffff;
	v25 =	vadd.f32 v31, v25  }
0x215: {  	v44 =	vld.idx.msk [tilespmem:v20+s25+$0x0], $0xffff;
	v31 =	vshll.u32 v57, $0x10;
	v57 =	vshll.u32 v49, $0x10;
	v23 =	vadd.f32 v26, v23  }
0x216: {  	v47 =	vld.idx.msk [tilespmem:v20+s23+$0x0], $0xffff;
	v26 =	vmul.f32 v60, v29;
	v60 =	vshll.u32 v50, $0x10;
	v35 =	vmul.f32 v57, v55  }
0x217: {  	v29 =	vld.idx.msk [tilespmem:v19+s26+$0x0], $0xffff;
	v25 =	vadd.f32 v32, v25;
	v32 =	vmul.f32 v56, v54;
	v55 =	vshll.u32 v58, $0x10  }
0x218: {  	v23 =	vadd.f32 v26, v23;
	v26 =	vmul.f32 v62, v31;
	v31 =	vld.idx.msk [tilespmem:v19+s25+$0x0], $0xffff;
	v62 =	vshll.u32 v52, $0x10  }
0x219: {  	v30 =	vld.idx.msk [tilespmem:v19+s24+$0x0], $0xffff;
	v25 =	vadd.f32 v28, v25;
	v28 =	vshll.u32 v24, $0x10;
	v20 =	vmul.f32 v61, v27  }
0x21a: {  	v61 =	vld.idx.msk [tilespmem:v13+s4+$0x0], $0xffff;
	v32 =	vadd.f32 $0.0e+00, v32;
	v23 =	vadd.f32 v26, v23;
	v26 =	vmul.f32 v43, v42  }
0x21b: {  	v24 =	vmul.f32 v45, v28;
	v42 =	vshll.u32 v53, $0x10;
	v43 =	vld.idx.msk [tilespmem:v11+s4+$0x0], $0xffff;
	v21 =	vadd.f32 v21, v25  }
0x21c: {  	v53 =	vshll.u32 v54, $0x10;
	v54 =	vld.idx.msk [tilespmem:v9+s4+$0x0], $0xffff;
	v25 =	vshll.u32 v29, $0x10;
	v23 =	vadd.f32 v26, v23  }
0x21d: {  	v26 =	vshll.u32 v27, $0x10;
	v21 =	vadd.f32 v22, v21;
	v41 =	vshll.u32 v31, $0x10  }
0x21e: {  	v28 =	vld.idx.msk [tilespmem:v19+s23+$0x0], $0xffff;
	v22 =	vmul.f32 v63, v29;
	v29 =	vshll.u32 v30, $0x10;
	v39 =	vadd.f32 v24, v23  }
0x21f: {  	v52 =	vld.idx.msk [tilespmem:v10+s4+$0x0], $0xffff;
	v23 =	vmul.f32 v38, v25;
	v25 =	vshll.u32 v44, $0x10;
	v24 =	vmul.f32 v44, v31  }
0x220: {  	v45 =	vld.idx.msk [tilespmem:v8+s4+$0x0], $0xffff;
	v27 =	vmul.f32 v51, v29;
	v29 =	vshll.u32 v47, $0x10;
	v36 =	vmul.f32 v61, v58  }
0x221: {  	v63 =	vld.idx.msk [tilespmem:v12+s4+$0x0], $0xffff;
	v44 =	vshll.u32 v56, $0x10;
	v25 =	vmul.f32 v25, v41;
	v37 =	vmul.f32 v54, v43  }
0x222: {  	v31 =	vld.idx.msk [tilespmem:v19+s4+$0x0], $0xffff;
	v19 =	vadd.f32 v39, v21;
	v21 =	vmul.f32 v48, v26;
	v26 =	vmul.f32 v46, v30  }
0x223: {  	v56 =	vld.idx.msk [tilespmem:v6+s4+$0x0], $0xffff;
	v30 =	vshll.u32 v28, $0x10;
	v28 =	vmul.f32 v47, v28;
	v39 =	vmul.f32 v42, v62  }
0x224: {  	v58 =	vld.idx.msk [tilespmem:v5+s4+$0x0], $0xffff;
	v42 =	vmul.f32 v44, v53;
	v46 =	vshll.u32 v61, $0x10;
	v36 =	vadd.f32 $0.0e+00, v36  }
0x225: {  	v51 =	vld.idx.msk [tilespmem:v18+s22+$0x0], $0xffff;
	v48 =	vshll.u32 v52, $0x10;
	v29 =	vmul.f32 v29, v30;
	v30 =	vmul.f32 v49, v40  }
0x226: {  	v44 =	vmul.f32 v46, v55;
	v37 =	vadd.f32 $0.0e+00, v37;
	v39 =	vadd.f32 $0.0e+00, v39  }
0x227: {  	v42 =	vadd.f32 $0.0e+00, v42;
	v57 =	vshll.u32 v63, $0x10;
	v34 =	vmul.f32 v52, v63  }
0x228: {  	v47 =	vld.idx.msk [tilespmem:v7+s4+$0x0], $0xffff;
	v59 =	vshll.u32 v31, $0x10;
	v31 =	vmul.f32 v50, v31;
	v44 =	vadd.f32 $0.0e+00, v44  }
0x229: {  	v61 =	vld.idx.msk [tilespmem:v16+s22+$0x0], $0xffff;
	v46 =	vmul.f32 v48, v57;
	v50 =	vshll.u32 v54, $0x10;
	v52 =	vshll.u32 v56, $0x10  }
0x22a: {  	v53 =	vld.idx.msk [tilespmem:v17+s22+$0x0], $0xffff;
	v38 =	vmul.f32 v56, v45;
	v54 =	vshll.u32 v58, $0x10;
	v57 =	vshll.u32 v51, $0x10  }
0x22b: {  	v49 =	vld.idx.msk [tilespmem:v4+s4+$0x0], $0xffff;
	v40 =	vmul.f32 v60, v59;
	v59 =	vshll.u32 v43, $0x10;
	v34 =	vadd.f32 $0.0e+00, v34  }
0x22c: {  	v55 =	vld.idx.msk [tilespmem:v15+s22+$0x0], $0xffff;
	v60 =	vshll.u32 v45, $0x10;
	v31 =	vadd.f32 $0.0e+00, v31;
	v46 =	vadd.f32 $0.0e+00, v46  }
0x22d: {  	v43 =	vld.idx.msk [tilespmem:v3+s4+$0x0], $0xffff;
	v48 =	vmul.f32 v50, v59;
	v50 =	vmul.f32 v52, v60;
	v62 =	vshll.u32 v47, $0x10  }
0x22e: {  	v38 =	vadd.f32 $0.0e+00, v38;
	v41 =	vmul.f32 v58, v47;
	v47 =	vld.idx.msk [tilespmem:v14+s22+$0x0], $0xffff;
	v58 =	vshll.u32 v61, $0x10  }
0x22f: {  	v45 =	vmul.f32 v61, v51;
	v51 =	vld.idx.msk [tilespmem:v10+s22+$0x0], $0xffff;
	v40 =	vadd.f32 $0.0e+00, v40;
	v52 =	vmul.f32 v54, v62  }
0x230: {  	v59 =	vld.idx.msk [tilespmem:v11+s22+$0x0], $0xffff;
	v63 =	vshll.u32 v49, $0x10;
	v48 =	vadd.f32 $0.0e+00, v48;
	v50 =	vadd.f32 $0.0e+00, v50  }
0x231: {  	v57 =	vmul.f32 v58, v57;
	v41 =	vadd.f32 $0.0e+00, v41;
	v30 =	vadd.f32 v30, v31;
	v31 =	vld.idx.msk [tilespmem:v11+s23+$0x0], $0xffff  }
0x232: {  	v58 =	vshll.u32 v53, $0x10;
	v33 =	vadd.f32 v45, v33;
	v35 =	vadd.f32 v35, v40;
	v40 =	vld.idx.msk [tilespmem:v9+s22+$0x0], $0xffff  }
0x233: {  	v52 =	vadd.f32 $0.0e+00, v52;
	v39 =	vadd.f32 v57, v39;
	v57 =	vld.idx.msk [tilespmem:v7+s22+$0x0], $0xffff;
	v56 =	vshll.u32 v43, $0x10  }
0x234: {  	v43 =	vmul.f32 v43, v49;
	v49 =	vld.idx.msk [tilespmem:v13+s22+$0x0], $0xffff;
	v28 =	vadd.f32 v28, v30;
	v54 =	vmul.f32 v56, v63  }
0x235: {  	v56 =	vld.idx.msk [tilespmem:v12+s22+$0x0], $0xffff;
	v60 =	vshll.u32 v47, $0x10;
	v47 =	vmul.f32 v47, v53;
	v29 =	vadd.f32 v29, v35  }
0x236: {  	v30 =	vld.idx.msk [tilespmem:v9+s24+$0x0], $0xffff;
	v43 =	vadd.f32 $0.0e+00, v43;
	v60 =	vmul.f32 v60, v58;
	v26 =	vadd.f32 v26, v28  }
0x237: {  	v61 =	vshll.u32 v55, $0x10;
	v53 =	vld.idx.msk [tilespmem:v4+s22+$0x0], $0xffff;
	v54 =	vadd.f32 $0.0e+00, v54;
	v32 =	vadd.f32 v47, v32  }
0x238: {  	v35 =	vld.idx.msk [tilespmem:v5+s23+$0x0], $0xffff;
	v27 =	vadd.f32 v27, v29;
	v42 =	vadd.f32 v60, v42;
	v60 =	vshll.u32 v51, $0x10  }
0x239: {  	v58 =	vld.idx.msk [tilespmem:v8+s22+$0x0], $0xffff;
	v24 =	vadd.f32 v24, v26;
	v62 =	vshll.u32 v49, $0x10;
	v49 =	vmul.f32 v49, v55  }
0x23a: {  	v55 =	vld.idx.msk [tilespmem:v6+s22+$0x0], $0xffff;
	v25 =	vadd.f32 v25, v27;
	v45 =	vmul.f32 v62, v61;
	v63 =	vshll.u32 v56, $0x10  }
0x23b: {  	v51 =	vmul.f32 v51, v56;
	v56 =	vld.idx.msk [tilespmem:v5+s22+$0x0], $0xffff;
	v62 =	vshll.u32 v59, $0x10;
	v61 =	vmul.f32 v60, v63  }
0x23c: {  	v28 =	vld.idx.msk [tilespmem:v8+s25+$0x0], $0xffff;
	v36 =	vadd.f32 v49, v36;
	v63 =	vshll.u32 v40, $0x10;
	v40 =	vmul.f32 v40, v59  }
0x23d: {  	v59 =	vld.idx.msk [tilespmem:v3+s22+$0x0], $0xffff;
	v44 =	vadd.f32 v45, v44;
	v60 =	vmul.f32 v63, v62;
	v34 =	vadd.f32 v51, v34  }
0x23e: {  	v49 =	vld.idx.msk [tilespmem:v18+s23+$0x0], $0xffff;
	v63 =	vshll.u32 v57, $0x10;
	v45 =	vadd.f32 v61, v46;
	v61 =	vshll.u32 v58, $0x10  }
0x23f: {  	v51 =	vld.idx.msk [tilespmem:v17+s23+$0x0], $0xffff;
	v37 =	vadd.f32 v40, v37;
	v62 =	vshll.u32 v55, $0x10;
	v55 =	vmul.f32 v55, v58  }
0x240: {  	v58 =	vld.idx.msk [tilespmem:v16+s23+$0x0], $0xffff;
	v46 =	vadd.f32 v60, v48;
	v47 =	vmul.f32 v62, v61;
	v60 =	vshll.u32 v56, $0x10  }
0x241: {  	v48 =	vshll.u32 v53, $0x10;
	v56 =	vmul.f32 v56, v57;
	v57 =	vld.idx.msk [tilespmem:v14+s23+$0x0], $0xffff;
	v40 =	vmul.f32 v60, v63  }
0x242: {  	v38 =	vadd.f32 v55, v38;
	v55 =	vshll.u32 v59, $0x10;
	v53 =	vmul.f32 v59, v53;
	v59 =	vld.idx.msk [tilespmem:v13+s23+$0x0], $0xffff  }
0x243: {  	v60 =	vshll.u32 v49, $0x10;
	v47 =	vadd.f32 v47, v50;
	v50 =	vld.idx.msk [tilespmem:v15+s23+$0x0], $0xffff;
	v48 =	vmul.f32 v55, v48  }
0x244: {  	v41 =	vadd.f32 v56, v41;
	v62 =	vshll.u32 v51, $0x10;
	v40 =	vadd.f32 v40, v52;
	v52 =	vld.idx.msk [tilespmem:v12+s23+$0x0], $0xffff  }
0x245: {  	v43 =	vadd.f32 v53, v43;
	v53 =	vld.idx.msk [tilespmem:v10+s23+$0x0], $0xffff;
	v61 =	vshll.u32 v58, $0x10;
	v48 =	vadd.f32 v48, v54  }
0x246: {  	v29 =	vld.idx.msk [tilespmem:v16+s25+$0x0], $0xffff;
	v49 =	vmul.f32 v58, v49;
	v63 =	vmul.f32 v61, v60;
	v60 =	vshll.u32 v57, $0x10  }
0x247: {  	v58 =	vld.idx.msk [tilespmem:v9+s23+$0x0], $0xffff;
	v51 =	vmul.f32 v57, v51;
	v55 =	vmul.f32 v60, v62;
	v62 =	vshll.u32 v59, $0x10  }
0x248: {  	v57 =	vld.idx.msk [tilespmem:v8+s23+$0x0], $0xffff;
	v33 =	vadd.f32 v49, v33;
	v61 =	vshll.u32 v50, $0x10;
	v39 =	vadd.f32 v63, v39  }
0x249: {  	v56 =	vld.idx.msk [tilespmem:v7+s23+$0x0], $0xffff;
	v50 =	vmul.f32 v59, v50;
	v32 =	vadd.f32 v51, v32;
	v42 =	vadd.f32 v55, v42  }
0x24a: {  	v59 =	vld.idx.msk [tilespmem:v6+s23+$0x0], $0xffff;
	v54 =	vmul.f32 v62, v61;
	v55 =	vshll.u32 v52, $0x10;
	v60 =	vshll.u32 v53, $0x10  }
0x24b: {  	v51 =	vld.idx.msk [tilespmem:v15+s24+$0x0], $0xffff;
	v52 =	vmul.f32 v53, v52;
	v63 =	vmul.f32 v60, v55;
	v60 =	vshll.u32 v31, $0x10  }
0x24c: {  	v55 =	vld.idx.msk [tilespmem:v4+s23+$0x0], $0xffff;
	v61 =	vshll.u32 v58, $0x10;
	v31 =	vmul.f32 v58, v31;
	v36 =	vadd.f32 v50, v36  }
0x24d: {  	v58 =	vld.idx.msk [tilespmem:v3+s23+$0x0], $0xffff;
	v44 =	vadd.f32 v54, v44;
	v49 =	vmul.f32 v61, v60;
	v62 =	vshll.u32 v57, $0x10  }
0x24e: {  	v53 =	vld.idx.msk [tilespmem:v17+s24+$0x0], $0xffff;
	v61 =	vshll.u32 v56, $0x10;
	v34 =	vadd.f32 v52, v34;
	v45 =	vadd.f32 v63, v45  }
0x24f: {  	v54 =	vld.idx.msk [tilespmem:v18+s24+$0x0], $0xffff;
	v31 =	vadd.f32 v31, v37;
	v63 =	vshll.u32 v59, $0x10;
	v57 =	vmul.f32 v59, v57  }
0x250: {  	v59 =	vld.idx.msk [tilespmem:v16+s24+$0x0], $0xffff;
	v46 =	vadd.f32 v49, v46;
	v60 =	vmul.f32 v63, v62;
	v62 =	vshll.u32 v35, $0x10  }
0x251: {  	v35 =	vmul.f32 v35, v56;
	v56 =	vld.idx.msk [tilespmem:v14+s24+$0x0], $0xffff;
	v49 =	vmul.f32 v62, v61;
	v50 =	vshll.u32 v55, $0x10  }
0x252: {  	v52 =	vshll.u32 v58, $0x10;
	v55 =	vmul.f32 v58, v55;
	v58 =	vld.idx.msk [tilespmem:v13+s24+$0x0], $0xffff;
	v37 =	vadd.f32 v57, v38  }
0x253: {  	v38 =	vld.idx.msk [tilespmem:v10+s24+$0x0], $0xffff;
	v62 =	vshll.u32 v53, $0x10;
	v47 =	vadd.f32 v60, v47;
	v63 =	vmul.f32 v52, v50  }
0x254: {  	v60 =	vshll.u32 v54, $0x10;
	v50 =	vld.idx.msk [tilespmem:v12+s24+$0x0], $0xffff;
	v35 =	vadd.f32 v35, v41;
	v40 =	vadd.f32 v49, v40  }
0x255: {  	v57 =	vld.idx.msk [tilespmem:v8+s24+$0x0], $0xffff;
	v43 =	vadd.f32 v55, v43;
	v61 =	vshll.u32 v59, $0x10;
	v41 =	vadd.f32 v63, v48  }
0x256: {  	v26 =	vld.idx.msk [tilespmem:v6+s26+$0x0], $0xffff;
	v54 =	vmul.f32 v59, v54;
	v63 =	vshll.u32 v56, $0x10;
	v52 =	vmul.f32 v61, v60  }
0x257: {  	v48 =	vld.idx.msk [tilespmem:v11+s24+$0x0], $0xffff;
	v61 =	vshll.u32 v51, $0x10;
	v53 =	vmul.f32 v56, v53;
	v49 =	vmul.f32 v63, v62  }
0x258: {  	v59 =	vld.idx.msk [tilespmem:v6+s24+$0x0], $0xffff;
	v62 =	vshll.u32 v58, $0x10;
	v51 =	vmul.f32 v58, v51;
	v60 =	vshll.u32 v38, $0x10  }
0x259: {  	v56 =	vld.idx.msk [tilespmem:v4+s24+$0x0], $0xffff;
	v33 =	vadd.f32 v54, v33;
	v55 =	vmul.f32 v62, v61;
	v63 =	vshll.u32 v50, $0x10  }
0x25a: {  	v58 =	vld.idx.msk [tilespmem:v7+s24+$0x0], $0xffff;
	v39 =	vadd.f32 v52, v39;
	v38 =	vmul.f32 v38, v50;
	v52 =	vshll.u32 v57, $0x10  }
0x25b: {  	v50 =	vld.idx.msk [tilespmem:v5+s24+$0x0], $0xffff;
	v32 =	vadd.f32 v53, v32;
	v42 =	vadd.f32 v49, v42;
	v61 =	vmul.f32 v60, v63  }
0x25c: {  	v63 =	vshll.u32 v30, $0x10;
	v62 =	vshll.u32 v48, $0x10;
	v30 =	vmul.f32 v30, v48;
	v48 =	vld.idx.msk [tilespmem:v3+s24+$0x0], $0xffff  }
0x25d: {  	v36 =	vadd.f32 v51, v36;
	v44 =	vadd.f32 v55, v44;
	v55 =	vld.idx.msk [tilespmem:v18+s25+$0x0], $0xffff;
	v60 =	vshll.u32 v59, $0x10  }
0x25e: {  	v57 =	vmul.f32 v59, v57;
	v59 =	vld.idx.msk [tilespmem:v17+s25+$0x0], $0xffff;
	v34 =	vadd.f32 v38, v34;
	v45 =	vadd.f32 v61, v45  }
0x25f: {  	v27 =	vld.idx.msk [tilespmem:v13+s26+$0x0], $0xffff;
	v49 =	vmul.f32 v63, v62;
	v60 =	vmul.f32 v60, v52;
	v52 =	vshll.u32 v56, $0x10  }
0x260: {  	v54 =	vld.idx.msk [tilespmem:v15+s25+$0x0], $0xffff;
	v61 =	vshll.u32 v58, $0x10;
	v30 =	vadd.f32 v30, v31;
	v37 =	vadd.f32 v57, v37  }
0x261: {  	v46 =	vadd.f32 v49, v46;
	v62 =	vshll.u32 v50, $0x10;
	v50 =	vmul.f32 v50, v58;
	v58 =	vld.idx.msk [tilespmem:v14+s25+$0x0], $0xffff  }
0x262: {  	v38 =	vld.idx.msk [tilespmem:v10+s25+$0x0], $0xffff;
	v47 =	vadd.f32 v60, v47;
	v49 =	vmul.f32 v62, v61;
	v53 =	vshll.u32 v48, $0x10  }
0x263: {  	v57 =	vld.idx.msk [tilespmem:v7+s25+$0x0], $0xffff;
	v48 =	vmul.f32 v48, v56;
	v60 =	vshll.u32 v55, $0x10;
	v61 =	vshll.u32 v59, $0x10  }
0x264: {  	v56 =	vld.idx.msk [tilespmem:v13+s25+$0x0], $0xffff;
	v35 =	vadd.f32 v50, v35;
	v40 =	vadd.f32 v49, v40;
	v63 =	vmul.f32 v53, v52  }
0x265: {  	v52 =	vld.idx.msk [tilespmem:v12+s25+$0x0], $0xffff;
	v53 =	vshll.u32 v29, $0x10;
	v29 =	vmul.f32 v29, v55;
	v43 =	vadd.f32 v48, v43  }
0x266: {  	v50 =	vld.idx.msk [tilespmem:v9+s25+$0x0], $0xffff;
	v48 =	vmul.f32 v53, v60;
	v31 =	vadd.f32 v63, v41;
	v62 =	vshll.u32 v58, $0x10  }
0x267: {  	v53 =	vld.idx.msk [tilespmem:v6+s25+$0x0], $0xffff;
	v63 =	vshll.u32 v54, $0x10;
	v58 =	vmul.f32 v58, v59;
	v29 =	vadd.f32 v29, v33  }
0x268: {  	v41 =	vld.idx.msk [tilespmem:v11+s25+$0x0], $0xffff;
	v49 =	vmul.f32 v62, v61;
	v62 =	vshll.u32 v38, $0x10;
	v39 =	vadd.f32 v48, v39  }
0x269: {  	v59 =	vld.idx.msk [tilespmem:v5+s25+$0x0], $0xffff;
	v60 =	vshll.u32 v56, $0x10;
	v54 =	vmul.f32 v56, v54;
	v32 =	vadd.f32 v58, v32  }
0x26a: {  	v56 =	vld.idx.msk [tilespmem:v4+s25+$0x0], $0xffff;
	v51 =	vmul.f32 v60, v63;
	v61 =	vshll.u32 v52, $0x10;
	v38 =	vmul.f32 v38, v52  }
0x26b: {  	v58 =	vld.idx.msk [tilespmem:v10+s26+$0x0], $0xffff;
	v60 =	vshll.u32 v50, $0x10;
	v42 =	vadd.f32 v49, v42;
	v55 =	vmul.f32 v62, v61  }
0x26c: {  	v52 =	vld.idx.msk [tilespmem:v18+s26+$0x0], $0xffff;
	v61 =	vshll.u32 v28, $0x10;
	v62 =	vshll.u32 v53, $0x10;
	v28 =	vmul.f32 v53, v28  }
0x26d: {  	v53 =	vld.idx.msk [tilespmem:v16+s26+$0x0], $0xffff;
	v36 =	vadd.f32 v54, v36;
	v63 =	vshll.u32 v41, $0x10;
	v41 =	vmul.f32 v50, v41  }
0x26e: {  	v50 =	vld.idx.msk [tilespmem:v3+s25+$0x0], $0xffff;
	v44 =	vadd.f32 v51, v44;
	v49 =	vmul.f32 v62, v61;
	v34 =	vadd.f32 v38, v34  }
0x26f: {  	v51 =	vld.idx.msk [tilespmem:v15+s26+$0x0], $0xffff;
	v48 =	vmul.f32 v60, v63;
	v45 =	vadd.f32 v55, v45;
	v63 =	vshll.u32 v57, $0x10  }
0x270: {  	v55 =	vld.idx.msk [tilespmem:v17+s26+$0x0], $0xffff;
	v60 =	vshll.u32 v59, $0x10;
	v57 =	vmul.f32 v59, v57;
	v28 =	vadd.f32 v28, v37  }
0x271: {  	v59 =	vld.idx.msk [tilespmem:v14+s26+$0x0], $0xffff;
	v47 =	vadd.f32 v49, v47;
	v49 =	vshll.u32 v56, $0x10;
	v30 =	vadd.f32 v41, v30  }
0x272: {  	v54 =	vld.idx.msk [tilespmem:v18+s28+$0x0], $0xffff;
	v46 =	vadd.f32 v48, v46;
	v48 =	vmul.f32 v60, v63;
	v35 =	vadd.f32 v57, v35  }
0x273: {  	v38 =	vld.idx.msk [tilespmem:v9+s26+$0x0], $0xffff;
	v63 =	vshll.u32 v27, $0x10;
	v33 =	vshll.u32 v53, $0x10;
	v60 =	vshll.u32 v50, $0x10  }
0x274: {  	v37 =	vld.idx.msk [tilespmem:v8+s26+$0x0], $0xffff;
	v50 =	vmul.f32 v50, v56;
	v56 =	vshll.u32 v52, $0x10;
	v40 =	vadd.f32 v48, v40  }
0x275: {  	v57 =	vld.idx.msk [tilespmem:v5+s26+$0x0], $0xffff;
	v62 =	vshll.u32 v51, $0x10;
	v52 =	vmul.f32 v53, v52;
	v27 =	vmul.f32 v27, v51  }
0x276: {  	v48 =	vmul.f32 v60, v49;
	v49 =	vld.idx.msk [tilespmem:v12+s26+$0x0], $0xffff;
	v60 =	vshll.u32 v55, $0x10;
	v61 =	vshll.u32 v59, $0x10  }
0x277: {  	v33 =	vmul.f32 v33, v56;
	v56 =	vld.idx.msk [tilespmem:v7+s26+$0x0], $0xffff;
	v41 =	vmul.f32 v63, v62;
	v62 =	vshll.u32 v58, $0x10  }
0x278: {  	v55 =	vmul.f32 v59, v55;
	v43 =	vadd.f32 v50, v43;
	v31 =	vadd.f32 v48, v31;
	v48 =	vld.idx.msk [tilespmem:v11+s26+$0x0], $0xffff  }
0x279: {  	v59 =	vld.idx.msk [tilespmem:v4+s26+$0x0], $0xffff;
	v50 =	vmul.f32 v61, v60;
	v52 =	vadd.f32 v52, v29;
	v33 =	vadd.f32 v33, v39  }
0x27a: {  	v60 =	vshll.u32 v38, $0x10;
	v29 =	vld.idx.msk [tilespmem:v11+s28+$0x0], $0xffff;
	v41 =	vadd.f32 v41, v44;
	v55 =	vadd.f32 v55, v32  }
0x27b: {  	v11 =	vld.idx.msk [tilespmem:v11+s29+$0x0], $0xffff;
	v42 =	vadd.f32 v50, v42;
	v61 =	vshll.u32 v49, $0x10;
	v49 =	vmul.f32 v58, v49  }
0x27c: {  	v50 =	vld.idx.msk [tilespmem:v17+s28+$0x0], $0xffff;
	v53 =	vmul.f32 v62, v61;
	v61 =	vshll.u32 v37, $0x10;
	v62 =	vshll.u32 v26, $0x10  }
0x27d: {  	v58 =	vld.idx.msk [tilespmem:v3+s26+$0x0], $0xffff;
	v26 =	vmul.f32 v26, v37;
	v63 =	vshll.u32 v48, $0x10;
	v38 =	vmul.f32 v38, v48  }
0x27e: {  	v37 =	vld.idx.msk [tilespmem:v16+s28+$0x0], $0xffff;
	v39 =	vmul.f32 v62, v61;
	v34 =	vadd.f32 v49, v34;
	v51 =	vmul.f32 v60, v63  }
0x27f: {  	v63 =	vshll.u32 v56, $0x10;
	v60 =	vshll.u32 v57, $0x10;
	v56 =	vmul.f32 v57, v56;
	v57 =	vld.idx.msk [tilespmem:v14+s28+$0x0], $0xffff  }
0x280: {  	v48 =	vshll.u32 v59, $0x10;
	v45 =	vadd.f32 v53, v45;
	v53 =	vld.idx.msk [tilespmem:v15+s28+$0x0], $0xffff;
	v49 =	vadd.f32 v26, v28  }
0x281: {  	v26 =	vld.idx.msk [tilespmem:v6+s28+$0x0], $0xffff;
	v44 =	vmul.f32 v60, v63;
	v60 =	vshll.u32 v54, $0x10;
	v39 =	vadd.f32 v39, v47  }
0x282: {  	v38 =	vadd.f32 v38, v30;
	v30 =	vld.idx.msk [tilespmem:v8+s28+$0x0], $0xffff;
	v46 =	vadd.f32 v51, v46;
	v51 =	vshll.u32 v58, $0x10  }
0x283: {  	v58 =	vmul.f32 v58, v59;
	v59 =	vld.idx.msk [tilespmem:v13+s28+$0x0], $0xffff;
	v56 =	vadd.f32 v56, v35;
	v61 =	vmul.f32 v51, v48  }
0x284: {  	v48 =	vld.idx.msk [tilespmem:v12+s28+$0x0], $0xffff;
	v51 =	vshll.u32 v37, $0x10;
	v40 =	vadd.f32 v44, v40;
	v44 =	vadd.f32 v23, v25  }
0x285: {  	v23 =	vld.idx.msk [tilespmem:v10+s28+$0x0], $0xffff;
	v25 =	vshll.u32 v50, $0x10;
	v54 =	vmul.f32 v37, v54;
	v43 =	vadd.f32 v58, v43  }
0x286: {  	v35 =	vld.idx.msk [tilespmem:v5+s28+$0x0], $0xffff;
	v58 =	vadd.f32 v22, v24;
	v24 =	vmul.f32 v51, v60;
	v47 =	vadd.f32 v61, v31  }
0x287: {  	v22 =	vld.idx.msk [tilespmem:v7+s28+$0x0], $0xffff;
	v31 =	vshll.u32 v57, $0x10;
	v61 =	vadd.f32 v27, v36;
	v62 =	vshll.u32 v53, $0x10  }
0x288: {  	v27 =	vld.idx.msk [tilespmem:v9+s28+$0x0], $0xffff;
	v50 =	vmul.f32 v57, v50;
	v25 =	vmul.f32 v31, v25;
	v20 =	vadd.f32 v20, v58  }
0x289: {  	v63 =	vshll.u32 v59, $0x10;
	v53 =	vmul.f32 v59, v53;
	v59 =	vld.idx.msk [tilespmem:v18+s29+$0x0], $0xffff;
	v18 =	vshll.u32 v26, $0x10  }
0x28a: {  	v37 =	vld.idx.msk [tilespmem:v3+s28+$0x0], $0xffff;
	v28 =	vshll.u32 v48, $0x10;
	v31 =	vshll.u32 v23, $0x10;
	v32 =	vmul.f32 v63, v62  }
0x28b: {  	v48 =	vmul.f32 v23, v48;
	v62 =	vld.idx.msk [tilespmem:v16+s29+$0x0], $0xffff;
	v63 =	vmul.f32 v26, v30;
	v16 =	vadd.f32 v24, v33  }
0x28c: {  	v51 =	vld.idx.msk [tilespmem:v4+s28+$0x0], $0xffff;
	v25 =	vadd.f32 v25, v42;
	v36 =	vmul.f32 v31, v28;
	v28 =	vshll.u32 v29, $0x10  }
0x28d: {  	v9 =	vld.idx.msk [tilespmem:v9+s29+$0x0], $0xffff;
	v23 =	vshll.u32 v22, $0x10;
	v22 =	vmul.f32 v35, v22;
	v26 =	vadd.f32 v53, v61  }
0x28e: {  	v31 =	vshll.u32 v27, $0x10;
	v60 =	vmul.f32 v27, v29;
	v27 =	vld.idx.msk [tilespmem:v17+s29+$0x0], $0xffff;
	v17 =	vshll.u32 v35, $0x10  }
0x28f: {  	v35 =	vadd.f32 v50, v55;
	v57 =	vmul.f32 v31, v28;
	v28 =	vshll.u32 v30, $0x10;
	v31 =	vld.idx.msk [tilespmem:v15+s29+$0x0], $0xffff  }
0x290: {  	v33 =	vadd.f32 v48, v34;
	v24 =	vadd.f32 v63, v49;
	v18 =	vmul.f32 v18, v28;
	v28 =	vld.idx.msk [tilespmem:v14+s29+$0x0], $0xffff  }
0x291: {  	v63 =	vshll.u32 v11, $0x10;
	v17 =	vmul.f32 v17, v23;
	v14 =	vadd.f32 v32, v41;
	v32 =	vld.idx.msk [tilespmem:v13+s29+$0x0], $0xffff  }
0x292: {  	v23 =	vshll.u32 v51, $0x10;
	v15 =	vshll.u32 v37, $0x10;
	v41 =	vmul.f32 v37, v51;
	v37 =	vld.idx.msk [tilespmem:v10+s29+$0x0], $0xffff  }
0x293: {  	v42 =	vshll.u32 v59, $0x10;
	v13 =	vadd.f32 v36, v45;
	v23 =	vmul.f32 v15, v23;
	v10 =	vld.idx.msk [tilespmem:v8+s29+$0x0], $0xffff  }
0x294: {  	v34 =	vadd.f32 v60, v38;
	v8 =	vld.idx.msk [tilespmem:v4+s29+$0x0], $0xffff;
	v4 =	vshll.u32 v9, $0x10;
	v15 =	vadd.f32 v57, v46  }
0x295: {  	v36 =	vld.idx.msk [tilespmem:v12+s29+$0x0], $0xffff;
	v12 =	vshll.u32 v62, $0x10;
	v30 =	vadd.f32 v17, v40;
	v29 =	vadd.f32 v18, v39  }
0x296: {  	v38 =	vmul.f32 v62, v59;
	v17 =	vadd.f32 v23, v47;
	v23 =	vadd.f32 v54, v52  }
0x297: {  	v6 =	vld.idx.msk [tilespmem:v6+s29+$0x0], $0xffff;
	v4 =	vmul.f32 v4, v63;
	v18 =	vadd.f32 v21, v44;
	v21 =	vadd.f32 v22, v56  }
0x298: {  	v7 =	vld.idx.msk [tilespmem:v7+s29+$0x0], $0xffff;
	v22 =	vadd.f32 v41, v43;
	v41 =	vmul.f32 v12, v42;
	v51 =	vshll.u32 v27, $0x10  }
0x299: {  	v5 =	vld.idx.msk [tilespmem:v5+s29+$0x0], $0xffff;
	v55 =	vshll.u32 v31, $0x10;
	v54 =	vshll.u32 v28, $0x10;
	v57 =	vshll.u32 v32, $0x10  }
0x29a: {  	s16 =	simm.s32 $0x16F70;
	v60 =	vshll.u32 v36, $0x10;
	v61 =	vshll.u32 v37, $0x10;
	v39 =	vmul.f32 v54, v51  }
0x29b: {  	s19 =	simm.s32 $0x0;
	s20 =	simm.s32 $0x15080;
	s14 =	simm.s32 $0x16F70;
	[tilespmem:s16+$0x0] =	vst v19;
	v3 =	vld.idx.msk [tilespmem:v3+s29+$0x0], $0xffff;
	v19 =	vshll.u32 v10, $0x10;
	v40 =	vmul.f32 v57, v55;
	v12 =	vmul.f32 v61, v60  }
.LBB2_19:
0x29c: {  	v42 =	vld [tilespmem:s20+$0xFFFFF830];
	v43 =	vmul.f32 v28, v27;
	v44 =	vmul.f32 v32, v31;
	v27 =	vshll.u32 v6, $0x10  }
0x29d: {  	v36 =	vmul.f32 v37, v36;
	v31 =	vld [tilespmem:s20+$0x0];
	v32 =	vmul.f32 v27, v19;
	v19 =	vshll.u32 v7, $0x10  }
0x29e: {  	v37 =	vmul.f32 v9, v11;
	v45 =	vmul.f32 v6, v10;
	v6 =	vshll.u32 v5, $0x10;
	v28 =	vld [tilespmem:s20+$0xFFFFFFC0]  }
0x29f: {  	v47 =	vmul.f32 v5, v7;
	v46 =	vmul.f32 v6, v19;
	v5 =	vshll.u32 v8, $0x10;
	v10 =	vld [tilespmem:s20+$0xFFFFF800]  }
0x2a0: {  	s19 =	sadd.s32 $0x5, s19;
	v41 =	vadd.f32 v41, v16;
	v7 =	vshll.u32 v3, $0x10;
	v48 =	vmul.f32 v3, v8;
	v6 =	vld [tilespmem:s20+$0xFFFFFFD0]  }
0x2a1: {  	v39 =	vadd.f32 v39, v25;
	p0 =	slt.u32 s19, $0x78;
	v8 =	vmul.f32 v7, v5;
	v3 =	vld [tilespmem:s20+$0xFFFFF810];
	v19 =	vand.u32 $0xFFFF, v42  }
0x2a2: {  	v40 =	vadd.f32 v40, v14;
	v27 =	vadd.f32 v12, v13;
	v7 =	vld [tilespmem:s20+$0xFFFFFFE0];
	v25 =	vand.u32 $0xFFFF, v31  }
0x2a3: {  	v42 =	vshrl.u32 v42, $0x10;
	v13 =	vshrl.u32 v28, $0x10;
	v16 =	vand.u32 $0xFFFF, v28;
	v49 =	vld [tilespmem:s20+$0xFFFFF820]  }
0x2a4: {  	v28 =	vadd.f32 v4, v15;
	v9 =	vshrl.u32 v10, $0x10;
	v14 =	vand.u32 $0xFFFF, v10;
	v50 =	vld [tilespmem:s20+$0xFFFFFFF0]  }
0x2a5: {  	v52 =	vshrl.u32 v31, $0x10;
	v51 =	vld [tilespmem:s20+$0xFFFFF7F0];
	v11 =	vshrl.u32 v6, $0x10;
	v15 =	vand.u32 $0xFFFF, v6  }
0x2a6: {  	v29 =	vadd.f32 v32, v29;
	v5 =	vshrl.u32 v3, $0x10;
	v12 =	vand.u32 $0xFFFF, v3;
	v53 =	vld.idx.msk [tilespmem:v19+s29+$0x0], $0xffff  }
0x2a7: {  	v32 =	vadd.f32 v46, v30;
	v6 =	vshrl.u32 v7, $0x10;
	v10 =	vand.u32 $0xFFFF, v7;
	v54 =	vld.idx.msk [tilespmem:v25+s29+$0x0], $0xffff  }
0x2a8: {  	v31 =	vadd.f32 v8, v17;
	v3 =	vshrl.u32 v49, $0x10;
	v7 =	vand.u32 $0xFFFF, v49;
	v46 =	vld.idx.msk [tilespmem:v42+s29+$0x0], $0xffff  }
0x2a9: {  	v30 =	vadd.f32 v2, v18;
	v4 =	vshrl.u32 v50, $0x10;
	v8 =	vand.u32 $0xFFFF, v50;
	v49 =	vld.idx.msk [tilespmem:v42+s4+$0x0], $0xffff  }
0x2aa: {  	v23 =	vadd.f32 v38, v23;
	v17 =	vshrl.u32 v51, $0x10;
	v18 =	vand.u32 $0xFFFF, v51;
	v50 =	vld.idx.msk [tilespmem:v52+s4+$0x0], $0xffff  }
0x2ab: {  	v43 =	vadd.f32 v43, v35;
	v26 =	vadd.f32 v44, v26;
	v51 =	vld.idx.msk [tilespmem:v42+s22+$0x0], $0xffff  }
0x2ac: {  	v38 =	vadd.f32 v36, v33;
	v37 =	vadd.f32 v37, v34;
	v2 =	vshll.u32 v53, $0x10;
	v44 =	vld.idx.msk [tilespmem:v52+s22+$0x0], $0xffff  }
0x2ad: {  	v36 =	vadd.f32 v45, v24;
	v33 =	vshll.u32 v54, $0x10;
	v53 =	vmul.f32 v54, v53;
	v55 =	vld.idx.msk [tilespmem:v42+s23+$0x0], $0xffff  }
0x2ae: {  	v35 =	vadd.f32 v47, v21;
	v34 =	vadd.f32 v48, v22;
	v2 =	vmul.f32 v33, v2;
	v24 =	vld.idx.msk [tilespmem:v52+s23+$0x0], $0xffff  }
0x2af: {  	v22 =	vadd.f32 v41, v23;
	v33 =	vadd.f32 v1, v20;
	v1 =	vmov v53;
	v21 =	vld.idx.msk [tilespmem:v42+s24+$0x0], $0xffff  }
0x2b0: {  	v39 =	vadd.f32 v39, v43;
	v20 =	vshll.u32 v49, $0x10;
	v23 =	vshll.u32 v50, $0x10;
	v41 =	vld.idx.msk [tilespmem:v52+s24+$0x0], $0xffff  }
0x2b1: {  	v26 =	vadd.f32 v40, v26;
	v20 =	vmul.f32 v23, v20;
	v23 =	vmul.f32 v50, v49;
	v43 =	vld.idx.msk [tilespmem:v42+s25+$0x0], $0xffff  }
0x2b2: {  	v40 =	vshll.u32 v51, $0x10;
	v45 =	vshll.u32 v44, $0x10;
	v44 =	vmul.f32 v44, v51;
	v47 =	vld.idx.msk [tilespmem:v52+s25+$0x0], $0xffff;
	[tilespmem:s16+$0xFFFFF7F0] =	vst v22  }
0x2b3: {  	v20 =	vadd.f32 $0.0e+00, v20;
	v22 =	vadd.f32 $0.0e+00, v23;
	v23 =	vmul.f32 v45, v40;
	v40 =	vld.idx.msk [tilespmem:v42+s26+$0x0], $0xffff;
	[tilespmem:s16+$0xFFFFFFC0] =	vst v39  }
0x2b4: {  	v39 =	vshll.u32 v55, $0x10;
	v45 =	vshll.u32 v24, $0x10;
	v24 =	vmul.f32 v24, v55;
	v48 =	vld.idx.msk [tilespmem:v52+s26+$0x0], $0xffff;
	[tilespmem:s16+$0xFFFFF800] =	vst v26  }
0x2b5: {  	v20 =	vadd.f32 v23, v20;
	v22 =	vadd.f32 v44, v22;
	v23 =	vmul.f32 v45, v39;
	v26 =	vld.idx.msk [tilespmem:v42+s28+$0x0], $0xffff  }
0x2b6: {  	v39 =	vshll.u32 v21, $0x10;
	v42 =	vshll.u32 v41, $0x10;
	v21 =	vmul.f32 v41, v21;
	v41 =	vld.idx.msk [tilespmem:v52+s28+$0x0], $0xffff  }
0x2b7: {  	v20 =	vadd.f32 v23, v20;
	v22 =	vadd.f32 v24, v22;
	v23 =	vmul.f32 v42, v39;
	v24 =	vld.idx.msk [tilespmem:v52+s29+$0x0], $0xffff  }
0x2b8: {  	v39 =	vshll.u32 v43, $0x10;
	v42 =	vshll.u32 v47, $0x10;
	v43 =	vmul.f32 v47, v43;
	v44 =	vld.idx.msk [tilespmem:v19+s28+$0x0], $0xffff  }
0x2b9: {  	v20 =	vadd.f32 v23, v20;
	v21 =	vadd.f32 v21, v22;
	v22 =	vmul.f32 v42, v39;
	v39 =	vld.idx.msk [tilespmem:v25+s28+$0x0], $0xffff  }
0x2ba: {  	v42 =	vshll.u32 v40, $0x10;
	v45 =	vshll.u32 v48, $0x10;
	v40 =	vmul.f32 v48, v40;
	v23 =	vld.idx.msk [tilespmem:v19+s26+$0x0], $0xffff  }
0x2bb: {  	v20 =	vadd.f32 v22, v20;
	v21 =	vadd.f32 v43, v21;
	v22 =	vmul.f32 v45, v42;
	v43 =	vld.idx.msk [tilespmem:v25+s26+$0x0], $0xffff  }
0x2bc: {  	v45 =	vshll.u32 v26, $0x10;
	v47 =	vshll.u32 v41, $0x10;
	v26 =	vmul.f32 v41, v26;
	v42 =	vld.idx.msk [tilespmem:v19+s25+$0x0], $0xffff  }
0x2bd: {  	v20 =	vadd.f32 v22, v20;
	v21 =	vadd.f32 v40, v21;
	v22 =	vmul.f32 v47, v45;
	v41 =	vld.idx.msk [tilespmem:v25+s25+$0x0], $0xffff  }
0x2be: {  	v45 =	vshll.u32 v46, $0x10;
	v47 =	vshll.u32 v24, $0x10;
	v24 =	vmul.f32 v24, v46;
	v40 =	vld.idx.msk [tilespmem:v19+s24+$0x0], $0xffff  }
0x2bf: {  	v20 =	vadd.f32 v22, v20;
	v21 =	vadd.f32 v26, v21;
	v22 =	vmul.f32 v47, v45;
	v46 =	vld.idx.msk [tilespmem:v25+s24+$0x0], $0xffff  }
0x2c0: {  	v47 =	vshll.u32 v44, $0x10;
	v48 =	vshll.u32 v39, $0x10;
	v26 =	vshll.u32 v23, $0x10;
	v45 =	vld.idx.msk [tilespmem:v19+s23+$0x0], $0xffff  }
0x2c1: {  	v50 =	vshll.u32 v43, $0x10;
	v20 =	vadd.f32 v22, v20;
	v24 =	vadd.f32 v24, v21;
	v49 =	vld.idx.msk [tilespmem:v25+s23+$0x0], $0xffff  }
0x2c2: {  	v21 =	vmul.f32 v43, v23;
	v52 =	vshll.u32 v42, $0x10;
	v22 =	vmul.f32 v50, v26;
	v51 =	vld.idx.msk [tilespmem:v19+s22+$0x0], $0xffff  }
0x2c3: {  	v26 =	vshll.u32 v41, $0x10;
	v23 =	vmul.f32 v41, v42;
	v41 =	vadd.f32 v20, v24;
	v43 =	vld.idx.msk [tilespmem:v25+s22+$0x0], $0xffff  }
0x2c4: {  	s16 =	sadd.s32 $0x50, s16;
	v20 =	vmul.f32 v48, v47;
	v50 =	vshll.u32 v40, $0x10;
	v24 =	vmul.f32 v26, v52;
	v42 =	vld.idx.msk [tilespmem:v19+s4+$0x0], $0xffff  }
0x2c5: {  	v26 =	vshll.u32 v46, $0x10;
	v19 =	vmul.f32 v39, v44;
	v47 =	vld.idx.msk [tilespmem:v25+s4+$0x0], $0xffff;
	v25 =	vmul.f32 v46, v40;
	[tilespmem:s16+$0x0] =	vst v41  }
0x2c6: {  	v38 =	vadd.f32 v27, v38;
	v40 =	vshll.u32 v45, $0x10;
	v26 =	vmul.f32 v26, v50;
	v39 =	vld.idx.msk [tilespmem:v18+s4+$0x0], $0xffff  }
0x2c7: {  	v37 =	vadd.f32 v28, v37;
	v44 =	vshll.u32 v49, $0x10;
	v27 =	vmul.f32 v49, v45;
	v41 =	vld.idx.msk [tilespmem:v16+s4+$0x0], $0xffff  }
0x2c8: {  	v36 =	vadd.f32 v29, v36;
	v46 =	vshll.u32 v51, $0x10;
	v28 =	vmul.f32 v44, v40;
	v45 =	vld.idx.msk [tilespmem:v17+s4+$0x0], $0xffff;
	[tilespmem:s14+$0xFFFFFFD0] =	vst v38  }
0x2c9: {  	v32 =	vadd.f32 v32, v35;
	v40 =	vshll.u32 v43, $0x10;
	v29 =	vmul.f32 v43, v51;
	v38 =	vld.idx.msk [tilespmem:v13+s4+$0x0], $0xffff;
	[tilespmem:s14+$0xFFFFF810] =	vst v37  }
0x2ca: {  	v31 =	vadd.f32 v31, v34;
	v37 =	vshll.u32 v42, $0x10;
	v40 =	vmul.f32 v40, v46;
	v35 =	vld.idx.msk [tilespmem:v14+s4+$0x0], $0xffff;
	[tilespmem:s14+$0xFFFFFFE0] =	vst v36  }
0x2cb: {  	v36 =	vshll.u32 v47, $0x10;
	v42 =	vmul.f32 v47, v42;
	v34 =	vld.idx.msk [tilespmem:v15+s4+$0x0], $0xffff;
	[tilespmem:s14+$0xFFFFF820] =	vst v32;
	v32 =	vadd.f32 v30, v33  }
0x2cc: {  	v33 =	vshll.u32 v39, $0x10;
	v36 =	vmul.f32 v36, v37;
	v43 =	vld.idx.msk [tilespmem:v9+s4+$0x0], $0xffff;
	[tilespmem:s14+$0xFFFFFFF0] =	vst v31  }
0x2cd: {  	v31 =	vshll.u32 v41, $0x10;
	v37 =	vmul.f32 v41, v39;
	v30 =	vadd.f32 $0.0e+00, v42;
	v39 =	vld.idx.msk [tilespmem:v11+s4+$0x0], $0xffff;
	[tilespmem:s14+$0xFFFFF830] =	vst v32;
	s14 =	smov.u32 s16  }
0x2ce: {  	v31 =	vmul.f32 v31, v33;
	v32 =	vshll.u32 v45, $0x10;
	v36 =	vadd.f32 $0.0e+00, v36;
	v33 =	vld.idx.msk [tilespmem:v12+s4+$0x0], $0xffff  }
0x2cf: {  	v37 =	vadd.f32 $0.0e+00, v37;
	v41 =	vshll.u32 v38, $0x10;
	v38 =	vmul.f32 v38, v45;
	v42 =	vld.idx.msk [tilespmem:v10+s4+$0x0], $0xffff  }
0x2d0: {  	v31 =	vadd.f32 $0.0e+00, v31;
	v32 =	vmul.f32 v41, v32;
	v41 =	vshll.u32 v35, $0x10;
	v44 =	vld.idx.msk [tilespmem:v5+s4+$0x0], $0xffff  }
0x2d1: {  	v38 =	vadd.f32 $0.0e+00, v38;
	v45 =	vshll.u32 v34, $0x10;
	v34 =	vmul.f32 v34, v35;
	v35 =	vld.idx.msk [tilespmem:v6+s4+$0x0], $0xffff  }
0x2d2: {  	v32 =	vadd.f32 $0.0e+00, v32;
	v41 =	vmul.f32 v45, v41;
	v45 =	vshll.u32 v43, $0x10;
	v46 =	vld.idx.msk [tilespmem:v7+s4+$0x0], $0xffff  }
0x2d3: {  	v34 =	vadd.f32 $0.0e+00, v34;
	v47 =	vshll.u32 v39, $0x10;
	v39 =	vmul.f32 v39, v43;
	v43 =	vld.idx.msk [tilespmem:v8+s4+$0x0], $0xffff  }
0x2d4: {  	v41 =	vadd.f32 $0.0e+00, v41;
	v45 =	vmul.f32 v47, v45;
	v47 =	vshll.u32 v33, $0x10;
	v48 =	vld.idx.msk [tilespmem:v3+s4+$0x0], $0xffff  }
0x2d5: {  	v39 =	vadd.f32 $0.0e+00, v39;
	v49 =	vshll.u32 v42, $0x10;
	v33 =	vmul.f32 v42, v33;
	v42 =	vld.idx.msk [tilespmem:v4+s4+$0x0], $0xffff  }
0x2d6: {  	v45 =	vadd.f32 $0.0e+00, v45;
	v47 =	vmul.f32 v49, v47;
	v49 =	vshll.u32 v44, $0x10;
	v50 =	vld.idx.msk [tilespmem:v18+s22+$0x0], $0xffff  }
0x2d7: {  	v33 =	vadd.f32 $0.0e+00, v33;
	v52 =	vshll.u32 v35, $0x10;
	v35 =	vmul.f32 v35, v44;
	v51 =	vld.idx.msk [tilespmem:v16+s22+$0x0], $0xffff  }
0x2d8: {  	v47 =	vadd.f32 $0.0e+00, v47;
	v49 =	vmul.f32 v52, v49;
	v52 =	vshll.u32 v46, $0x10;
	v44 =	vld.idx.msk [tilespmem:v17+s22+$0x0], $0xffff  }
0x2d9: {  	v35 =	vadd.f32 $0.0e+00, v35;
	v54 =	vshll.u32 v43, $0x10;
	v43 =	vmul.f32 v43, v46;
	v53 =	vld.idx.msk [tilespmem:v13+s22+$0x0], $0xffff  }
0x2da: {  	v49 =	vadd.f32 $0.0e+00, v49;
	v52 =	vmul.f32 v54, v52;
	v54 =	vshll.u32 v48, $0x10;
	v46 =	vld.idx.msk [tilespmem:v14+s22+$0x0], $0xffff  }
0x2db: {  	v43 =	vadd.f32 $0.0e+00, v43;
	v56 =	vshll.u32 v42, $0x10;
	v42 =	vmul.f32 v42, v48;
	v55 =	vld.idx.msk [tilespmem:v15+s22+$0x0], $0xffff  }
0x2dc: {  	v48 =	vshll.u32 v50, $0x10;
	v52 =	vadd.f32 $0.0e+00, v52;
	v54 =	vmul.f32 v56, v54;
	v57 =	vld.idx.msk [tilespmem:v9+s22+$0x0], $0xffff  }
0x2dd: {  	v56 =	vshll.u32 v51, $0x10;
	v50 =	vmul.f32 v51, v50;
	v42 =	vadd.f32 $0.0e+00, v42;
	v51 =	vld.idx.msk [tilespmem:v11+s22+$0x0], $0xffff  }
0x2de: {  	v48 =	vmul.f32 v56, v48;
	v56 =	vshll.u32 v44, $0x10;
	v54 =	vadd.f32 $0.0e+00, v54;
	v58 =	vld.idx.msk [tilespmem:v12+s22+$0x0], $0xffff  }
0x2df: {  	v36 =	vadd.f32 v40, v36;
	v59 =	vshll.u32 v53, $0x10;
	v44 =	vmul.f32 v53, v44;
	v53 =	vld.idx.msk [tilespmem:v10+s22+$0x0], $0xffff  }
0x2e0: {  	v31 =	vadd.f32 v48, v31;
	v40 =	vmul.f32 v59, v56;
	v48 =	vshll.u32 v46, $0x10;
	v56 =	vld.idx.msk [tilespmem:v5+s22+$0x0], $0xffff  }
0x2e1: {  	v37 =	vadd.f32 v50, v37;
	v50 =	vshll.u32 v55, $0x10;
	v46 =	vmul.f32 v55, v46;
	v55 =	vld.idx.msk [tilespmem:v6+s22+$0x0], $0xffff  }
0x2e2: {  	v32 =	vadd.f32 v40, v32;
	v40 =	vmul.f32 v50, v48;
	v48 =	vshll.u32 v57, $0x10;
	v50 =	vld.idx.msk [tilespmem:v7+s22+$0x0], $0xffff  }
0x2e3: {  	v38 =	vadd.f32 v44, v38;
	v44 =	vshll.u32 v51, $0x10;
	v51 =	vmul.f32 v51, v57;
	v57 =	vld.idx.msk [tilespmem:v8+s22+$0x0], $0xffff  }
0x2e4: {  	v40 =	vadd.f32 v40, v41;
	v41 =	vmul.f32 v44, v48;
	v44 =	vshll.u32 v58, $0x10;
	v48 =	vld.idx.msk [tilespmem:v3+s22+$0x0], $0xffff  }
0x2e5: {  	v34 =	vadd.f32 v46, v34;
	v46 =	vshll.u32 v53, $0x10;
	v53 =	vmul.f32 v53, v58;
	v58 =	vld.idx.msk [tilespmem:v4+s22+$0x0], $0xffff  }
0x2e6: {  	v41 =	vadd.f32 v41, v45;
	v44 =	vmul.f32 v46, v44;
	v45 =	vshll.u32 v56, $0x10;
	v59 =	vld.idx.msk [tilespmem:v18+s23+$0x0], $0xffff  }
0x2e7: {  	v39 =	vadd.f32 v51, v39;
	v51 =	vshll.u32 v55, $0x10;
	v55 =	vmul.f32 v55, v56;
	v46 =	vld.idx.msk [tilespmem:v16+s23+$0x0], $0xffff  }
0x2e8: {  	v44 =	vadd.f32 v44, v47;
	v45 =	vmul.f32 v51, v45;
	v47 =	vshll.u32 v50, $0x10;
	v56 =	vld.idx.msk [tilespmem:v17+s23+$0x0], $0xffff  }
0x2e9: {  	v33 =	vadd.f32 v53, v33;
	v53 =	vshll.u32 v57, $0x10;
	v50 =	vmul.f32 v57, v50;
	v51 =	vld.idx.msk [tilespmem:v13+s23+$0x0], $0xffff  }
0x2ea: {  	v45 =	vadd.f32 v45, v49;
	v47 =	vmul.f32 v53, v47;
	v49 =	vshll.u32 v48, $0x10;
	v57 =	vld.idx.msk [tilespmem:v14+s23+$0x0], $0xffff  }
0x2eb: {  	v35 =	vadd.f32 v55, v35;
	v55 =	vshll.u32 v58, $0x10;
	v48 =	vmul.f32 v58, v48;
	v53 =	vld.idx.msk [tilespmem:v15+s23+$0x0], $0xffff  }
0x2ec: {  	v58 =	vshll.u32 v59, $0x10;
	v47 =	vadd.f32 v47, v52;
	v49 =	vmul.f32 v55, v49;
	v60 =	vld.idx.msk [tilespmem:v9+s23+$0x0], $0xffff  }
0x2ed: {  	v43 =	vadd.f32 v50, v43;
	v52 =	vshll.u32 v46, $0x10;
	v42 =	vadd.f32 v48, v42;
	v55 =	vld.idx.msk [tilespmem:v11+s23+$0x0], $0xffff  }
0x2ee: {  	v29 =	vadd.f32 v29, v30;
	v48 =	vshll.u32 v56, $0x10;
	v49 =	vadd.f32 v49, v54;
	v50 =	vld.idx.msk [tilespmem:v12+s23+$0x0], $0xffff  }
0x2ef: {  	v46 =	vmul.f32 v46, v59;
	v30 =	vmul.f32 v52, v58;
	v52 =	vshll.u32 v51, $0x10;
	v54 =	vld.idx.msk [tilespmem:v10+s23+$0x0], $0xffff  }
0x2f0: {  	v51 =	vmul.f32 v51, v56;
	v48 =	vmul.f32 v52, v48;
	v52 =	vshll.u32 v57, $0x10;
	v56 =	vld.idx.msk [tilespmem:v5+s23+$0x0], $0xffff  }
0x2f1: {  	v30 =	vadd.f32 v30, v31;
	v31 =	vshll.u32 v53, $0x10;
	v53 =	vmul.f32 v53, v57;
	v57 =	vld.idx.msk [tilespmem:v6+s23+$0x0], $0xffff  }
0x2f2: {  	v32 =	vadd.f32 v48, v32;
	v31 =	vmul.f32 v31, v52;
	v48 =	vshll.u32 v60, $0x10;
	v52 =	vld.idx.msk [tilespmem:v7+s23+$0x0], $0xffff  }
0x2f3: {  	v28 =	vadd.f32 v28, v36;
	v58 =	vshll.u32 v55, $0x10;
	v55 =	vmul.f32 v55, v60;
	v59 =	vld.idx.msk [tilespmem:v8+s23+$0x0], $0xffff  }
0x2f4: {  	v31 =	vadd.f32 v31, v40;
	v36 =	vmul.f32 v58, v48;
	v40 =	vshll.u32 v50, $0x10;
	v48 =	vld.idx.msk [tilespmem:v3+s23+$0x0], $0xffff  }
0x2f5: {  	v37 =	vadd.f32 v46, v37;
	v46 =	vshll.u32 v54, $0x10;
	v50 =	vmul.f32 v54, v50;
	v54 =	vld.idx.msk [tilespmem:v4+s23+$0x0], $0xffff  }
0x2f6: {  	v36 =	vadd.f32 v36, v41;
	v40 =	vmul.f32 v46, v40;
	v41 =	vshll.u32 v56, $0x10;
	v58 =	vld.idx.msk [tilespmem:v18+s24+$0x0], $0xffff  }
0x2f7: {  	v38 =	vadd.f32 v51, v38;
	v51 =	vshll.u32 v57, $0x10;
	v56 =	vmul.f32 v57, v56;
	v46 =	vld.idx.msk [tilespmem:v16+s24+$0x0], $0xffff  }
0x2f8: {  	v40 =	vadd.f32 v40, v44;
	v41 =	vmul.f32 v51, v41;
	v44 =	vshll.u32 v52, $0x10;
	v57 =	vld.idx.msk [tilespmem:v17+s24+$0x0], $0xffff  }
0x2f9: {  	v34 =	vadd.f32 v53, v34;
	v53 =	vshll.u32 v59, $0x10;
	v52 =	vmul.f32 v59, v52;
	v51 =	vld.idx.msk [tilespmem:v13+s24+$0x0], $0xffff  }
0x2fa: {  	v41 =	vadd.f32 v41, v45;
	v44 =	vmul.f32 v53, v44;
	v45 =	vshll.u32 v48, $0x10;
	v59 =	vld.idx.msk [tilespmem:v14+s24+$0x0], $0xffff  }
0x2fb: {  	v39 =	vadd.f32 v55, v39;
	v55 =	vshll.u32 v54, $0x10;
	v48 =	vmul.f32 v54, v48;
	v53 =	vld.idx.msk [tilespmem:v15+s24+$0x0], $0xffff  }
0x2fc: {  	v54 =	vshll.u32 v58, $0x10;
	v44 =	vadd.f32 v44, v47;
	v45 =	vmul.f32 v55, v45;
	v60 =	vld.idx.msk [tilespmem:v9+s24+$0x0], $0xffff  }
0x2fd: {  	v33 =	vadd.f32 v50, v33;
	v35 =	vadd.f32 v56, v35;
	v47 =	vshll.u32 v46, $0x10;
	v55 =	vld.idx.msk [tilespmem:v11+s24+$0x0], $0xffff  }
0x2fe: {  	v43 =	vadd.f32 v52, v43;
	v50 =	vshll.u32 v57, $0x10;
	v45 =	vadd.f32 v45, v49;
	v56 =	vld.idx.msk [tilespmem:v12+s24+$0x0], $0xffff  }
0x2ff: {  	v27 =	vadd.f32 v27, v29;
	v42 =	vadd.f32 v48, v42;
	v49 =	vshll.u32 v51, $0x10;
	v52 =	vld.idx.msk [tilespmem:v10+s24+$0x0], $0xffff  }
0x300: {  	v29 =	vmul.f32 v47, v54;
	v47 =	vmul.f32 v49, v50;
	v48 =	vshll.u32 v59, $0x10;
	v49 =	vld.idx.msk [tilespmem:v5+s24+$0x0], $0xffff  }
0x301: {  	v46 =	vmul.f32 v46, v58;
	v50 =	vmul.f32 v51, v57;
	v51 =	vshll.u32 v53, $0x10;
	v54 =	vld.idx.msk [tilespmem:v6+s24+$0x0], $0xffff  }
0x302: {  	v48 =	vmul.f32 v51, v48;
	v51 =	vmul.f32 v53, v59;
	v53 =	vshll.u32 v60, $0x10;
	v57 =	vld.idx.msk [tilespmem:v7+s24+$0x0], $0xffff  }
0x303: {  	v29 =	vadd.f32 v29, v30;
	v30 =	vshll.u32 v55, $0x10;
	v55 =	vmul.f32 v55, v60;
	v58 =	vld.idx.msk [tilespmem:v8+s24+$0x0], $0xffff  }
0x304: {  	v32 =	vadd.f32 v47, v32;
	v30 =	vmul.f32 v30, v53;
	v47 =	vshll.u32 v56, $0x10;
	v53 =	vld.idx.msk [tilespmem:v3+s24+$0x0], $0xffff  }
0x305: {  	v31 =	vadd.f32 v48, v31;
	v48 =	vshll.u32 v52, $0x10;
	v52 =	vmul.f32 v52, v56;
	v56 =	vld.idx.msk [tilespmem:v4+s24+$0x0], $0xffff  }
0x306: {  	v30 =	vadd.f32 v30, v36;
	v36 =	vmul.f32 v48, v47;
	v47 =	vshll.u32 v49, $0x10;
	v59 =	vld.idx.msk [tilespmem:v18+s25+$0x0], $0xffff  }
0x307: {  	v26 =	vadd.f32 v26, v28;
	v60 =	vshll.u32 v54, $0x10;
	v49 =	vmul.f32 v54, v49;
	v48 =	vld.idx.msk [tilespmem:v16+s25+$0x0], $0xffff  }
0x308: {  	v36 =	vadd.f32 v36, v40;
	v40 =	vmul.f32 v60, v47;
	v47 =	vshll.u32 v57, $0x10;
	v28 =	vld.idx.msk [tilespmem:v17+s25+$0x0], $0xffff  }
0x309: {  	v37 =	vadd.f32 v46, v37;
	v54 =	vshll.u32 v58, $0x10;
	v57 =	vmul.f32 v58, v57;
	v46 =	vld.idx.msk [tilespmem:v13+s25+$0x0], $0xffff  }
0x30a: {  	v40 =	vadd.f32 v40, v41;
	v41 =	vmul.f32 v54, v47;
	v47 =	vshll.u32 v53, $0x10;
	v58 =	vld.idx.msk [tilespmem:v14+s25+$0x0], $0xffff  }
0x30b: {  	v38 =	vadd.f32 v50, v38;
	v54 =	vshll.u32 v56, $0x10;
	v53 =	vmul.f32 v56, v53;
	v50 =	vld.idx.msk [tilespmem:v15+s25+$0x0], $0xffff  }
0x30c: {  	v56 =	vshll.u32 v59, $0x10;
	v41 =	vadd.f32 v41, v44;
	v44 =	vmul.f32 v54, v47;
	v60 =	vld.idx.msk [tilespmem:v9+s25+$0x0], $0xffff  }
0x30d: {  	v34 =	vadd.f32 v51, v34;
	v39 =	vadd.f32 v55, v39;
	v47 =	vshll.u32 v48, $0x10;
	v51 =	vld.idx.msk [tilespmem:v11+s25+$0x0], $0xffff  }
0x30e: {  	v33 =	vadd.f32 v52, v33;
	v54 =	vshll.u32 v28, $0x10;
	v44 =	vadd.f32 v44, v45;
	v52 =	vld.idx.msk [tilespmem:v12+s25+$0x0], $0xffff  }
0x30f: {  	v35 =	vadd.f32 v49, v35;
	v43 =	vadd.f32 v57, v43;
	v45 =	vshll.u32 v46, $0x10;
	v49 =	vld.idx.msk [tilespmem:v10+s25+$0x0], $0xffff  }
0x310: {  	v25 =	vadd.f32 v25, v27;
	v42 =	vadd.f32 v53, v42;
	v55 =	vshll.u32 v58, $0x10;
	v57 =	vld.idx.msk [tilespmem:v5+s25+$0x0], $0xffff  }
0x311: {  	v27 =	vmul.f32 v47, v56;
	v45 =	vmul.f32 v45, v54;
	v47 =	vshll.u32 v50, $0x10;
	v53 =	vld.idx.msk [tilespmem:v6+s25+$0x0], $0xffff  }
0x312: {  	v48 =	vmul.f32 v48, v59;
	v47 =	vmul.f32 v47, v55;
	v54 =	vshll.u32 v60, $0x10;
	v55 =	vld.idx.msk [tilespmem:v7+s25+$0x0], $0xffff  }
0x313: {  	v28 =	vmul.f32 v46, v28;
	v46 =	vmul.f32 v50, v58;
	v50 =	vshll.u32 v51, $0x10;
	v56 =	vld.idx.msk [tilespmem:v8+s25+$0x0], $0xffff  }
0x314: {  	v51 =	vmul.f32 v51, v60;
	v50 =	vmul.f32 v50, v54;
	v54 =	vshll.u32 v52, $0x10;
	v58 =	vld.idx.msk [tilespmem:v3+s25+$0x0], $0xffff  }
0x315: {  	v27 =	vadd.f32 v27, v29;
	v29 =	vshll.u32 v49, $0x10;
	v49 =	vmul.f32 v49, v52;
	v52 =	vld.idx.msk [tilespmem:v4+s25+$0x0], $0xffff  }
0x316: {  	v32 =	vadd.f32 v45, v32;
	v29 =	vmul.f32 v29, v54;
	v54 =	vshll.u32 v57, $0x10;
	v45 =	vld.idx.msk [tilespmem:v18+s26+$0x0], $0xffff  }
0x317: {  	v31 =	vadd.f32 v47, v31;
	v47 =	vshll.u32 v53, $0x10;
	v53 =	vmul.f32 v53, v57;
	v59 =	vld.idx.msk [tilespmem:v16+s26+$0x0], $0xffff  }
0x318: {  	v30 =	vadd.f32 v50, v30;
	v47 =	vmul.f32 v47, v54;
	v50 =	vshll.u32 v55, $0x10;
	v57 =	vld.idx.msk [tilespmem:v17+s26+$0x0], $0xffff  }
0x319: {  	v29 =	vadd.f32 v29, v36;
	v36 =	vshll.u32 v56, $0x10;
	v55 =	vmul.f32 v56, v55;
	v54 =	vld.idx.msk [tilespmem:v13+s26+$0x0], $0xffff  }
0x31a: {  	v40 =	vadd.f32 v47, v40;
	v36 =	vmul.f32 v36, v50;
	v47 =	vshll.u32 v58, $0x10;
	v56 =	vld.idx.msk [tilespmem:v14+s26+$0x0], $0xffff  }
0x31b: {  	v24 =	vadd.f32 v24, v26;
	v60 =	vshll.u32 v52, $0x10;
	v52 =	vmul.f32 v52, v58;
	v50 =	vld.idx.msk [tilespmem:v15+s26+$0x0], $0xffff  }
0x31c: {  	v26 =	vshll.u32 v45, $0x10;
	v36 =	vadd.f32 v36, v41;
	v41 =	vmul.f32 v60, v47;
	v58 =	vld.idx.msk [tilespmem:v9+s26+$0x0], $0xffff  }
0x31d: {  	v37 =	vadd.f32 v48, v37;
	v28 =	vadd.f32 v28, v38;
	v38 =	vshll.u32 v59, $0x10;
	v47 =	vld.idx.msk [tilespmem:v11+s26+$0x0], $0xffff  }
0x31e: {  	v34 =	vadd.f32 v46, v34;
	v48 =	vshll.u32 v57, $0x10;
	v41 =	vadd.f32 v41, v44;
	v46 =	vld.idx.msk [tilespmem:v12+s26+$0x0], $0xffff  }
0x31f: {  	v39 =	vadd.f32 v51, v39;
	v33 =	vadd.f32 v49, v33;
	v44 =	vshll.u32 v54, $0x10;
	v49 =	vld.idx.msk [tilespmem:v10+s26+$0x0], $0xffff  }
0x320: {  	v35 =	vadd.f32 v53, v35;
	v43 =	vadd.f32 v55, v43;
	v51 =	vshll.u32 v56, $0x10;
	v53 =	vld.idx.msk [tilespmem:v5+s26+$0x0], $0xffff  }
0x321: {  	v23 =	vadd.f32 v23, v25;
	v42 =	vadd.f32 v52, v42;
	v55 =	vshll.u32 v50, $0x10;
	v60 =	vld.idx.msk [tilespmem:v6+s26+$0x0], $0xffff  }
0x322: {  	v25 =	vmul.f32 v38, v26;
	v26 =	vmul.f32 v44, v48;
	v38 =	vshll.u32 v58, $0x10;
	v44 =	vld.idx.msk [tilespmem:v7+s26+$0x0], $0xffff  }
0x323: {  	v45 =	vmul.f32 v59, v45;
	v48 =	vmul.f32 v55, v51;
	v51 =	vshll.u32 v47, $0x10;
	v52 =	vld.idx.msk [tilespmem:v8+s26+$0x0], $0xffff  }
0x324: {  	v54 =	vmul.f32 v54, v57;
	v38 =	vmul.f32 v51, v38;
	v51 =	vshll.u32 v46, $0x10;
	v55 =	vld.idx.msk [tilespmem:v3+s26+$0x0], $0xffff  }
0x325: {  	v50 =	vmul.f32 v50, v56;
	v47 =	vmul.f32 v47, v58;
	v56 =	vshll.u32 v49, $0x10;
	v57 =	vld.idx.msk [tilespmem:v4+s26+$0x0], $0xffff  }
0x326: {  	v46 =	vmul.f32 v49, v46;
	v51 =	vmul.f32 v56, v51;
	v49 =	vshll.u32 v53, $0x10;
	v58 =	vld.idx.msk [tilespmem:v18+s28+$0x0], $0xffff  }
0x327: {  	v25 =	vadd.f32 v25, v27;
	v56 =	vshll.u32 v60, $0x10;
	v53 =	vmul.f32 v60, v53;
	v27 =	vld.idx.msk [tilespmem:v16+s28+$0x0], $0xffff  }
0x328: {  	v26 =	vadd.f32 v26, v32;
	v49 =	vmul.f32 v56, v49;
	v56 =	vshll.u32 v44, $0x10;
	v32 =	vld.idx.msk [tilespmem:v17+s28+$0x0], $0xffff  }
0x329: {  	v48 =	vadd.f32 v48, v31;
	v31 =	vshll.u32 v52, $0x10;
	v44 =	vmul.f32 v52, v44;
	v59 =	vld.idx.msk [tilespmem:v13+s28+$0x0], $0xffff  }
0x32a: {  	v30 =	vadd.f32 v38, v30;
	v31 =	vmul.f32 v31, v56;
	v52 =	vshll.u32 v55, $0x10;
	v38 =	vld.idx.msk [tilespmem:v14+s28+$0x0], $0xffff  }
0x32b: {  	v29 =	vadd.f32 v51, v29;
	v51 =	vshll.u32 v57, $0x10;
	v55 =	vmul.f32 v57, v55;
	v56 =	vld.idx.msk [tilespmem:v15+s28+$0x0], $0xffff  }
0x32c: {  	v40 =	vadd.f32 v49, v40;
	v57 =	vshll.u32 v58, $0x10;
	v49 =	vmul.f32 v51, v52;
	v60 =	vld.idx.msk [tilespmem:v9+s28+$0x0], $0xffff  }
0x32d: {  	v22 =	vadd.f32 v22, v24;
	v61 =	vadd.f32 v31, v36;
	v51 =	vshll.u32 v27, $0x10;
	v52 =	vld.idx.msk [tilespmem:v11+s28+$0x0], $0xffff  }
0x32e: {  	v24 =	vadd.f32 v45, v37;
	v31 =	vshll.u32 v32, $0x10;
	v41 =	vadd.f32 v49, v41;
	v36 =	vld.idx.msk [tilespmem:v12+s28+$0x0], $0xffff  }
0x32f: {  	v45 =	vadd.f32 v54, v28;
	v34 =	vadd.f32 v50, v34;
	v28 =	vshll.u32 v59, $0x10;
	v37 =	vld.idx.msk [tilespmem:v10+s28+$0x0], $0xffff  }
0x330: {  	v39 =	vadd.f32 v47, v39;
	v46 =	vadd.f32 v46, v33;
	v47 =	vshll.u32 v38, $0x10;
	v33 =	vld.idx.msk [tilespmem:v5+s28+$0x0], $0xffff  }
0x331: {  	v50 =	vadd.f32 v53, v35;
	v43 =	vadd.f32 v44, v43;
	v49 =	vshll.u32 v56, $0x10;
	v35 =	vld.idx.msk [tilespmem:v6+s28+$0x0], $0xffff  }
0x332: {  	v54 =	vadd.f32 v21, v23;
	v42 =	vadd.f32 v55, v42;
	v44 =	vshll.u32 v60, $0x10;
	v53 =	vld.idx.msk [tilespmem:v7+s28+$0x0], $0xffff  }
0x333: {  	v21 =	vmul.f32 v51, v57;
	v23 =	vmul.f32 v28, v31;
	v28 =	vshll.u32 v52, $0x10;
	v31 =	vld.idx.msk [tilespmem:v8+s28+$0x0], $0xffff  }
0x334: {  	v47 =	vmul.f32 v49, v47;
	v44 =	vmul.f32 v28, v44;
	v28 =	vshll.u32 v36, $0x10;
	v49 =	vld.idx.msk [tilespmem:v3+s28+$0x0], $0xffff  }
0x335: {  	v51 =	vmul.f32 v27, v58;
	v55 =	vmul.f32 v59, v32;
	v27 =	vshll.u32 v37, $0x10;
	v57 =	vld.idx.msk [tilespmem:v4+s28+$0x0], $0xffff  }
0x336: {  	v38 =	vmul.f32 v56, v38;
	v58 =	vld.idx.msk [tilespmem:v18+s29+$0x0], $0xffff;
	v18 =	vmul.f32 v27, v28;
	v28 =	vshll.u32 v33, $0x10  }
0x337: {  	v52 =	vmul.f32 v52, v60;
	v59 =	vmul.f32 v37, v36;
	v56 =	vld.idx.msk [tilespmem:v16+s29+$0x0], $0xffff;
	v16 =	vshll.u32 v35, $0x10  }
0x338: {  	v60 =	vmul.f32 v35, v33;
	v32 =	vshll.u32 v53, $0x10;
	v27 =	vld.idx.msk [tilespmem:v17+s29+$0x0], $0xffff;
	v17 =	vmul.f32 v16, v28  }
0x339: {  	v16 =	vadd.f32 v21, v25;
	v21 =	vmul.f32 v31, v53;
	v28 =	vld.idx.msk [tilespmem:v13+s29+$0x0], $0xffff;
	v13 =	vshll.u32 v31, $0x10  }
0x33a: {  	v25 =	vadd.f32 v23, v26;
	v26 =	vshll.u32 v49, $0x10;
	v31 =	vld.idx.msk [tilespmem:v14+s29+$0x0], $0xffff;
	v23 =	vmul.f32 v13, v32  }
0x33b: {  	v14 =	vadd.f32 v47, v48;
	v47 =	vmul.f32 v57, v49;
	v32 =	vld.idx.msk [tilespmem:v15+s29+$0x0], $0xffff;
	v15 =	vshll.u32 v57, $0x10  }
0x33c: {  	v13 =	vadd.f32 v44, v30;
	v48 =	vshll.u32 v58, $0x10;
	v36 =	vld.idx.msk [tilespmem:v9+s29+$0x0], $0xffff;
	v9 =	vmul.f32 v15, v26  }
0x33d: {  	v44 =	vshll.u32 v56, $0x10;
	v15 =	vadd.f32 v18, v29;
	v29 =	vadd.f32 v17, v40;
	v37 =	vld.idx.msk [tilespmem:v11+s29+$0x0], $0xffff  }
0x33e: {  	v30 =	vadd.f32 v23, v61;
	v40 =	vshll.u32 v27, $0x10;
	v11 =	vld.idx.msk [tilespmem:v12+s29+$0x0], $0xffff;
	v17 =	vadd.f32 v9, v41  }
0x33f: {  	v23 =	vadd.f32 v51, v24;
	v18 =	vadd.f32 v20, v22;
	v12 =	vshll.u32 v28, $0x10;
	v9 =	vld.idx.msk [tilespmem:v10+s29+$0x0], $0xffff  }
0x340: {  	v35 =	vadd.f32 v55, v45;
	v26 =	vadd.f32 v38, v34;
	v38 =	vshll.u32 v31, $0x10;
	v10 =	vld.idx.msk [tilespmem:v5+s29+$0x0], $0xffff  }
0x341: {  	v33 =	vadd.f32 v52, v39;
	v34 =	vadd.f32 v59, v46;
	v45 =	vshll.u32 v32, $0x10;
	v6 =	vld.idx.msk [tilespmem:v6+s29+$0x0], $0xffff  }
.Ltmp9:
0x342: {  	v21 =	vadd.f32 v21, v43;
	v24 =	vadd.f32 v60, v50;
	v46 =	vshll.u32 v36, $0x10;
	v7 =	vld.idx.msk [tilespmem:v7+s29+$0x0], $0xffff;
	(pc) =	sbr.rel @p0 .LBB2_19-.Ltmp9, $4  }
0x343: {  	v22 =	vadd.f32 v47, v42;
	v20 =	vadd.f32 v19, v54;
	v43 =	vshll.u32 v37, $0x10;
	v5 =	vld.idx.msk [tilespmem:v8+s29+$0x0], $0xffff  }
0x344: {  	v41 =	vmul.f32 v44, v48;
	v39 =	vmul.f32 v12, v40;
	v19 =	vshll.u32 v11, $0x10;
	v8 =	vld.idx.msk [tilespmem:v3+s29+$0x0], $0xffff  }
0x345: {  	v40 =	vmul.f32 v45, v38;
	v12 =	vmul.f32 v43, v46;
	v42 =	vshll.u32 v9, $0x10;
	v3 =	vld.idx.msk [tilespmem:v4+s29+$0x0], $0xffff  }
0x346: {  	s20 =	sadd.s32 $0x50, s20;
	v38 =	vmul.f32 v56, v58;
	v4 =	vmul.f32 v42, v19;
	v19 =	vshll.u32 v10, $0x10  }
0x347: {  	v42 =	vshll.u32 v6, $0x10;
	v48 =	vshll.u32 v7, $0x10;
	v16 =	vadd.f32 v41, v16  }
0x348: {  	v25 =	vadd.f32 v39, v25;
	v14 =	vadd.f32 v40, v14;
	v51 =	vmul.f32 v28, v27  }
0x349: {  	v12 =	vadd.f32 v12, v13;
	v54 =	vmul.f32 v32, v31;
	v55 =	vmul.f32 v37, v36  }
0x34a: {  	v2 =	vadd.f32 v2, v18;
	v9 =	vmul.f32 v9, v11;
	v57 =	vmul.f32 v6, v10  }
0x34b: {  	v1 =	vadd.f32 v1, v20;
	v19 =	vmul.f32 v42, v19;
	v4 =	vadd.f32 v4, v15  }
0x34c: {  	v43 =	vshll.u32 v5, $0x10;
	v23 =	vadd.f32 v38, v23;
	v13 =	vadd.f32 v51, v35  }
0x34d: {  	v59 =	vmul.f32 v5, v7;
	v56 =	vadd.f32 v54, v26;
	v58 =	vadd.f32 v55, v33  }
0x34e: {  	v42 =	vmul.f32 v43, v48;
	v60 =	vadd.f32 v9, v34;
	v1 =	vadd.f32 v2, v1  }
0x34f: {  	v49 =	vshll.u32 v8, $0x10;
	v6 =	vadd.f32 v57, v24;
	v16 =	vadd.f32 v16, v23  }
0x350: {  	v50 =	vshll.u32 v3, $0x10;
	v52 =	vadd.f32 v19, v29;
	v13 =	vadd.f32 v25, v13;
	[tilespmem:s14+$0xFFFFF830] =	vst v1  }
0x351: {  	v3 =	vmul.f32 v3, v8;
	v5 =	vadd.f32 v59, v21;
	v61 =	vadd.f32 v14, v56;
	[tilespmem:s16+$0xFFFFF7F0] =	vst v16  }
0x352: {  	v39 =	vmul.f32 v50, v49;
	v53 =	vadd.f32 v42, v30;
	v4 =	vadd.f32 v4, v60;
	[tilespmem:s16+$0xFFFFFFC0] =	vst v13  }
0x353: {  	s11 =	sadd.s32 $0x1, s11;
	v62 =	vadd.f32 v12, v58;
	v3 =	vadd.f32 v3, v22;
	[tilespmem:s16+$0xFFFFF800] =	vst v61  }
0x354: {  	p0 =	sne.s32 s11, $0xA;
	v6 =	vadd.f32 v52, v6;
	v17 =	vadd.f32 v39, v17;
	[tilespmem:s14+$0xFFFFF810] =	vst v4  }
.Ltmp10:
0x355: {  	s12 =	sadd.s32 s17, s12;
	v63 =	vadd.f32 v53, v5;
	[tilespmem:s14+$0xFFFFFFD0] =	vst v62;
	(pc) =	sbr.rel @p0 .LBB2_12-.Ltmp10, $4  }
0x356: {  	s12 =	sshll.u32 s12, $0x3;
	[tilespmem:s14+$0xFFFFFFE0] =	vst v6;
	v3 =	vadd.f32 v17, v3  }
0x357: {  	s12 =	sand.u32 $0x3FFFFFF8, s12;
	[tilespmem:s14+$0xFFFFF820] =	vst v63  }
0x358: {  	s12 =	sadd.s32 $0x17700, s12;
	[tilespmem:s14+$0xFFFFFFF0] =	vst v3  }
0x359: {  	[spmem:s3] =	stream.indirect.scatter.add.f32 [tilespmem:s8], [sflag:$0x4], $0x7D0, s12, s30, $0xb8;
	[tilespmem:$0x1C660] =	vst v63  }
0x35a: {  	_ =	swait.ge [sflag:s9], $0xFA0  }
0x35b: {  	[sflag:s9] =	ssyncset.done $0x0  }
0x35c: {  	[sflag:s9] =	ssyncadd.s32 $0xFFFFF060  }
0x35d: {  	_ =	swait.ge [sflag:s7], $0xFA0  }
0x35e: {  	[sflag:s7] =	ssyncset.done $0x0  }
0x35f: {  	[sflag:s7] =	ssyncadd.s32 $0xFFFFF060  }
0x360: {  	s14 =	simm.s32 $0x17840;
	[bflag:$0x0] =	sbarrier.arrive $0xFFFF  }
0x361: {  	[tilespmem:s14], [sflag:$0x5] =	stream.linear.gather [spmem:s15], $0x2710, $0x38;
	[tilespmem:$0x1C660] =	vst v63  }
0x362: {  	_ =	swait.ge [sflag:s21], $0x2710  }
0x363: {  	[sflag:s21] =	ssyncset.done $0x0  }
0x364: {  	s11 =	rddreg [dreg:$0xd];
	[sflag:s21] =	ssyncadd.s32 $0xFFFFD8F0  }
0x365: {  	[hbm4b:s11+s4] =	stream.linear.scatter [tilespmem:s14], [sflag:$0x5], $0x2710, $0x38;
	[tilespmem:$0x1C660] =	vst v63  }
0x366: {  	_ =	swait.ge [sflag:s21], $0x2710  }
0x367: {  	s10 =	sadd.s32 $0x1, s10;
	s31 =	rddreg [dreg:$0xe]  }
0x368: {  	p0 =	sne.s32 s10, s31  }
.Ltmp11:
0x369: {  	_ = 	snop;
	(pc) =	sbr.rel @p0 .LBB2_1-.Ltmp11, $3  }
0x36a: {  	_ =	sdelay $0x1  }
0x36b: {  	[sflag:s21] =	ssyncset.done $0x0  }
0x36c: {  	[sflag:s21] =	ssyncadd.s32 $0xFFFFD8F0  }
0x36d: {  	_ =	sfence.sel $0x180000  }
0x36e: {  	[bflag:$0x0] =	sbarrier.arrive $0xFFFF  }
0x36f: {  	_ =	strace $0x90000047  }
0x370: {  	s0 =	stileid.u32;
	[bflag:$0x2] =	sbarrier.arrive $0xFFFF  }
0x371: {  	p0 =	sne.s32 s0, $0x0;
	s0 =	rddreg [dreg:$0x3]  }
0x372: {  	s0 =	sadd.s32 @!p0 $0x100000, s0  }
0x373: {  	[sflag:s0] =	ssyncadd.tile.s32 @!p0 $0x1;
	_ =	shalt  }
.Lfunc_end2:
_tile_overlayer_lowered:
.L_overlay_start_2:
0x374: {  	(tag) =	ssettag $0x2  }
0x375: {  	s0 =	rddreg [dreg:$0x0];
	s2 =	stileid.u32  }
0x376: {  	s1 =	rddreg [dreg:$0x1];
	p0 =	sne.s32 s2, $0x0  }
0x377: {  	s3 =	rddreg [dreg:$0x2];
	[bflag:$0x3] =	sbarrier.arrive $0xFFFF;
	s2 =	simm.s32 @!p0 $0x1C05  }
0x378: {  	[timem:s3], [sflag:s2] =	dma.local @!p0 [hbm:s0], s1  }
0x379: {  	s0 =	simm.s32 @!p0 $0x5  }
0x37a: {  	_ =	swait.ge @!p0 [sflag:s0], s1  }
0x37b: {  	s1 =	ssub.s32 @!p0 $0x0, s1;
	[sflag:s0] =	ssyncset.done @!p0 $0x0  }
0x37c: {  	[sflag:s0] =	ssyncadd.s32 @!p0 s1  }
0x37d: {  	[bflag:$0x3] =	sbarrier.arrive $0xFFFF  }
0x37e: {  	_ =	shalt  }

</sc_bundles>
